<compile_context>
chip_gen: v7x
topology: tpu7x:2x2x1
jax: 0.10.2.dev20260603
libtpu: 0.0.44.dev20260713+nightly
codegen_flags: <defaults>
</compile_context>

<pallas_src>
import jax
import jax.numpy as jnp
from jax import lax
from jax.experimental import pallas as pl
from jax.experimental.pallas import tpu as pltpu
from jax.experimental.pallas import tpu_sc as plsc

VOCAB = 256
D = 64
B = 4096
N = 200

LANES = 128
TAIL = N - LANES
GB = 16
TCH = GB * TAIL // LANES

NUM_CORES = 2
NUM_SUBCORES = 16
NW = NUM_CORES * NUM_SUBCORES

NB_PER_W = B // NW
NGRP = NB_PER_W // GB
NCHUNK = NB_PER_W + NGRP * TCH
NBUF = 6

_PIECES = []
for _t in range(TCH):
    _pieces, _pos, _left = [], _t * LANES, LANES
    while _left:
        _b, _off = divmod(_pos, TAIL)
        _ln = min(TAIL - _off, _left)
        _pieces.append((_b, LANES - _left, _off, _ln))
        _pos += _ln
        _left -= _ln
    _PIECES.append(tuple(_pieces))


def _scale_body(t_ref, o_ref):
    o_ref[...] = jnp.concatenate(
        [t_ref[...] * (D ** 0.5), jnp.zeros((VOCAB, LANES - D), jnp.float32)],
        axis=1,
    )


def _scale_pad_table(table):
    return pl.pallas_call(
        _scale_body,
        out_shape=jax.ShapeDtypeStruct((VOCAB, LANES), jnp.float32),
    )(table)


def _sc_body(table_hbm, idx_hbm, out_hbm, table_v, idx_v, rows_v, gsem, ssem):
    wid = lax.axis_index("s") * NUM_CORES + lax.axis_index("c")
    sid = lax.axis_index("s")
    b0 = wid * NB_PER_W

    @pl.when(sid == 0)
    def _():
        pltpu.sync_copy(table_hbm, table_v)

    plsc.subcore_barrier()
    pltpu.sync_copy(idx_hbm.at[pl.ds(wid * NCHUNK, NCHUNK)], idx_v)

    def start_gather(c, m):
        pltpu.async_copy(table_v.at[idx_v.at[c]], rows_v.at[m], gsem.at[m])

    def wait_gather(c, m):
        pltpu.make_async_copy(
            table_v.at[idx_v.at[c]], rows_v.at[m], gsem.at[m]
        ).wait()

    def wait_scatter(m):
        pltpu.make_async_copy(
            rows_v.at[m], out_hbm.at[b0, pl.ds(0, LANES)], ssem.at[m]
        ).wait()

    def prefetch(c):
        nc = c + 3
        mn = lax.rem(nc, NBUF)

        @pl.when(nc < NCHUNK)
        def _():
            @pl.when(nc >= NBUF)
            def _():
                wait_scatter(mn)

            start_gather(nc, mn)

    start_gather(0, 0)
    start_gather(1, 1)
    start_gather(2, 2)

    def head_step(c, carry):
        m = lax.rem(c, NBUF)
        wait_gather(c, m)
        pltpu.async_copy(
            rows_v.at[m], out_hbm.at[b0 + c, pl.ds(0, LANES)], ssem.at[m]
        )
        prefetch(c)
        return carry

    lax.fori_loop(0, NB_PER_W, head_step, 0)

    def tail_group(g, carry):
        gb = b0 + g * GB
        for t in range(TCH):
            c = NB_PER_W + g * TCH + t
            m = lax.rem(c, NBUF)
            wait_gather(c, m)
            for b_i, so, no, ln in _PIECES[t]:
                pltpu.async_copy(
                    rows_v.at[m, pl.ds(so, ln)],
                    out_hbm.at[gb + b_i, pl.ds(LANES + no, ln)],
                    ssem.at[m],
                )
            prefetch(c)
        return carry

    lax.fori_loop(0, NGRP, tail_group, 0)

    for _m in range(NBUF):
        wait_scatter(_m)


@jax.jit
def kernel(indices, embedding_matrix):
    table = _scale_pad_table(embedding_matrix.astype(jnp.float32))
    idx32 = indices.astype(jnp.int32)
    heads = idx32[:, :LANES].reshape(NW, NB_PER_W, LANES)
    tails = idx32[:, LANES:].reshape(NW, NGRP * TCH, LANES)
    idx = jnp.concatenate([heads, tails], axis=1).reshape(NW * NCHUNK, LANES)

    mesh = plsc.VectorSubcoreMesh(core_axis_name="c", subcore_axis_name="s")
    out = pl.kernel(
        _sc_body,
        out_type=jax.ShapeDtypeStruct((B, N, LANES), jnp.float32),
        mesh=mesh,
        scratch_types=[
            pltpu.VMEM_SHARED((VOCAB, LANES), jnp.float32),
            pltpu.VMEM((NCHUNK, LANES), jnp.int32),
            pltpu.VMEM((NBUF, LANES, LANES), jnp.float32),
            pltpu.SemaphoreType.DMA((NBUF,)),
            pltpu.SemaphoreType.DMA((NBUF,)),
        ],
    )(table, idx)
    return out[:, :, :D]

# --- scband reference (transcript-rebuilt; emitter-appended) ---
"""Pipeline reference for scband-token-embedding-37383395345072 (READ-ONLY COPY).

The authoritative reference and input builder live on the scoring server;
editing this copy changes nothing except your own understanding.
"""

import jax, jax.numpy as jnp
import numpy as np

VOCAB = 256  # 253 user tokens + <START>, <END>, <PAD>
D = 64
B = 4096
N = 200

def setup_inputs(seed: int = 0) -> dict:
    key = jax.random.key(seed)
    k1, k2 = jax.random.split(key)
    indices = jax.random.randint(k1, (B, N), 0, VOCAB, dtype=jnp.int64 if jax.config.jax_enable_x64 else jnp.int32)
    embedding_matrix = jax.random.normal(k2, (VOCAB, D), dtype=jnp.float32)
    return {"indices": indices, "embedding_matrix": embedding_matrix}

def reference(indices, embedding_matrix):
    # unscaled = self.embedding_matrix[indices, :]
    unscaled = jnp.take(embedding_matrix, indices, axis=0)
    # return unscaled * self.d ** 0.5
    return unscaled * (D ** 0.5)

if __name__ == "__main__":
    import jax
    _d = setup_inputs()
    print(jax.jit(kernel)(*tuple(_d.values())))

</pallas_src>

<mosaic_0001>
#map = affine_map<(d0, d1) -> (0, 0)>
#map1 = affine_map<(d0, d1) -> (0, 0, 0)>
module attributes {stable_mosaic.version = 14 : i64} {
  func.func @_sc_body(%arg0: i32, %arg1: i32, %arg2: memref<256x128xf32, #tpu.memory_space<hbm>>, %arg3: memref<6400x128xi32, #tpu.memory_space<hbm>>, %arg4: memref<4096x200x128xf32, #tpu.memory_space<hbm>>, %arg5: memref<256x128xf32, #tpu.memory_space<vmem_shared>>, %arg6: memref<200x128xi32, #tpu.memory_space<vmem>>, %arg7: memref<6x128x128xf32, #tpu.memory_space<vmem>>, %arg8: memref<6x!tpu.dma_semaphore, #tpu.memory_space<semaphore_mem>>, %arg9: memref<6x!tpu.dma_semaphore, #tpu.memory_space<semaphore_mem>>) attributes {dimension_semantics = [#tpu.dimension_semantics<core_parallel>, #tpu.dimension_semantics<subcore_parallel>], iteration_bounds = array<i64: 2, 16>, scalar_prefetch = 0 : i64, scratch_operands = 5 : i64, tpu.core_type = #tpu.core_type<sc_vector_subcore>, window_params = [{transform_indices = #map}, {transform_indices = #map}, {transform_indices = #map1}]} {
    %mul3A = arith.constant 2 : i32
    %mul3A_0 = arith.muli %arg1, %mul3A : i32
    %add3A = arith.addi %mul3A_0, %arg0 : i32
    %mul3A_1 = arith.constant 128 : i32
    %mul3A_2 = arith.muli %add3A, %mul3A_1 : i32
    %eq3A = arith.constant 0 : i32
    %eq3A_3 = arith.cmpi eq, %arg1, %eq3A : i32
    %convert_element_type3A = arith.extui %eq3A_3 : i1 to i32
    %cond3A = arith.constant 0 : i32
    %cond3A_4 = arith.cmpi ne, %convert_element_type3A, %cond3A : i32
    scf.if %cond3A_4 {
      "tpu.region"() ({
        %run_scoped3A = tpu.sem_alloc : memref<!tpu.dma_semaphore, #tpu.memory_space<semaphore_mem>>
        tpu.enqueue_dma source(%arg2 : memref<256x128xf32, #tpu.memory_space<hbm>>) target(%arg5 : memref<256x128xf32, #tpu.memory_space<vmem_shared>>) target_semaphore(%run_scoped3A : memref<!tpu.dma_semaphore, #tpu.memory_space<semaphore_mem>>)
        tpu.wait_dma2 semaphore(%run_scoped3A : memref<!tpu.dma_semaphore, #tpu.memory_space<semaphore_mem>>) src(%arg2 : memref<256x128xf32, #tpu.memory_space<hbm>>) dst(%arg5 : memref<256x128xf32, #tpu.memory_space<vmem_shared>>)
        tpu.yield
      }) : () -> ()
    } else {
    }
    %barrier3A = arith.constant 0 : index
    tpu.barrier barrier_id(%barrier3A)
    %mul3A_5 = arith.constant 200 : i32
    %mul3A_6 = arith.muli %add3A, %mul3A_5 : i32
    "tpu.region"() ({
      %run_scoped3A = tpu.sem_alloc : memref<!tpu.dma_semaphore, #tpu.memory_space<semaphore_mem>>
      %dma_start3A_181 = arith.constant 0 : i32
      %dma_start3A_182 = tpu.memref_slice %arg3[%mul3A_6, %dma_start3A_181] : memref<6400x128xi32, #tpu.memory_space<hbm>> -> memref<200x128xi32, #tpu.memory_space<hbm>>
      %dma_start3A_183 = arith.constant 0 : i32
      %dma_start3A_184 = tpu.memref_slice %arg3[%mul3A_6, %dma_start3A_183] : memref<6400x128xi32, #tpu.memory_space<hbm>> -> memref<200x128xi32, #tpu.memory_space<hbm>>
      tpu.enqueue_dma source(%dma_start3A_184 : memref<200x128xi32, #tpu.memory_space<hbm>>) target(%arg6 : memref<200x128xi32, #tpu.memory_space<vmem>>) target_semaphore(%run_scoped3A : memref<!tpu.dma_semaphore, #tpu.memory_space<semaphore_mem>>)
      %dma_wait3A_185 = arith.constant 0 : i32
      %dma_wait3A_186 = tpu.memref_slice %arg3[%mul3A_6, %dma_wait3A_185] : memref<6400x128xi32, #tpu.memory_space<hbm>> -> memref<200x128xi32, #tpu.memory_space<hbm>>
      %dma_wait3A_187 = arith.constant 0 : i32
      %dma_wait3A_188 = tpu.memref_slice %arg3[%mul3A_6, %dma_wait3A_187] : memref<6400x128xi32, #tpu.memory_space<hbm>> -> memref<200x128xi32, #tpu.memory_space<hbm>>
      tpu.wait_dma2 semaphore(%run_scoped3A : memref<!tpu.dma_semaphore, #tpu.memory_space<semaphore_mem>>) src(%dma_wait3A_188 : memref<200x128xi32, #tpu.memory_space<hbm>>) dst(%arg6 : memref<200x128xi32, #tpu.memory_space<vmem>>)
      tpu.yield
    }) : () -> ()
    %dma_start3A = arith.constant 0 : i32
    %dma_start3A_7 = arith.constant 0 : i32
    %dma_start3A_8 = arith.constant 0 : i32
    %dma_start3A_9 = arith.constant 0 : i32
    %dma_start3A_10 = arith.constant 0 : i32
    %dma_start3A_11 = tpu.memref_slice %arg7[%dma_start3A_7, %dma_start3A_9, %dma_start3A_10] : memref<6x128x128xf32, #tpu.memory_space<vmem>> -> memref<1x128x128xf32, #tpu.memory_space<vmem>>
    %dma_start3A_12 = tpu.memref_squeeze %dma_start3A_11 : memref<1x128x128xf32, #tpu.memory_space<vmem>> -> memref<128x128xf32, #tpu.memory_space<vmem>>
    %dma_start3A_13 = arith.constant 0 : i32
    %dma_start3A_14 = tpu.memref_slice %arg6[%dma_start3A, %dma_start3A_13] : memref<200x128xi32, #tpu.memory_space<vmem>> -> memref<1x128xi32, #tpu.memory_space<vmem>>
    %dma_start3A_15 = tpu.memref_squeeze %dma_start3A_14 : memref<1x128xi32, #tpu.memory_space<vmem>> -> memref<128xi32, #tpu.memory_space<vmem>>
    %dma_start3A_16 = arith.constant 0 : i32
    %dma_start3A_17 = arith.constant 0 : i32
    %dma_start3A_18 = tpu.memref_slice %arg5[%dma_start3A_16, %dma_start3A_17] : memref<256x128xf32, #tpu.memory_space<vmem_shared>> -> memref<256x128xf32, #tpu.memory_space<vmem_shared>>
    %dma_start3A_19 = tpu.memref_slice %arg8[%dma_start3A_8] : memref<6x!tpu.dma_semaphore, #tpu.memory_space<semaphore_mem>> -> memref<1x!tpu.dma_semaphore, #tpu.memory_space<semaphore_mem>>
    %dma_start3A_20 = tpu.memref_squeeze %dma_start3A_19 : memref<1x!tpu.dma_semaphore, #tpu.memory_space<semaphore_mem>> -> memref<!tpu.dma_semaphore, #tpu.memory_space<semaphore_mem>>
    tpu.enqueue_indirect_dma source(%dma_start3A_18 : memref<256x128xf32, #tpu.memory_space<vmem_shared>>) target(%dma_start3A_12 : memref<128x128xf32, #tpu.memory_space<vmem>>) offsets(%dma_start3A_15 : memref<128xi32, #tpu.memory_space<vmem>>) semaphore(%dma_start3A_20 : memref<!tpu.dma_semaphore, #tpu.memory_space<semaphore_mem>>)
    %dma_start3A_21 = arith.constant 1 : i32
    %dma_start3A_22 = arith.constant 1 : i32
    %dma_start3A_23 = arith.constant 1 : i32
    %dma_start3A_24 = arith.constant 0 : i32
    %dma_start3A_25 = arith.constant 0 : i32
    %dma_start3A_26 = tpu.memref_slice %arg7[%dma_start3A_22, %dma_start3A_24, %dma_start3A_25] : memref<6x128x128xf32, #tpu.memory_space<vmem>> -> memref<1x128x128xf32, #tpu.memory_space<vmem>>
    %dma_start3A_27 = tpu.memref_squeeze %dma_start3A_26 : memref<1x128x128xf32, #tpu.memory_space<vmem>> -> memref<128x128xf32, #tpu.memory_space<vmem>>
    %dma_start3A_28 = arith.constant 0 : i32
    %dma_start3A_29 = tpu.memref_slice %arg6[%dma_start3A_21, %dma_start3A_28] : memref<200x128xi32, #tpu.memory_space<vmem>> -> memref<1x128xi32, #tpu.memory_space<vmem>>
    %dma_start3A_30 = tpu.memref_squeeze %dma_start3A_29 : memref<1x128xi32, #tpu.memory_space<vmem>> -> memref<128xi32, #tpu.memory_space<vmem>>
    %dma_start3A_31 = arith.constant 0 : i32
    %dma_start3A_32 = arith.constant 0 : i32
    %dma_start3A_33 = tpu.memref_slice %arg5[%dma_start3A_31, %dma_start3A_32] : memref<256x128xf32, #tpu.memory_space<vmem_shared>> -> memref<256x128xf32, #tpu.memory_space<vmem_shared>>
    %dma_start3A_34 = tpu.memref_slice %arg8[%dma_start3A_23] : memref<6x!tpu.dma_semaphore, #tpu.memory_space<semaphore_mem>> -> memref<1x!tpu.dma_semaphore, #tpu.memory_space<semaphore_mem>>
    %dma_start3A_35 = tpu.memref_squeeze %dma_start3A_34 : memref<1x!tpu.dma_semaphore, #tpu.memory_space<semaphore_mem>> -> memref<!tpu.dma_semaphore, #tpu.memory_space<semaphore_mem>>
    tpu.enqueue_indirect_dma source(%dma_start3A_33 : memref<256x128xf32, #tpu.memory_space<vmem_shared>>) target(%dma_start3A_27 : memref<128x128xf32, #tpu.memory_space<vmem>>) offsets(%dma_start3A_30 : memref<128xi32, #tpu.memory_space<vmem>>) semaphore(%dma_start3A_35 : memref<!tpu.dma_semaphore, #tpu.memory_space<semaphore_mem>>)
    %dma_start3A_36 = arith.constant 2 : i32
    %dma_start3A_37 = arith.constant 2 : i32
    %dma_start3A_38 = arith.constant 2 : i32
    %dma_start3A_39 = arith.constant 0 : i32
    %dma_start3A_40 = arith.constant 0 : i32
    %dma_start3A_41 = tpu.memref_slice %arg7[%dma_start3A_37, %dma_start3A_39, %dma_start3A_40] : memref<6x128x128xf32, #tpu.memory_space<vmem>> -> memref<1x128x128xf32, #tpu.memory_space<vmem>>
    %dma_start3A_42 = tpu.memref_squeeze %dma_start3A_41 : memref<1x128x128xf32, #tpu.memory_space<vmem>> -> memref<128x128xf32, #tpu.memory_space<vmem>>
    %dma_start3A_43 = arith.constant 0 : i32
    %dma_start3A_44 = tpu.memref_slice %arg6[%dma_start3A_36, %dma_start3A_43] : memref<200x128xi32, #tpu.memory_space<vmem>> -> memref<1x128xi32, #tpu.memory_space<vmem>>
    %dma_start3A_45 = tpu.memref_squeeze %dma_start3A_44 : memref<1x128xi32, #tpu.memory_space<vmem>> -> memref<128xi32, #tpu.memory_space<vmem>>
    %dma_start3A_46 = arith.constant 0 : i32
    %dma_start3A_47 = arith.constant 0 : i32
    %dma_start3A_48 = tpu.memref_slice %arg5[%dma_start3A_46, %dma_start3A_47] : memref<256x128xf32, #tpu.memory_space<vmem_shared>> -> memref<256x128xf32, #tpu.memory_space<vmem_shared>>
    %dma_start3A_49 = tpu.memref_slice %arg8[%dma_start3A_38] : memref<6x!tpu.dma_semaphore, #tpu.memory_space<semaphore_mem>> -> memref<1x!tpu.dma_semaphore, #tpu.memory_space<semaphore_mem>>
    %dma_start3A_50 = tpu.memref_squeeze %dma_start3A_49 : memref<1x!tpu.dma_semaphore, #tpu.memory_space<semaphore_mem>> -> memref<!tpu.dma_semaphore, #tpu.memory_space<semaphore_mem>>
    tpu.enqueue_indirect_dma source(%dma_start3A_48 : memref<256x128xf32, #tpu.memory_space<vmem_shared>>) target(%dma_start3A_42 : memref<128x128xf32, #tpu.memory_space<vmem>>) offsets(%dma_start3A_45 : memref<128xi32, #tpu.memory_space<vmem>>) semaphore(%dma_start3A_50 : memref<!tpu.dma_semaphore, #tpu.memory_space<semaphore_mem>>)
    %scan3A = arith.constant 0 : i32
    %scan3A_51 = arith.constant 0 : i32
    %scan3A_52 = arith.constant 128 : i32
    %scan3A_53 = arith.addi %scan3A_51, %scan3A_52 : i32
    %scan3A_54 = arith.constant 1 : i32
    scf.for %scan3A_181 = %scan3A_51 to %scan3A_53 step %scan3A_54  : i32 {
      %rem3A = arith.constant 6 : i32
      %rem3A_182 = arith.remsi %scan3A_181, %rem3A : i32
      %dma_wait3A_183 = arith.constant 0 : i32
      %dma_wait3A_184 = arith.constant 0 : i32
      %dma_wait3A_185 = tpu.memref_slice %arg7[%rem3A_182, %dma_wait3A_183, %dma_wait3A_184] : memref<6x128x128xf32, #tpu.memory_space<vmem>> -> memref<1x128x128xf32, #tpu.memory_space<vmem>>
      %dma_wait3A_186 = tpu.memref_squeeze %dma_wait3A_185 : memref<1x128x128xf32, #tpu.memory_space<vmem>> -> memref<128x128xf32, #tpu.memory_space<vmem>>
      %dma_wait3A_187 = arith.constant 0 : i32
      %dma_wait3A_188 = tpu.memref_slice %arg6[%scan3A_181, %dma_wait3A_187] : memref<200x128xi32, #tpu.memory_space<vmem>> -> memref<1x128xi32, #tpu.memory_space<vmem>>
      %dma_wait3A_189 = tpu.memref_squeeze %dma_wait3A_188 : memref<1x128xi32, #tpu.memory_space<vmem>> -> memref<128xi32, #tpu.memory_space<vmem>>
      %dma_wait3A_190 = arith.constant 0 : i32
      %dma_wait3A_191 = arith.constant 0 : i32
      %dma_wait3A_192 = tpu.memref_slice %arg5[%dma_wait3A_190, %dma_wait3A_191] : memref<256x128xf32, #tpu.memory_space<vmem_shared>> -> memref<256x128xf32, #tpu.memory_space<vmem_shared>>
      %dma_wait3A_193 = tpu.memref_slice %arg8[%rem3A_182] : memref<6x!tpu.dma_semaphore, #tpu.memory_space<semaphore_mem>> -> memref<1x!tpu.dma_semaphore, #tpu.memory_space<semaphore_mem>>
      %dma_wait3A_194 = tpu.memref_squeeze %dma_wait3A_193 : memref<1x!tpu.dma_semaphore, #tpu.memory_space<semaphore_mem>> -> memref<!tpu.dma_semaphore, #tpu.memory_space<semaphore_mem>>
      tpu.wait_indirect_dma semaphore(%dma_wait3A_194 : memref<!tpu.dma_semaphore, #tpu.memory_space<semaphore_mem>>) src(%dma_wait3A_192 : memref<256x128xf32, #tpu.memory_space<vmem_shared>>) dst(%dma_wait3A_186 : memref<128x128xf32, #tpu.memory_space<vmem>>)
      %add3A_195 = arith.addi %mul3A_2, %scan3A_181 : i32
      %dma_start3A_196 = arith.constant 0 : i32
      %dma_start3A_197 = arith.constant 0 : i32
      %dma_start3A_198 = tpu.memref_slice %arg7[%rem3A_182, %dma_start3A_196, %dma_start3A_197] : memref<6x128x128xf32, #tpu.memory_space<vmem>> -> memref<1x128x128xf32, #tpu.memory_space<vmem>>
      %dma_start3A_199 = tpu.memref_squeeze %dma_start3A_198 : memref<1x128x128xf32, #tpu.memory_space<vmem>> -> memref<128x128xf32, #tpu.memory_space<vmem>>
      %dma_start3A_200 = arith.constant 0 : i32
      %dma_start3A_201 = arith.constant 0 : i32
      %dma_start3A_202 = tpu.memref_slice %arg4[%add3A_195, %dma_start3A_200, %dma_start3A_201] : memref<4096x200x128xf32, #tpu.memory_space<hbm>> -> memref<1x128x128xf32, #tpu.memory_space<hbm>>
      %dma_start3A_203 = tpu.memref_squeeze %dma_start3A_202 : memref<1x128x128xf32, #tpu.memory_space<hbm>> -> memref<128x128xf32, #tpu.memory_space<hbm>>
      %dma_start3A_204 = tpu.memref_slice %arg9[%rem3A_182] : memref<6x!tpu.dma_semaphore, #tpu.memory_space<semaphore_mem>> -> memref<1x!tpu.dma_semaphore, #tpu.memory_space<semaphore_mem>>
      %dma_start3A_205 = tpu.memref_squeeze %dma_start3A_204 : memref<1x!tpu.dma_semaphore, #tpu.memory_space<semaphore_mem>> -> memref<!tpu.dma_semaphore, #tpu.memory_space<semaphore_mem>>
      %dma_start3A_206 = arith.constant 0 : i32
      %dma_start3A_207 = arith.constant 0 : i32
      %dma_start3A_208 = tpu.memref_slice %arg4[%add3A_195, %dma_start3A_206, %dma_start3A_207] : memref<4096x200x128xf32, #tpu.memory_space<hbm>> -> memref<1x128x128xf32, #tpu.memory_space<hbm>>
      %dma_start3A_209 = tpu.memref_squeeze %dma_start3A_208 : memref<1x128x128xf32, #tpu.memory_space<hbm>> -> memref<128x128xf32, #tpu.memory_space<hbm>>
      %dma_start3A_210 = arith.constant 0 : i32
      %dma_start3A_211 = arith.constant 0 : i32
      %dma_start3A_212 = tpu.memref_slice %arg7[%rem3A_182, %dma_start3A_210, %dma_start3A_211] : memref<6x128x128xf32, #tpu.memory_space<vmem>> -> memref<1x128x128xf32, #tpu.memory_space<vmem>>
      %dma_start3A_213 = tpu.memref_squeeze %dma_start3A_212 : memref<1x128x128xf32, #tpu.memory_space<vmem>> -> memref<128x128xf32, #tpu.memory_space<vmem>>
      tpu.enqueue_dma source(%dma_start3A_213 : memref<128x128xf32, #tpu.memory_space<vmem>>) target(%dma_start3A_209 : memref<128x128xf32, #tpu.memory_space<hbm>>) target_semaphore(%dma_start3A_205 : memref<!tpu.dma_semaphore, #tpu.memory_space<semaphore_mem>>)
      %add3A_214 = arith.constant 3 : i32
      %add3A_215 = arith.addi %scan3A_181, %add3A_214 : i32
      %rem3A_216 = arith.constant 6 : i32
      %rem3A_217 = arith.remsi %add3A_215, %rem3A_216 : i32
      %lt3A = arith.constant 200 : i32
      %lt3A_218 = arith.cmpi slt, %add3A_215, %lt3A : i32
      %convert_element_type3A_219 = arith.extui %lt3A_218 : i1 to i32
      %cond3A_220 = arith.constant 0 : i32
      %cond3A_221 = arith.cmpi ne, %convert_element_type3A_219, %cond3A_220 : i32
      scf.if %cond3A_221 {
        %ge3A = arith.constant 6 : i32
        %ge3A_222 = arith.cmpi sge, %add3A_215, %ge3A : i32
        %convert_element_type3A_223 = arith.extui %ge3A_222 : i1 to i32
        %cond3A_224 = arith.constant 0 : i32
        %cond3A_225 = arith.cmpi ne, %convert_element_type3A_223, %cond3A_224 : i32
        scf.if %cond3A_225 {
          %dma_wait3A_238 = arith.constant 0 : i32
          %dma_wait3A_239 = arith.constant 0 : i32
          %dma_wait3A_240 = tpu.memref_slice %arg7[%rem3A_217, %dma_wait3A_238, %dma_wait3A_239] : memref<6x128x128xf32, #tpu.memory_space<vmem>> -> memref<1x128x128xf32, #tpu.memory_space<vmem>>
          %dma_wait3A_241 = tpu.memref_squeeze %dma_wait3A_240 : memref<1x128x128xf32, #tpu.memory_space<vmem>> -> memref<128x128xf32, #tpu.memory_space<vmem>>
          %dma_wait3A_242 = arith.constant 0 : i32
          %dma_wait3A_243 = arith.constant 0 : i32
          %dma_wait3A_244 = tpu.memref_slice %arg4[%mul3A_2, %dma_wait3A_242, %dma_wait3A_243] : memref<4096x200x128xf32, #tpu.memory_space<hbm>> -> memref<1x128x128xf32, #tpu.memory_space<hbm>>
          %dma_wait3A_245 = tpu.memref_squeeze %dma_wait3A_244 : memref<1x128x128xf32, #tpu.memory_space<hbm>> -> memref<128x128xf32, #tpu.memory_space<hbm>>
          %dma_wait3A_246 = tpu.memref_slice %arg9[%rem3A_217] : memref<6x!tpu.dma_semaphore, #tpu.memory_space<semaphore_mem>> -> memref<1x!tpu.dma_semaphore, #tpu.memory_space<semaphore_mem>>
          %dma_wait3A_247 = tpu.memref_squeeze %dma_wait3A_246 : memref<1x!tpu.dma_semaphore, #tpu.memory_space<semaphore_mem>> -> memref<!tpu.dma_semaphore, #tpu.memory_space<semaphore_mem>>
          %dma_wait3A_248 = arith.constant 0 : i32
          %dma_wait3A_249 = arith.constant 0 : i32
          %dma_wait3A_250 = tpu.memref_slice %arg4[%mul3A_2, %dma_wait3A_248, %dma_wait3A_249] : memref<4096x200x128xf32, #tpu.memory_space<hbm>> -> memref<1x128x128xf32, #tpu.memory_space<hbm>>
          %dma_wait3A_251 = tpu.memref_squeeze %dma_wait3A_250 : memref<1x128x128xf32, #tpu.memory_space<hbm>> -> memref<128x128xf32, #tpu.memory_space<hbm>>
          %dma_wait3A_252 = arith.constant 0 : i32
          %dma_wait3A_253 = arith.constant 0 : i32
          %dma_wait3A_254 = tpu.memref_slice %arg7[%rem3A_217, %dma_wait3A_252, %dma_wait3A_253] : memref<6x128x128xf32, #tpu.memory_space<vmem>> -> memref<1x128x128xf32, #tpu.memory_space<vmem>>
          %dma_wait3A_255 = tpu.memref_squeeze %dma_wait3A_254 : memref<1x128x128xf32, #tpu.memory_space<vmem>> -> memref<128x128xf32, #tpu.memory_space<vmem>>
          tpu.wait_dma2 semaphore(%dma_wait3A_247 : memref<!tpu.dma_semaphore, #tpu.memory_space<semaphore_mem>>) src(%dma_wait3A_255 : memref<128x128xf32, #tpu.memory_space<vmem>>) dst(%dma_wait3A_251 : memref<128x128xf32, #tpu.memory_space<hbm>>)
        } else {
        }
        %dma_start3A_226 = arith.constant 0 : i32
        %dma_start3A_227 = arith.constant 0 : i32
        %dma_start3A_228 = tpu.memref_slice %arg7[%rem3A_217, %dma_start3A_226, %dma_start3A_227] : memref<6x128x128xf32, #tpu.memory_space<vmem>> -> memref<1x128x128xf32, #tpu.memory_space<vmem>>
        %dma_start3A_229 = tpu.memref_squeeze %dma_start3A_228 : memref<1x128x128xf32, #tpu.memory_space<vmem>> -> memref<128x128xf32, #tpu.memory_space<vmem>>
        %dma_start3A_230 = arith.constant 0 : i32
        %dma_start3A_231 = tpu.memref_slice %arg6[%add3A_215, %dma_start3A_230] : memref<200x128xi32, #tpu.memory_space<vmem>> -> memref<1x128xi32, #tpu.memory_space<vmem>>
        %dma_start3A_232 = tpu.memref_squeeze %dma_start3A_231 : memref<1x128xi32, #tpu.memory_space<vmem>> -> memref<128xi32, #tpu.memory_space<vmem>>
        %dma_start3A_233 = arith.constant 0 : i32
        %dma_start3A_234 = arith.constant 0 : i32
        %dma_start3A_235 = tpu.memref_slice %arg5[%dma_start3A_233, %dma_start3A_234] : memref<256x128xf32, #tpu.memory_space<vmem_shared>> -> memref<256x128xf32, #tpu.memory_space<vmem_shared>>
        %dma_start3A_236 = tpu.memref_slice %arg8[%rem3A_217] : memref<6x!tpu.dma_semaphore, #tpu.memory_space<semaphore_mem>> -> memref<1x!tpu.dma_semaphore, #tpu.memory_space<semaphore_mem>>
        %dma_start3A_237 = tpu.memref_squeeze %dma_start3A_236 : memref<1x!tpu.dma_semaphore, #tpu.memory_space<semaphore_mem>> -> memref<!tpu.dma_semaphore, #tpu.memory_space<semaphore_mem>>
        tpu.enqueue_indirect_dma source(%dma_start3A_235 : memref<256x128xf32, #tpu.memory_space<vmem_shared>>) target(%dma_start3A_229 : memref<128x128xf32, #tpu.memory_space<vmem>>) offsets(%dma_start3A_232 : memref<128xi32, #tpu.memory_space<vmem>>) semaphore(%dma_start3A_237 : memref<!tpu.dma_semaphore, #tpu.memory_space<semaphore_mem>>)
      } else {
      }
    }
    %scan3A_55 = arith.constant 128 : i32
    %scan3A_56 = arith.constant 0 : i32
    %scan3A_57 = arith.constant 0 : i32
    %scan3A_58 = arith.constant 8 : i32
    %scan3A_59 = arith.addi %scan3A_57, %scan3A_58 : i32
    %scan3A_60 = arith.constant 1 : i32
    scf.for %scan3A_181 = %scan3A_57 to %scan3A_59 step %scan3A_60  : i32 {
      %mul3A_182 = arith.constant 16 : i32
      %mul3A_183 = arith.muli %scan3A_181, %mul3A_182 : i32
      %add3A_184 = arith.addi %mul3A_2, %mul3A_183 : i32
      %mul3A_185 = arith.constant 9 : i32
      %mul3A_186 = arith.muli %scan3A_181, %mul3A_185 : i32
      %add3A_187 = arith.constant 128 : i32
      %add3A_188 = arith.addi %add3A_187, %mul3A_186 : i32
      %add3A_189 = arith.constant 0 : i32
      %add3A_190 = arith.addi %add3A_188, %add3A_189 : i32
      %rem3A = arith.constant 6 : i32
      %rem3A_191 = arith.remsi %add3A_190, %rem3A : i32
      %dma_wait3A_192 = arith.constant 0 : i32
      %dma_wait3A_193 = arith.constant 0 : i32
      %dma_wait3A_194 = tpu.memref_slice %arg7[%rem3A_191, %dma_wait3A_192, %dma_wait3A_193] : memref<6x128x128xf32, #tpu.memory_space<vmem>> -> memref<1x128x128xf32, #tpu.memory_space<vmem>>
      %dma_wait3A_195 = tpu.memref_squeeze %dma_wait3A_194 : memref<1x128x128xf32, #tpu.memory_space<vmem>> -> memref<128x128xf32, #tpu.memory_space<vmem>>
      %dma_wait3A_196 = arith.constant 0 : i32
      %dma_wait3A_197 = tpu.memref_slice %arg6[%add3A_190, %dma_wait3A_196] : memref<200x128xi32, #tpu.memory_space<vmem>> -> memref<1x128xi32, #tpu.memory_space<vmem>>
      %dma_wait3A_198 = tpu.memref_squeeze %dma_wait3A_197 : memref<1x128xi32, #tpu.memory_space<vmem>> -> memref<128xi32, #tpu.memory_space<vmem>>
      %dma_wait3A_199 = arith.constant 0 : i32
      %dma_wait3A_200 = arith.constant 0 : i32
      %dma_wait3A_201 = tpu.memref_slice %arg5[%dma_wait3A_199, %dma_wait3A_200] : memref<256x128xf32, #tpu.memory_space<vmem_shared>> -> memref<256x128xf32, #tpu.memory_space<vmem_shared>>
      %dma_wait3A_202 = tpu.memref_slice %arg8[%rem3A_191] : memref<6x!tpu.dma_semaphore, #tpu.memory_space<semaphore_mem>> -> memref<1x!tpu.dma_semaphore, #tpu.memory_space<semaphore_mem>>
      %dma_wait3A_203 = tpu.memref_squeeze %dma_wait3A_202 : memref<1x!tpu.dma_semaphore, #tpu.memory_space<semaphore_mem>> -> memref<!tpu.dma_semaphore, #tpu.memory_space<semaphore_mem>>
      tpu.wait_indirect_dma semaphore(%dma_wait3A_203 : memref<!tpu.dma_semaphore, #tpu.memory_space<semaphore_mem>>) src(%dma_wait3A_201 : memref<256x128xf32, #tpu.memory_space<vmem_shared>>) dst(%dma_wait3A_195 : memref<128x128xf32, #tpu.memory_space<vmem>>)
      %add3A_204 = arith.constant 0 : i32
      %add3A_205 = arith.addi %add3A_184, %add3A_204 : i32
      %dma_start3A_206 = arith.constant 0 : i32
      %dma_start3A_207 = arith.constant 0 : i32
      %dma_start3A_208 = tpu.memref_slice %arg7[%rem3A_191, %dma_start3A_206, %dma_start3A_207] : memref<6x128x128xf32, #tpu.memory_space<vmem>> -> memref<1x72x128xf32, #tpu.memory_space<vmem>>
      %dma_start3A_209 = tpu.memref_squeeze %dma_start3A_208 : memref<1x72x128xf32, #tpu.memory_space<vmem>> -> memref<72x128xf32, #tpu.memory_space<vmem>>
      %dma_start3A_210 = arith.constant 128 : i32
      %dma_start3A_211 = arith.constant 0 : i32
      %dma_start3A_212 = tpu.memref_slice %arg4[%add3A_205, %dma_start3A_210, %dma_start3A_211] : memref<4096x200x128xf32, #tpu.memory_space<hbm>> -> memref<1x72x128xf32, #tpu.memory_space<hbm>>
      %dma_start3A_213 = tpu.memref_squeeze %dma_start3A_212 : memref<1x72x128xf32, #tpu.memory_space<hbm>> -> memref<72x128xf32, #tpu.memory_space<hbm>>
      %dma_start3A_214 = tpu.memref_slice %arg9[%rem3A_191] : memref<6x!tpu.dma_semaphore, #tpu.memory_space<semaphore_mem>> -> memref<1x!tpu.dma_semaphore, #tpu.memory_space<semaphore_mem>>
      %dma_start3A_215 = tpu.memref_squeeze %dma_start3A_214 : memref<1x!tpu.dma_semaphore, #tpu.memory_space<semaphore_mem>> -> memref<!tpu.dma_semaphore, #tpu.memory_space<semaphore_mem>>
      %dma_start3A_216 = arith.constant 128 : i32
      %dma_start3A_217 = arith.constant 0 : i32
      %dma_start3A_218 = tpu.memref_slice %arg4[%add3A_205, %dma_start3A_216, %dma_start3A_217] : memref<4096x200x128xf32, #tpu.memory_space<hbm>> -> memref<1x72x128xf32, #tpu.memory_space<hbm>>
      %dma_start3A_219 = tpu.memref_squeeze %dma_start3A_218 : memref<1x72x128xf32, #tpu.memory_space<hbm>> -> memref<72x128xf32, #tpu.memory_space<hbm>>
      %dma_start3A_220 = arith.constant 0 : i32
      %dma_start3A_221 = arith.constant 0 : i32
      %dma_start3A_222 = tpu.memref_slice %arg7[%rem3A_191, %dma_start3A_220, %dma_start3A_221] : memref<6x128x128xf32, #tpu.memory_space<vmem>> -> memref<1x72x128xf32, #tpu.memory_space<vmem>>
      %dma_start3A_223 = tpu.memref_squeeze %dma_start3A_222 : memref<1x72x128xf32, #tpu.memory_space<vmem>> -> memref<72x128xf32, #tpu.memory_space<vmem>>
      tpu.enqueue_dma source(%dma_start3A_223 : memref<72x128xf32, #tpu.memory_space<vmem>>) target(%dma_start3A_219 : memref<72x128xf32, #tpu.memory_space<hbm>>) target_semaphore(%dma_start3A_215 : memref<!tpu.dma_semaphore, #tpu.memory_space<semaphore_mem>>)
      %add3A_224 = arith.constant 1 : i32
      %add3A_225 = arith.addi %add3A_184, %add3A_224 : i32
      %dma_start3A_226 = arith.constant 72 : i32
      %dma_start3A_227 = arith.constant 0 : i32
      %dma_start3A_228 = tpu.memref_slice %arg7[%rem3A_191, %dma_start3A_226, %dma_start3A_227] : memref<6x128x128xf32, #tpu.memory_space<vmem>> -> memref<1x56x128xf32, #tpu.memory_space<vmem>>
      %dma_start3A_229 = tpu.memref_squeeze %dma_start3A_228 : memref<1x56x128xf32, #tpu.memory_space<vmem>> -> memref<56x128xf32, #tpu.memory_space<vmem>>
      %dma_start3A_230 = arith.constant 128 : i32
      %dma_start3A_231 = arith.constant 0 : i32
      %dma_start3A_232 = tpu.memref_slice %arg4[%add3A_225, %dma_start3A_230, %dma_start3A_231] : memref<4096x200x128xf32, #tpu.memory_space<hbm>> -> memref<1x56x128xf32, #tpu.memory_space<hbm>>
      %dma_start3A_233 = tpu.memref_squeeze %dma_start3A_232 : memref<1x56x128xf32, #tpu.memory_space<hbm>> -> memref<56x128xf32, #tpu.memory_space<hbm>>
      %dma_start3A_234 = tpu.memref_slice %arg9[%rem3A_191] : memref<6x!tpu.dma_semaphore, #tpu.memory_space<semaphore_mem>> -> memref<1x!tpu.dma_semaphore, #tpu.memory_space<semaphore_mem>>
      %dma_start3A_235 = tpu.memref_squeeze %dma_start3A_234 : memref<1x!tpu.dma_semaphore, #tpu.memory_space<semaphore_mem>> -> memref<!tpu.dma_semaphore, #tpu.memory_space<semaphore_mem>>
      %dma_start3A_236 = arith.constant 128 : i32
      %dma_start3A_237 = arith.constant 0 : i32
      %dma_start3A_238 = tpu.memref_slice %arg4[%add3A_225, %dma_start3A_236, %dma_start3A_237] : memref<4096x200x128xf32, #tpu.memory_space<hbm>> -> memref<1x56x128xf32, #tpu.memory_space<hbm>>
      %dma_start3A_239 = tpu.memref_squeeze %dma_start3A_238 : memref<1x56x128xf32, #tpu.memory_space<hbm>> -> memref<56x128xf32, #tpu.memory_space<hbm>>
      %dma_start3A_240 = arith.constant 72 : i32
      %dma_start3A_241 = arith.constant 0 : i32
      %dma_start3A_242 = tpu.memref_slice %arg7[%rem3A_191, %dma_start3A_240, %dma_start3A_241] : memref<6x128x128xf32, #tpu.memory_space<vmem>> -> memref<1x56x128xf32, #tpu.memory_space<vmem>>
      %dma_start3A_243 = tpu.memref_squeeze %dma_start3A_242 : memref<1x56x128xf32, #tpu.memory_space<vmem>> -> memref<56x128xf32, #tpu.memory_space<vmem>>
      tpu.enqueue_dma source(%dma_start3A_243 : memref<56x128xf32, #tpu.memory_space<vmem>>) target(%dma_start3A_239 : memref<56x128xf32, #tpu.memory_space<hbm>>) target_semaphore(%dma_start3A_235 : memref<!tpu.dma_semaphore, #tpu.memory_space<semaphore_mem>>)
      %add3A_244 = arith.constant 3 : i32
      %add3A_245 = arith.addi %add3A_190, %add3A_244 : i32
      %rem3A_246 = arith.constant 6 : i32
      %rem3A_247 = arith.remsi %add3A_245, %rem3A_246 : i32
      %lt3A = arith.constant 200 : i32
      %lt3A_248 = arith.cmpi slt, %add3A_245, %lt3A : i32
      %convert_element_type3A_249 = arith.extui %lt3A_248 : i1 to i32
      %cond3A_250 = arith.constant 0 : i32
      %cond3A_251 = arith.cmpi ne, %convert_element_type3A_249, %cond3A_250 : i32
      scf.if %cond3A_251 {
        %ge3A = arith.constant 6 : i32
        %ge3A_924 = arith.cmpi sge, %add3A_245, %ge3A : i32
        %convert_element_type3A_925 = arith.extui %ge3A_924 : i1 to i32
        %cond3A_926 = arith.constant 0 : i32
        %cond3A_927 = arith.cmpi ne, %convert_element_type3A_925, %cond3A_926 : i32
        scf.if %cond3A_927 {
          %dma_wait3A_940 = arith.constant 0 : i32
          %dma_wait3A_941 = arith.constant 0 : i32
          %dma_wait3A_942 = tpu.memref_slice %arg7[%rem3A_247, %dma_wait3A_940, %dma_wait3A_941] : memref<6x128x128xf32, #tpu.memory_space<vmem>> -> memref<1x128x128xf32, #tpu.memory_space<vmem>>
          %dma_wait3A_943 = tpu.memref_squeeze %dma_wait3A_942 : memref<1x128x128xf32, #tpu.memory_space<vmem>> -> memref<128x128xf32, #tpu.memory_space<vmem>>
          %dma_wait3A_944 = arith.constant 0 : i32
          %dma_wait3A_945 = arith.constant 0 : i32
          %dma_wait3A_946 = tpu.memref_slice %arg4[%mul3A_2, %dma_wait3A_944, %dma_wait3A_945] : memref<4096x200x128xf32, #tpu.memory_space<hbm>> -> memref<1x128x128xf32, #tpu.memory_space<hbm>>
          %dma_wait3A_947 = tpu.memref_squeeze %dma_wait3A_946 : memref<1x128x128xf32, #tpu.memory_space<hbm>> -> memref<128x128xf32, #tpu.memory_space<hbm>>
          %dma_wait3A_948 = tpu.memref_slice %arg9[%rem3A_247] : memref<6x!tpu.dma_semaphore, #tpu.memory_space<semaphore_mem>> -> memref<1x!tpu.dma_semaphore, #tpu.memory_space<semaphore_mem>>
          %dma_wait3A_949 = tpu.memref_squeeze %dma_wait3A_948 : memref<1x!tpu.dma_semaphore, #tpu.memory_space<semaphore_mem>> -> memref<!tpu.dma_semaphore, #tpu.memory_space<semaphore_mem>>
          %dma_wait3A_950 = arith.constant 0 : i32
          %dma_wait3A_951 = arith.constant 0 : i32
          %dma_wait3A_952 = tpu.memref_slice %arg4[%mul3A_2, %dma_wait3A_950, %dma_wait3A_951] : memref<4096x200x128xf32, #tpu.memory_space<hbm>> -> memref<1x128x128xf32, #tpu.memory_space<hbm>>
          %dma_wait3A_953 = tpu.memref_squeeze %dma_wait3A_952 : memref<1x128x128xf32, #tpu.memory_space<hbm>> -> memref<128x128xf32, #tpu.memory_space<hbm>>
          %dma_wait3A_954 = arith.constant 0 : i32
          %dma_wait3A_955 = arith.constant 0 : i32
          %dma_wait3A_956 = tpu.memref_slice %arg7[%rem3A_247, %dma_wait3A_954, %dma_wait3A_955] : memref<6x128x128xf32, #tpu.memory_space<vmem>> -> memref<1x128x128xf32, #tpu.memory_space<vmem>>
          %dma_wait3A_957 = tpu.memref_squeeze %dma_wait3A_956 : memref<1x128x128xf32, #tpu.memory_space<vmem>> -> memref<128x128xf32, #tpu.memory_space<vmem>>
          tpu.wait_dma2 semaphore(%dma_wait3A_949 : memref<!tpu.dma_semaphore, #tpu.memory_space<semaphore_mem>>) src(%dma_wait3A_957 : memref<128x128xf32, #tpu.memory_space<vmem>>) dst(%dma_wait3A_953 : memref<128x128xf32, #tpu.memory_space<hbm>>)
        } else {
        }
        %dma_start3A_928 = arith.constant 0 : i32
        %dma_start3A_929 = arith.constant 0 : i32
        %dma_start3A_930 = tpu.memref_slice %arg7[%rem3A_247, %dma_start3A_928, %dma_start3A_929] : memref<6x128x128xf32, #tpu.memory_space<vmem>> -> memref<1x128x128xf32, #tpu.memory_space<vmem>>
        %dma_start3A_931 = tpu.memref_squeeze %dma_start3A_930 : memref<1x128x128xf32, #tpu.memory_space<vmem>> -> memref<128x128xf32, #tpu.memory_space<vmem>>
        %dma_start3A_932 = arith.constant 0 : i32
        %dma_start3A_933 = tpu.memref_slice %arg6[%add3A_245, %dma_start3A_932] : memref<200x128xi32, #tpu.memory_space<vmem>> -> memref<1x128xi32, #tpu.memory_space<vmem>>
        %dma_start3A_934 = tpu.memref_squeeze %dma_start3A_933 : memref<1x128xi32, #tpu.memory_space<vmem>> -> memref<128xi32, #tpu.memory_space<vmem>>
        %dma_start3A_935 = arith.constant 0 : i32
        %dma_start3A_936 = arith.constant 0 : i32
        %dma_start3A_937 = tpu.memref_slice %arg5[%dma_start3A_935, %dma_start3A_936] : memref<256x128xf32, #tpu.memory_space<vmem_shared>> -> memref<256x128xf32, #tpu.memory_space<vmem_shared>>
        %dma_start3A_938 = tpu.memref_slice %arg8[%rem3A_247] : memref<6x!tpu.dma_semaphore, #tpu.memory_space<semaphore_mem>> -> memref<1x!tpu.dma_semaphore, #tpu.memory_space<semaphore_mem>>
        %dma_start3A_939 = tpu.memref_squeeze %dma_start3A_938 : memref<1x!tpu.dma_semaphore, #tpu.memory_space<semaphore_mem>> -> memref<!tpu.dma_semaphore, #tpu.memory_space<semaphore_mem>>
        tpu.enqueue_indirect_dma source(%dma_start3A_937 : memref<256x128xf32, #tpu.memory_space<vmem_shared>>) target(%dma_start3A_931 : memref<128x128xf32, #tpu.memory_space<vmem>>) offsets(%dma_start3A_934 : memref<128xi32, #tpu.memory_space<vmem>>) semaphore(%dma_start3A_939 : memref<!tpu.dma_semaphore, #tpu.memory_space<semaphore_mem>>)
      } else {
      }
      %mul3A_252 = arith.constant 9 : i32
      %mul3A_253 = arith.muli %scan3A_181, %mul3A_252 : i32
      %add3A_254 = arith.constant 128 : i32
      %add3A_255 = arith.addi %add3A_254, %mul3A_253 : i32
      %add3A_256 = arith.constant 1 : i32
      %add3A_257 = arith.addi %add3A_255, %add3A_256 : i32
      %rem3A_258 = arith.constant 6 : i32
      %rem3A_259 = arith.remsi %add3A_257, %rem3A_258 : i32
      %dma_wait3A_260 = arith.constant 0 : i32
      %dma_wait3A_261 = arith.constant 0 : i32
      %dma_wait3A_262 = tpu.memref_slice %arg7[%rem3A_259, %dma_wait3A_260, %dma_wait3A_261] : memref<6x128x128xf32, #tpu.memory_space<vmem>> -> memref<1x128x128xf32, #tpu.memory_space<vmem>>
      %dma_wait3A_263 = tpu.memref_squeeze %dma_wait3A_262 : memref<1x128x128xf32, #tpu.memory_space<vmem>> -> memref<128x128xf32, #tpu.memory_space<vmem>>
      %dma_wait3A_264 = arith.constant 0 : i32
      %dma_wait3A_265 = tpu.memref_slice %arg6[%add3A_257, %dma_wait3A_264] : memref<200x128xi32, #tpu.memory_space<vmem>> -> memref<1x128xi32, #tpu.memory_space<vmem>>
      %dma_wait3A_266 = tpu.memref_squeeze %dma_wait3A_265 : memref<1x128xi32, #tpu.memory_space<vmem>> -> memref<128xi32, #tpu.memory_space<vmem>>
      %dma_wait3A_267 = arith.constant 0 : i32
      %dma_wait3A_268 = arith.constant 0 : i32
      %dma_wait3A_269 = tpu.memref_slice %arg5[%dma_wait3A_267, %dma_wait3A_268] : memref<256x128xf32, #tpu.memory_space<vmem_shared>> -> memref<256x128xf32, #tpu.memory_space<vmem_shared>>
      %dma_wait3A_270 = tpu.memref_slice %arg8[%rem3A_259] : memref<6x!tpu.dma_semaphore, #tpu.memory_space<semaphore_mem>> -> memref<1x!tpu.dma_semaphore, #tpu.memory_space<semaphore_mem>>
      %dma_wait3A_271 = tpu.memref_squeeze %dma_wait3A_270 : memref<1x!tpu.dma_semaphore, #tpu.memory_space<semaphore_mem>> -> memref<!tpu.dma_semaphore, #tpu.memory_space<semaphore_mem>>
      tpu.wait_indirect_dma semaphore(%dma_wait3A_271 : memref<!tpu.dma_semaphore, #tpu.memory_space<semaphore_mem>>) src(%dma_wait3A_269 : memref<256x128xf32, #tpu.memory_space<vmem_shared>>) dst(%dma_wait3A_263 : memref<128x128xf32, #tpu.memory_space<vmem>>)
      %add3A_272 = arith.constant 1 : i32
      %add3A_273 = arith.addi %add3A_184, %add3A_272 : i32
      %dma_start3A_274 = arith.constant 0 : i32
      %dma_start3A_275 = arith.constant 0 : i32
      %dma_start3A_276 = tpu.memref_slice %arg7[%rem3A_259, %dma_start3A_274, %dma_start3A_275] : memref<6x128x128xf32, #tpu.memory_space<vmem>> -> memref<1x16x128xf32, #tpu.memory_space<vmem>>
      %dma_start3A_277 = tpu.memref_squeeze %dma_start3A_276 : memref<1x16x128xf32, #tpu.memory_space<vmem>> -> memref<16x128xf32, #tpu.memory_space<vmem>>
      %dma_start3A_278 = arith.constant 184 : i32
      %dma_start3A_279 = arith.constant 0 : i32
      %dma_start3A_280 = tpu.memref_slice %arg4[%add3A_273, %dma_start3A_278, %dma_start3A_279] : memref<4096x200x128xf32, #tpu.memory_space<hbm>> -> memref<1x16x128xf32, #tpu.memory_space<hbm>>
      %dma_start3A_281 = tpu.memref_squeeze %dma_start3A_280 : memref<1x16x128xf32, #tpu.memory_space<hbm>> -> memref<16x128xf32, #tpu.memory_space<hbm>>
      %dma_start3A_282 = tpu.memref_slice %arg9[%rem3A_259] : memref<6x!tpu.dma_semaphore, #tpu.memory_space<semaphore_mem>> -> memref<1x!tpu.dma_semaphore, #tpu.memory_space<semaphore_mem>>
      %dma_start3A_283 = tpu.memref_squeeze %dma_start3A_282 : memref<1x!tpu.dma_semaphore, #tpu.memory_space<semaphore_mem>> -> memref<!tpu.dma_semaphore, #tpu.memory_space<semaphore_mem>>
      %dma_start3A_284 = arith.constant 184 : i32
      %dma_start3A_285 = arith.constant 0 : i32
      %dma_start3A_286 = tpu.memref_slice %arg4[%add3A_273, %dma_start3A_284, %dma_start3A_285] : memref<4096x200x128xf32, #tpu.memory_space<hbm>> -> memref<1x16x128xf32, #tpu.memory_space<hbm>>
      %dma_start3A_287 = tpu.memref_squeeze %dma_start3A_286 : memref<1x16x128xf32, #tpu.memory_space<hbm>> -> memref<16x128xf32, #tpu.memory_space<hbm>>
      %dma_start3A_288 = arith.constant 0 : i32
      %dma_start3A_289 = arith.constant 0 : i32
      %dma_start3A_290 = tpu.memref_slice %arg7[%rem3A_259, %dma_start3A_288, %dma_start3A_289] : memref<6x128x128xf32, #tpu.memory_space<vmem>> -> memref<1x16x128xf32, #tpu.memory_space<vmem>>
      %dma_start3A_291 = tpu.memref_squeeze %dma_start3A_290 : memref<1x16x128xf32, #tpu.memory_space<vmem>> -> memref<16x128xf32, #tpu.memory_space<vmem>>
      tpu.enqueue_dma source(%dma_start3A_291 : memref<16x128xf32, #tpu.memory_space<vmem>>) target(%dma_start3A_287 : memref<16x128xf32, #tpu.memory_space<hbm>>) target_semaphore(%dma_start3A_283 : memref<!tpu.dma_semaphore, #tpu.memory_space<semaphore_mem>>)
      %add3A_292 = arith.constant 2 : i32
      %add3A_293 = arith.addi %add3A_184, %add3A_292 : i32
      %dma_start3A_294 = arith.constant 16 : i32
      %dma_start3A_295 = arith.constant 0 : i32
      %dma_start3A_296 = tpu.memref_slice %arg7[%rem3A_259, %dma_start3A_294, %dma_start3A_295] : memref<6x128x128xf32, #tpu.memory_space<vmem>> -> memref<1x72x128xf32, #tpu.memory_space<vmem>>
      %dma_start3A_297 = tpu.memref_squeeze %dma_start3A_296 : memref<1x72x128xf32, #tpu.memory_space<vmem>> -> memref<72x128xf32, #tpu.memory_space<vmem>>
      %dma_start3A_298 = arith.constant 128 : i32
      %dma_start3A_299 = arith.constant 0 : i32
      %dma_start3A_300 = tpu.memref_slice %arg4[%add3A_293, %dma_start3A_298, %dma_start3A_299] : memref<4096x200x128xf32, #tpu.memory_space<hbm>> -> memref<1x72x128xf32, #tpu.memory_space<hbm>>
      %dma_start3A_301 = tpu.memref_squeeze %dma_start3A_300 : memref<1x72x128xf32, #tpu.memory_space<hbm>> -> memref<72x128xf32, #tpu.memory_space<hbm>>
      %dma_start3A_302 = tpu.memref_slice %arg9[%rem3A_259] : memref<6x!tpu.dma_semaphore, #tpu.memory_space<semaphore_mem>> -> memref<1x!tpu.dma_semaphore, #tpu.memory_space<semaphore_mem>>
      %dma_start3A_303 = tpu.memref_squeeze %dma_start3A_302 : memref<1x!tpu.dma_semaphore, #tpu.memory_space<semaphore_mem>> -> memref<!tpu.dma_semaphore, #tpu.memory_space<semaphore_mem>>
      %dma_start3A_304 = arith.constant 128 : i32
      %dma_start3A_305 = arith.constant 0 : i32
      %dma_start3A_306 = tpu.memref_slice %arg4[%add3A_293, %dma_start3A_304, %dma_start3A_305] : memref<4096x200x128xf32, #tpu.memory_space<hbm>> -> memref<1x72x128xf32, #tpu.memory_space<hbm>>
      %dma_start3A_307 = tpu.memref_squeeze %dma_start3A_306 : memref<1x72x128xf32, #tpu.memory_space<hbm>> -> memref<72x128xf32, #tpu.memory_space<hbm>>
      %dma_start3A_308 = arith.constant 16 : i32
      %dma_start3A_309 = arith.constant 0 : i32
      %dma_start3A_310 = tpu.memref_slice %arg7[%rem3A_259, %dma_start3A_308, %dma_start3A_309] : memref<6x128x128xf32, #tpu.memory_space<vmem>> -> memref<1x72x128xf32, #tpu.memory_space<vmem>>
      %dma_start3A_311 = tpu.memref_squeeze %dma_start3A_310 : memref<1x72x128xf32, #tpu.memory_space<vmem>> -> memref<72x128xf32, #tpu.memory_space<vmem>>
      tpu.enqueue_dma source(%dma_start3A_311 : memref<72x128xf32, #tpu.memory_space<vmem>>) target(%dma_start3A_307 : memref<72x128xf32, #tpu.memory_space<hbm>>) target_semaphore(%dma_start3A_303 : memref<!tpu.dma_semaphore, #tpu.memory_space<semaphore_mem>>)
      %add3A_312 = arith.constant 3 : i32
      %add3A_313 = arith.addi %add3A_184, %add3A_312 : i32
      %dma_start3A_314 = arith.constant 88 : i32
      %dma_start3A_315 = arith.constant 0 : i32
      %dma_start3A_316 = tpu.memref_slice %arg7[%rem3A_259, %dma_start3A_314, %dma_start3A_315] : memref<6x128x128xf32, #tpu.memory_space<vmem>> -> memref<1x40x128xf32, #tpu.memory_space<vmem>>
      %dma_start3A_317 = tpu.memref_squeeze %dma_start3A_316 : memref<1x40x128xf32, #tpu.memory_space<vmem>> -> memref<40x128xf32, #tpu.memory_space<vmem>>
      %dma_start3A_318 = arith.constant 128 : i32
      %dma_start3A_319 = arith.constant 0 : i32
      %dma_start3A_320 = tpu.memref_slice %arg4[%add3A_313, %dma_start3A_318, %dma_start3A_319] : memref<4096x200x128xf32, #tpu.memory_space<hbm>> -> memref<1x40x128xf32, #tpu.memory_space<hbm>>
      %dma_start3A_321 = tpu.memref_squeeze %dma_start3A_320 : memref<1x40x128xf32, #tpu.memory_space<hbm>> -> memref<40x128xf32, #tpu.memory_space<hbm>>
      %dma_start3A_322 = tpu.memref_slice %arg9[%rem3A_259] : memref<6x!tpu.dma_semaphore, #tpu.memory_space<semaphore_mem>> -> memref<1x!tpu.dma_semaphore, #tpu.memory_space<semaphore_mem>>
      %dma_start3A_323 = tpu.memref_squeeze %dma_start3A_322 : memref<1x!tpu.dma_semaphore, #tpu.memory_space<semaphore_mem>> -> memref<!tpu.dma_semaphore, #tpu.memory_space<semaphore_mem>>
      %dma_start3A_324 = arith.constant 128 : i32
      %dma_start3A_325 = arith.constant 0 : i32
      %dma_start3A_326 = tpu.memref_slice %arg4[%add3A_313, %dma_start3A_324, %dma_start3A_325] : memref<4096x200x128xf32, #tpu.memory_space<hbm>> -> memref<1x40x128xf32, #tpu.memory_space<hbm>>
      %dma_start3A_327 = tpu.memref_squeeze %dma_start3A_326 : memref<1x40x128xf32, #tpu.memory_space<hbm>> -> memref<40x128xf32, #tpu.memory_space<hbm>>
      %dma_start3A_328 = arith.constant 88 : i32
      %dma_start3A_329 = arith.constant 0 : i32
      %dma_start3A_330 = tpu.memref_slice %arg7[%rem3A_259, %dma_start3A_328, %dma_start3A_329] : memref<6x128x128xf32, #tpu.memory_space<vmem>> -> memref<1x40x128xf32, #tpu.memory_space<vmem>>
      %dma_start3A_331 = tpu.memref_squeeze %dma_start3A_330 : memref<1x40x128xf32, #tpu.memory_space<vmem>> -> memref<40x128xf32, #tpu.memory_space<vmem>>
      tpu.enqueue_dma source(%dma_start3A_331 : memref<40x128xf32, #tpu.memory_space<vmem>>) target(%dma_start3A_327 : memref<40x128xf32, #tpu.memory_space<hbm>>) target_semaphore(%dma_start3A_323 : memref<!tpu.dma_semaphore, #tpu.memory_space<semaphore_mem>>)
      %add3A_332 = arith.constant 3 : i32
      %add3A_333 = arith.addi %add3A_257, %add3A_332 : i32
      %rem3A_334 = arith.constant 6 : i32
      %rem3A_335 = arith.remsi %add3A_333, %rem3A_334 : i32
      %lt3A_336 = arith.constant 200 : i32
      %lt3A_337 = arith.cmpi slt, %add3A_333, %lt3A_336 : i32
      %convert_element_type3A_338 = arith.extui %lt3A_337 : i1 to i32
      %cond3A_339 = arith.constant 0 : i32
      %cond3A_340 = arith.cmpi ne, %convert_element_type3A_338, %cond3A_339 : i32
      scf.if %cond3A_340 {
        %ge3A = arith.constant 6 : i32
        %ge3A_924 = arith.cmpi sge, %add3A_333, %ge3A : i32
        %convert_element_type3A_925 = arith.extui %ge3A_924 : i1 to i32
        %cond3A_926 = arith.constant 0 : i32
        %cond3A_927 = arith.cmpi ne, %convert_element_type3A_925, %cond3A_926 : i32
        scf.if %cond3A_927 {
          %dma_wait3A_940 = arith.constant 0 : i32
          %dma_wait3A_941 = arith.constant 0 : i32
          %dma_wait3A_942 = tpu.memref_slice %arg7[%rem3A_335, %dma_wait3A_940, %dma_wait3A_941] : memref<6x128x128xf32, #tpu.memory_space<vmem>> -> memref<1x128x128xf32, #tpu.memory_space<vmem>>
          %dma_wait3A_943 = tpu.memref_squeeze %dma_wait3A_942 : memref<1x128x128xf32, #tpu.memory_space<vmem>> -> memref<128x128xf32, #tpu.memory_space<vmem>>
          %dma_wait3A_944 = arith.constant 0 : i32
          %dma_wait3A_945 = arith.constant 0 : i32
          %dma_wait3A_946 = tpu.memref_slice %arg4[%mul3A_2, %dma_wait3A_944, %dma_wait3A_945] : memref<4096x200x128xf32, #tpu.memory_space<hbm>> -> memref<1x128x128xf32, #tpu.memory_space<hbm>>
          %dma_wait3A_947 = tpu.memref_squeeze %dma_wait3A_946 : memref<1x128x128xf32, #tpu.memory_space<hbm>> -> memref<128x128xf32, #tpu.memory_space<hbm>>
          %dma_wait3A_948 = tpu.memref_slice %arg9[%rem3A_335] : memref<6x!tpu.dma_semaphore, #tpu.memory_space<semaphore_mem>> -> memref<1x!tpu.dma_semaphore, #tpu.memory_space<semaphore_mem>>
          %dma_wait3A_949 = tpu.memref_squeeze %dma_wait3A_948 : memref<1x!tpu.dma_semaphore, #tpu.memory_space<semaphore_mem>> -> memref<!tpu.dma_semaphore, #tpu.memory_space<semaphore_mem>>
          %dma_wait3A_950 = arith.constant 0 : i32
          %dma_wait3A_951 = arith.constant 0 : i32
          %dma_wait3A_952 = tpu.memref_slice %arg4[%mul3A_2, %dma_wait3A_950, %dma_wait3A_951] : memref<4096x200x128xf32, #tpu.memory_space<hbm>> -> memref<1x128x128xf32, #tpu.memory_space<hbm>>
          %dma_wait3A_953 = tpu.memref_squeeze %dma_wait3A_952 : memref<1x128x128xf32, #tpu.memory_space<hbm>> -> memref<128x128xf32, #tpu.memory_space<hbm>>
          %dma_wait3A_954 = arith.constant 0 : i32
          %dma_wait3A_955 = arith.constant 0 : i32
          %dma_wait3A_956 = tpu.memref_slice %arg7[%rem3A_335, %dma_wait3A_954, %dma_wait3A_955] : memref<6x128x128xf32, #tpu.memory_space<vmem>> -> memref<1x128x128xf32, #tpu.memory_space<vmem>>
          %dma_wait3A_957 = tpu.memref_squeeze %dma_wait3A_956 : memref<1x128x128xf32, #tpu.memory_space<vmem>> -> memref<128x128xf32, #tpu.memory_space<vmem>>
          tpu.wait_dma2 semaphore(%dma_wait3A_949 : memref<!tpu.dma_semaphore, #tpu.memory_space<semaphore_mem>>) src(%dma_wait3A_957 : memref<128x128xf32, #tpu.memory_space<vmem>>) dst(%dma_wait3A_953 : memref<128x128xf32, #tpu.memory_space<hbm>>)
        } else {
        }
        %dma_start3A_928 = arith.constant 0 : i32
        %dma_start3A_929 = arith.constant 0 : i32
        %dma_start3A_930 = tpu.memref_slice %arg7[%rem3A_335, %dma_start3A_928, %dma_start3A_929] : memref<6x128x128xf32, #tpu.memory_space<vmem>> -> memref<1x128x128xf32, #tpu.memory_space<vmem>>
        %dma_start3A_931 = tpu.memref_squeeze %dma_start3A_930 : memref<1x128x128xf32, #tpu.memory_space<vmem>> -> memref<128x128xf32, #tpu.memory_space<vmem>>
        %dma_start3A_932 = arith.constant 0 : i32
        %dma_start3A_933 = tpu.memref_slice %arg6[%add3A_333, %dma_start3A_932] : memref<200x128xi32, #tpu.memory_space<vmem>> -> memref<1x128xi32, #tpu.memory_space<vmem>>
        %dma_start3A_934 = tpu.memref_squeeze %dma_start3A_933 : memref<1x128xi32, #tpu.memory_space<vmem>> -> memref<128xi32, #tpu.memory_space<vmem>>
        %dma_start3A_935 = arith.constant 0 : i32
        %dma_start3A_936 = arith.constant 0 : i32
        %dma_start3A_937 = tpu.memref_slice %arg5[%dma_start3A_935, %dma_start3A_936] : memref<256x128xf32, #tpu.memory_space<vmem_shared>> -> memref<256x128xf32, #tpu.memory_space<vmem_shared>>
        %dma_start3A_938 = tpu.memref_slice %arg8[%rem3A_335] : memref<6x!tpu.dma_semaphore, #tpu.memory_space<semaphore_mem>> -> memref<1x!tpu.dma_semaphore, #tpu.memory_space<semaphore_mem>>
        %dma_start3A_939 = tpu.memref_squeeze %dma_start3A_938 : memref<1x!tpu.dma_semaphore, #tpu.memory_space<semaphore_mem>> -> memref<!tpu.dma_semaphore, #tpu.memory_space<semaphore_mem>>
        tpu.enqueue_indirect_dma source(%dma_start3A_937 : memref<256x128xf32, #tpu.memory_space<vmem_shared>>) target(%dma_start3A_931 : memref<128x128xf32, #tpu.memory_space<vmem>>) offsets(%dma_start3A_934 : memref<128xi32, #tpu.memory_space<vmem>>) semaphore(%dma_start3A_939 : memref<!tpu.dma_semaphore, #tpu.memory_space<semaphore_mem>>)
      } else {
      }
      %mul3A_341 = arith.constant 9 : i32
      %mul3A_342 = arith.muli %scan3A_181, %mul3A_341 : i32
      %add3A_343 = arith.constant 128 : i32
      %add3A_344 = arith.addi %add3A_343, %mul3A_342 : i32
      %add3A_345 = arith.constant 2 : i32
      %add3A_346 = arith.addi %add3A_344, %add3A_345 : i32
      %rem3A_347 = arith.constant 6 : i32
      %rem3A_348 = arith.remsi %add3A_346, %rem3A_347 : i32
      %dma_wait3A_349 = arith.constant 0 : i32
      %dma_wait3A_350 = arith.constant 0 : i32
      %dma_wait3A_351 = tpu.memref_slice %arg7[%rem3A_348, %dma_wait3A_349, %dma_wait3A_350] : memref<6x128x128xf32, #tpu.memory_space<vmem>> -> memref<1x128x128xf32, #tpu.memory_space<vmem>>
      %dma_wait3A_352 = tpu.memref_squeeze %dma_wait3A_351 : memref<1x128x128xf32, #tpu.memory_space<vmem>> -> memref<128x128xf32, #tpu.memory_space<vmem>>
      %dma_wait3A_353 = arith.constant 0 : i32
      %dma_wait3A_354 = tpu.memref_slice %arg6[%add3A_346, %dma_wait3A_353] : memref<200x128xi32, #tpu.memory_space<vmem>> -> memref<1x128xi32, #tpu.memory_space<vmem>>
      %dma_wait3A_355 = tpu.memref_squeeze %dma_wait3A_354 : memref<1x128xi32, #tpu.memory_space<vmem>> -> memref<128xi32, #tpu.memory_space<vmem>>
      %dma_wait3A_356 = arith.constant 0 : i32
      %dma_wait3A_357 = arith.constant 0 : i32
      %dma_wait3A_358 = tpu.memref_slice %arg5[%dma_wait3A_356, %dma_wait3A_357] : memref<256x128xf32, #tpu.memory_space<vmem_shared>> -> memref<256x128xf32, #tpu.memory_space<vmem_shared>>
      %dma_wait3A_359 = tpu.memref_slice %arg8[%rem3A_348] : memref<6x!tpu.dma_semaphore, #tpu.memory_space<semaphore_mem>> -> memref<1x!tpu.dma_semaphore, #tpu.memory_space<semaphore_mem>>
      %dma_wait3A_360 = tpu.memref_squeeze %dma_wait3A_359 : memref<1x!tpu.dma_semaphore, #tpu.memory_space<semaphore_mem>> -> memref<!tpu.dma_semaphore, #tpu.memory_space<semaphore_mem>>
      tpu.wait_indirect_dma semaphore(%dma_wait3A_360 : memref<!tpu.dma_semaphore, #tpu.memory_space<semaphore_mem>>) src(%dma_wait3A_358 : memref<256x128xf32, #tpu.memory_space<vmem_shared>>) dst(%dma_wait3A_352 : memref<128x128xf32, #tpu.memory_space<vmem>>)
      %add3A_361 = arith.constant 3 : i32
      %add3A_362 = arith.addi %add3A_184, %add3A_361 : i32
      %dma_start3A_363 = arith.constant 0 : i32
      %dma_start3A_364 = arith.constant 0 : i32
      %dma_start3A_365 = tpu.memref_slice %arg7[%rem3A_348, %dma_start3A_363, %dma_start3A_364] : memref<6x128x128xf32, #tpu.memory_space<vmem>> -> memref<1x32x128xf32, #tpu.memory_space<vmem>>
      %dma_start3A_366 = tpu.memref_squeeze %dma_start3A_365 : memref<1x32x128xf32, #tpu.memory_space<vmem>> -> memref<32x128xf32, #tpu.memory_space<vmem>>
      %dma_start3A_367 = arith.constant 168 : i32
      %dma_start3A_368 = arith.constant 0 : i32
      %dma_start3A_369 = tpu.memref_slice %arg4[%add3A_362, %dma_start3A_367, %dma_start3A_368] : memref<4096x200x128xf32, #tpu.memory_space<hbm>> -> memref<1x32x128xf32, #tpu.memory_space<hbm>>
      %dma_start3A_370 = tpu.memref_squeeze %dma_start3A_369 : memref<1x32x128xf32, #tpu.memory_space<hbm>> -> memref<32x128xf32, #tpu.memory_space<hbm>>
      %dma_start3A_371 = tpu.memref_slice %arg9[%rem3A_348] : memref<6x!tpu.dma_semaphore, #tpu.memory_space<semaphore_mem>> -> memref<1x!tpu.dma_semaphore, #tpu.memory_space<semaphore_mem>>
      %dma_start3A_372 = tpu.memref_squeeze %dma_start3A_371 : memref<1x!tpu.dma_semaphore, #tpu.memory_space<semaphore_mem>> -> memref<!tpu.dma_semaphore, #tpu.memory_space<semaphore_mem>>
      %dma_start3A_373 = arith.constant 168 : i32
      %dma_start3A_374 = arith.constant 0 : i32
      %dma_start3A_375 = tpu.memref_slice %arg4[%add3A_362, %dma_start3A_373, %dma_start3A_374] : memref<4096x200x128xf32, #tpu.memory_space<hbm>> -> memref<1x32x128xf32, #tpu.memory_space<hbm>>
      %dma_start3A_376 = tpu.memref_squeeze %dma_start3A_375 : memref<1x32x128xf32, #tpu.memory_space<hbm>> -> memref<32x128xf32, #tpu.memory_space<hbm>>
      %dma_start3A_377 = arith.constant 0 : i32
      %dma_start3A_378 = arith.constant 0 : i32
      %dma_start3A_379 = tpu.memref_slice %arg7[%rem3A_348, %dma_start3A_377, %dma_start3A_378] : memref<6x128x128xf32, #tpu.memory_space<vmem>> -> memref<1x32x128xf32, #tpu.memory_space<vmem>>
      %dma_start3A_380 = tpu.memref_squeeze %dma_start3A_379 : memref<1x32x128xf32, #tpu.memory_space<vmem>> -> memref<32x128xf32, #tpu.memory_space<vmem>>
      tpu.enqueue_dma source(%dma_start3A_380 : memref<32x128xf32, #tpu.memory_space<vmem>>) target(%dma_start3A_376 : memref<32x128xf32, #tpu.memory_space<hbm>>) target_semaphore(%dma_start3A_372 : memref<!tpu.dma_semaphore, #tpu.memory_space<semaphore_mem>>)
      %add3A_381 = arith.constant 4 : i32
      %add3A_382 = arith.addi %add3A_184, %add3A_381 : i32
      %dma_start3A_383 = arith.constant 32 : i32
      %dma_start3A_384 = arith.constant 0 : i32
      %dma_start3A_385 = tpu.memref_slice %arg7[%rem3A_348, %dma_start3A_383, %dma_start3A_384] : memref<6x128x128xf32, #tpu.memory_space<vmem>> -> memref<1x72x128xf32, #tpu.memory_space<vmem>>
      %dma_start3A_386 = tpu.memref_squeeze %dma_start3A_385 : memref<1x72x128xf32, #tpu.memory_space<vmem>> -> memref<72x128xf32, #tpu.memory_space<vmem>>
      %dma_start3A_387 = arith.constant 128 : i32
      %dma_start3A_388 = arith.constant 0 : i32
      %dma_start3A_389 = tpu.memref_slice %arg4[%add3A_382, %dma_start3A_387, %dma_start3A_388] : memref<4096x200x128xf32, #tpu.memory_space<hbm>> -> memref<1x72x128xf32, #tpu.memory_space<hbm>>
      %dma_start3A_390 = tpu.memref_squeeze %dma_start3A_389 : memref<1x72x128xf32, #tpu.memory_space<hbm>> -> memref<72x128xf32, #tpu.memory_space<hbm>>
      %dma_start3A_391 = tpu.memref_slice %arg9[%rem3A_348] : memref<6x!tpu.dma_semaphore, #tpu.memory_space<semaphore_mem>> -> memref<1x!tpu.dma_semaphore, #tpu.memory_space<semaphore_mem>>
      %dma_start3A_392 = tpu.memref_squeeze %dma_start3A_391 : memref<1x!tpu.dma_semaphore, #tpu.memory_space<semaphore_mem>> -> memref<!tpu.dma_semaphore, #tpu.memory_space<semaphore_mem>>
      %dma_start3A_393 = arith.constant 128 : i32
      %dma_start3A_394 = arith.constant 0 : i32
      %dma_start3A_395 = tpu.memref_slice %arg4[%add3A_382, %dma_start3A_393, %dma_start3A_394] : memref<4096x200x128xf32, #tpu.memory_space<hbm>> -> memref<1x72x128xf32, #tpu.memory_space<hbm>>
      %dma_start3A_396 = tpu.memref_squeeze %dma_start3A_395 : memref<1x72x128xf32, #tpu.memory_space<hbm>> -> memref<72x128xf32, #tpu.memory_space<hbm>>
      %dma_start3A_397 = arith.constant 32 : i32
      %dma_start3A_398 = arith.constant 0 : i32
      %dma_start3A_399 = tpu.memref_slice %arg7[%rem3A_348, %dma_start3A_397, %dma_start3A_398] : memref<6x128x128xf32, #tpu.memory_space<vmem>> -> memref<1x72x128xf32, #tpu.memory_space<vmem>>
      %dma_start3A_400 = tpu.memref_squeeze %dma_start3A_399 : memref<1x72x128xf32, #tpu.memory_space<vmem>> -> memref<72x128xf32, #tpu.memory_space<vmem>>
      tpu.enqueue_dma source(%dma_start3A_400 : memref<72x128xf32, #tpu.memory_space<vmem>>) target(%dma_start3A_396 : memref<72x128xf32, #tpu.memory_space<hbm>>) target_semaphore(%dma_start3A_392 : memref<!tpu.dma_semaphore, #tpu.memory_space<semaphore_mem>>)
      %add3A_401 = arith.constant 5 : i32
      %add3A_402 = arith.addi %add3A_184, %add3A_401 : i32
      %dma_start3A_403 = arith.constant 104 : i32
      %dma_start3A_404 = arith.constant 0 : i32
      %dma_start3A_405 = tpu.memref_slice %arg7[%rem3A_348, %dma_start3A_403, %dma_start3A_404] : memref<6x128x128xf32, #tpu.memory_space<vmem>> -> memref<1x24x128xf32, #tpu.memory_space<vmem>>
      %dma_start3A_406 = tpu.memref_squeeze %dma_start3A_405 : memref<1x24x128xf32, #tpu.memory_space<vmem>> -> memref<24x128xf32, #tpu.memory_space<vmem>>
      %dma_start3A_407 = arith.constant 128 : i32
      %dma_start3A_408 = arith.constant 0 : i32
      %dma_start3A_409 = tpu.memref_slice %arg4[%add3A_402, %dma_start3A_407, %dma_start3A_408] : memref<4096x200x128xf32, #tpu.memory_space<hbm>> -> memref<1x24x128xf32, #tpu.memory_space<hbm>>
      %dma_start3A_410 = tpu.memref_squeeze %dma_start3A_409 : memref<1x24x128xf32, #tpu.memory_space<hbm>> -> memref<24x128xf32, #tpu.memory_space<hbm>>
      %dma_start3A_411 = tpu.memref_slice %arg9[%rem3A_348] : memref<6x!tpu.dma_semaphore, #tpu.memory_space<semaphore_mem>> -> memref<1x!tpu.dma_semaphore, #tpu.memory_space<semaphore_mem>>
      %dma_start3A_412 = tpu.memref_squeeze %dma_start3A_411 : memref<1x!tpu.dma_semaphore, #tpu.memory_space<semaphore_mem>> -> memref<!tpu.dma_semaphore, #tpu.memory_space<semaphore_mem>>
      %dma_start3A_413 = arith.constant 128 : i32
      %dma_start3A_414 = arith.constant 0 : i32
      %dma_start3A_415 = tpu.memref_slice %arg4[%add3A_402, %dma_start3A_413, %dma_start3A_414] : memref<4096x200x128xf32, #tpu.memory_space<hbm>> -> memref<1x24x128xf32, #tpu.memory_space<hbm>>
      %dma_start3A_416 = tpu.memref_squeeze %dma_start3A_415 : memref<1x24x128xf32, #tpu.memory_space<hbm>> -> memref<24x128xf32, #tpu.memory_space<hbm>>
      %dma_start3A_417 = arith.constant 104 : i32
      %dma_start3A_418 = arith.constant 0 : i32
      %dma_start3A_419 = tpu.memref_slice %arg7[%rem3A_348, %dma_start3A_417, %dma_start3A_418] : memref<6x128x128xf32, #tpu.memory_space<vmem>> -> memref<1x24x128xf32, #tpu.memory_space<vmem>>
      %dma_start3A_420 = tpu.memref_squeeze %dma_start3A_419 : memref<1x24x128xf32, #tpu.memory_space<vmem>> -> memref<24x128xf32, #tpu.memory_space<vmem>>
      tpu.enqueue_dma source(%dma_start3A_420 : memref<24x128xf32, #tpu.memory_space<vmem>>) target(%dma_start3A_416 : memref<24x128xf32, #tpu.memory_space<hbm>>) target_semaphore(%dma_start3A_412 : memref<!tpu.dma_semaphore, #tpu.memory_space<semaphore_mem>>)
      %add3A_421 = arith.constant 3 : i32
      %add3A_422 = arith.addi %add3A_346, %add3A_421 : i32
      %rem3A_423 = arith.constant 6 : i32
      %rem3A_424 = arith.remsi %add3A_422, %rem3A_423 : i32
      %lt3A_425 = arith.constant 200 : i32
      %lt3A_426 = arith.cmpi slt, %add3A_422, %lt3A_425 : i32
      %convert_element_type3A_427 = arith.extui %lt3A_426 : i1 to i32
      %cond3A_428 = arith.constant 0 : i32
      %cond3A_429 = arith.cmpi ne, %convert_element_type3A_427, %cond3A_428 : i32
      scf.if %cond3A_429 {
        %ge3A = arith.constant 6 : i32
        %ge3A_924 = arith.cmpi sge, %add3A_422, %ge3A : i32
        %convert_element_type3A_925 = arith.extui %ge3A_924 : i1 to i32
        %cond3A_926 = arith.constant 0 : i32
        %cond3A_927 = arith.cmpi ne, %convert_element_type3A_925, %cond3A_926 : i32
        scf.if %cond3A_927 {
          %dma_wait3A_940 = arith.constant 0 : i32
          %dma_wait3A_941 = arith.constant 0 : i32
          %dma_wait3A_942 = tpu.memref_slice %arg7[%rem3A_424, %dma_wait3A_940, %dma_wait3A_941] : memref<6x128x128xf32, #tpu.memory_space<vmem>> -> memref<1x128x128xf32, #tpu.memory_space<vmem>>
          %dma_wait3A_943 = tpu.memref_squeeze %dma_wait3A_942 : memref<1x128x128xf32, #tpu.memory_space<vmem>> -> memref<128x128xf32, #tpu.memory_space<vmem>>
          %dma_wait3A_944 = arith.constant 0 : i32
          %dma_wait3A_945 = arith.constant 0 : i32
          %dma_wait3A_946 = tpu.memref_slice %arg4[%mul3A_2, %dma_wait3A_944, %dma_wait3A_945] : memref<4096x200x128xf32, #tpu.memory_space<hbm>> -> memref<1x128x128xf32, #tpu.memory_space<hbm>>
          %dma_wait3A_947 = tpu.memref_squeeze %dma_wait3A_946 : memref<1x128x128xf32, #tpu.memory_space<hbm>> -> memref<128x128xf32, #tpu.memory_space<hbm>>
          %dma_wait3A_948 = tpu.memref_slice %arg9[%rem3A_424] : memref<6x!tpu.dma_semaphore, #tpu.memory_space<semaphore_mem>> -> memref<1x!tpu.dma_semaphore, #tpu.memory_space<semaphore_mem>>
          %dma_wait3A_949 = tpu.memref_squeeze %dma_wait3A_948 : memref<1x!tpu.dma_semaphore, #tpu.memory_space<semaphore_mem>> -> memref<!tpu.dma_semaphore, #tpu.memory_space<semaphore_mem>>
          %dma_wait3A_950 = arith.constant 0 : i32
          %dma_wait3A_951 = arith.constant 0 : i32
          %dma_wait3A_952 = tpu.memref_slice %arg4[%mul3A_2, %dma_wait3A_950, %dma_wait3A_951] : memref<4096x200x128xf32, #tpu.memory_space<hbm>> -> memref<1x128x128xf32, #tpu.memory_space<hbm>>
          %dma_wait3A_953 = tpu.memref_squeeze %dma_wait3A_952 : memref<1x128x128xf32, #tpu.memory_space<hbm>> -> memref<128x128xf32, #tpu.memory_space<hbm>>
          %dma_wait3A_954 = arith.constant 0 : i32
          %dma_wait3A_955 = arith.constant 0 : i32
          %dma_wait3A_956 = tpu.memref_slice %arg7[%rem3A_424, %dma_wait3A_954, %dma_wait3A_955] : memref<6x128x128xf32, #tpu.memory_space<vmem>> -> memref<1x128x128xf32, #tpu.memory_space<vmem>>
          %dma_wait3A_957 = tpu.memref_squeeze %dma_wait3A_956 : memref<1x128x128xf32, #tpu.memory_space<vmem>> -> memref<128x128xf32, #tpu.memory_space<vmem>>
          tpu.wait_dma2 semaphore(%dma_wait3A_949 : memref<!tpu.dma_semaphore, #tpu.memory_space<semaphore_mem>>) src(%dma_wait3A_957 : memref<128x128xf32, #tpu.memory_space<vmem>>) dst(%dma_wait3A_953 : memref<128x128xf32, #tpu.memory_space<hbm>>)
        } else {
        }
        %dma_start3A_928 = arith.constant 0 : i32
        %dma_start3A_929 = arith.constant 0 : i32
        %dma_start3A_930 = tpu.memref_slice %arg7[%rem3A_424, %dma_start3A_928, %dma_start3A_929] : memref<6x128x128xf32, #tpu.memory_space<vmem>> -> memref<1x128x128xf32, #tpu.memory_space<vmem>>
        %dma_start3A_931 = tpu.memref_squeeze %dma_start3A_930 : memref<1x128x128xf32, #tpu.memory_space<vmem>> -> memref<128x128xf32, #tpu.memory_space<vmem>>
        %dma_start3A_932 = arith.constant 0 : i32
        %dma_start3A_933 = tpu.memref_slice %arg6[%add3A_422, %dma_start3A_932] : memref<200x128xi32, #tpu.memory_space<vmem>> -> memref<1x128xi32, #tpu.memory_space<vmem>>
        %dma_start3A_934 = tpu.memref_squeeze %dma_start3A_933 : memref<1x128xi32, #tpu.memory_space<vmem>> -> memref<128xi32, #tpu.memory_space<vmem>>
        %dma_start3A_935 = arith.constant 0 : i32
        %dma_start3A_936 = arith.constant 0 : i32
        %dma_start3A_937 = tpu.memref_slice %arg5[%dma_start3A_935, %dma_start3A_936] : memref<256x128xf32, #tpu.memory_space<vmem_shared>> -> memref<256x128xf32, #tpu.memory_space<vmem_shared>>
        %dma_start3A_938 = tpu.memref_slice %arg8[%rem3A_424] : memref<6x!tpu.dma_semaphore, #tpu.memory_space<semaphore_mem>> -> memref<1x!tpu.dma_semaphore, #tpu.memory_space<semaphore_mem>>
        %dma_start3A_939 = tpu.memref_squeeze %dma_start3A_938 : memref<1x!tpu.dma_semaphore, #tpu.memory_space<semaphore_mem>> -> memref<!tpu.dma_semaphore, #tpu.memory_space<semaphore_mem>>
        tpu.enqueue_indirect_dma source(%dma_start3A_937 : memref<256x128xf32, #tpu.memory_space<vmem_shared>>) target(%dma_start3A_931 : memref<128x128xf32, #tpu.memory_space<vmem>>) offsets(%dma_start3A_934 : memref<128xi32, #tpu.memory_space<vmem>>) semaphore(%dma_start3A_939 : memref<!tpu.dma_semaphore, #tpu.memory_space<semaphore_mem>>)
      } else {
      }
      %mul3A_430 = arith.constant 9 : i32
      %mul3A_431 = arith.muli %scan3A_181, %mul3A_430 : i32
      %add3A_432 = arith.constant 128 : i32
      %add3A_433 = arith.addi %add3A_432, %mul3A_431 : i32
      %add3A_434 = arith.constant 3 : i32
      %add3A_435 = arith.addi %add3A_433, %add3A_434 : i32
      %rem3A_436 = arith.constant 6 : i32
      %rem3A_437 = arith.remsi %add3A_435, %rem3A_436 : i32
      %dma_wait3A_438 = arith.constant 0 : i32
      %dma_wait3A_439 = arith.constant 0 : i32
      %dma_wait3A_440 = tpu.memref_slice %arg7[%rem3A_437, %dma_wait3A_438, %dma_wait3A_439] : memref<6x128x128xf32, #tpu.memory_space<vmem>> -> memref<1x128x128xf32, #tpu.memory_space<vmem>>
      %dma_wait3A_441 = tpu.memref_squeeze %dma_wait3A_440 : memref<1x128x128xf32, #tpu.memory_space<vmem>> -> memref<128x128xf32, #tpu.memory_space<vmem>>
      %dma_wait3A_442 = arith.constant 0 : i32
      %dma_wait3A_443 = tpu.memref_slice %arg6[%add3A_435, %dma_wait3A_442] : memref<200x128xi32, #tpu.memory_space<vmem>> -> memref<1x128xi32, #tpu.memory_space<vmem>>
      %dma_wait3A_444 = tpu.memref_squeeze %dma_wait3A_443 : memref<1x128xi32, #tpu.memory_space<vmem>> -> memref<128xi32, #tpu.memory_space<vmem>>
      %dma_wait3A_445 = arith.constant 0 : i32
      %dma_wait3A_446 = arith.constant 0 : i32
      %dma_wait3A_447 = tpu.memref_slice %arg5[%dma_wait3A_445, %dma_wait3A_446] : memref<256x128xf32, #tpu.memory_space<vmem_shared>> -> memref<256x128xf32, #tpu.memory_space<vmem_shared>>
      %dma_wait3A_448 = tpu.memref_slice %arg8[%rem3A_437] : memref<6x!tpu.dma_semaphore, #tpu.memory_space<semaphore_mem>> -> memref<1x!tpu.dma_semaphore, #tpu.memory_space<semaphore_mem>>
      %dma_wait3A_449 = tpu.memref_squeeze %dma_wait3A_448 : memref<1x!tpu.dma_semaphore, #tpu.memory_space<semaphore_mem>> -> memref<!tpu.dma_semaphore, #tpu.memory_space<semaphore_mem>>
      tpu.wait_indirect_dma semaphore(%dma_wait3A_449 : memref<!tpu.dma_semaphore, #tpu.memory_space<semaphore_mem>>) src(%dma_wait3A_447 : memref<256x128xf32, #tpu.memory_space<vmem_shared>>) dst(%dma_wait3A_441 : memref<128x128xf32, #tpu.memory_space<vmem>>)
      %add3A_450 = arith.constant 5 : i32
      %add3A_451 = arith.addi %add3A_184, %add3A_450 : i32
      %dma_start3A_452 = arith.constant 0 : i32
      %dma_start3A_453 = arith.constant 0 : i32
      %dma_start3A_454 = tpu.memref_slice %arg7[%rem3A_437, %dma_start3A_452, %dma_start3A_453] : memref<6x128x128xf32, #tpu.memory_space<vmem>> -> memref<1x48x128xf32, #tpu.memory_space<vmem>>
      %dma_start3A_455 = tpu.memref_squeeze %dma_start3A_454 : memref<1x48x128xf32, #tpu.memory_space<vmem>> -> memref<48x128xf32, #tpu.memory_space<vmem>>
      %dma_start3A_456 = arith.constant 152 : i32
      %dma_start3A_457 = arith.constant 0 : i32
      %dma_start3A_458 = tpu.memref_slice %arg4[%add3A_451, %dma_start3A_456, %dma_start3A_457] : memref<4096x200x128xf32, #tpu.memory_space<hbm>> -> memref<1x48x128xf32, #tpu.memory_space<hbm>>
      %dma_start3A_459 = tpu.memref_squeeze %dma_start3A_458 : memref<1x48x128xf32, #tpu.memory_space<hbm>> -> memref<48x128xf32, #tpu.memory_space<hbm>>
      %dma_start3A_460 = tpu.memref_slice %arg9[%rem3A_437] : memref<6x!tpu.dma_semaphore, #tpu.memory_space<semaphore_mem>> -> memref<1x!tpu.dma_semaphore, #tpu.memory_space<semaphore_mem>>
      %dma_start3A_461 = tpu.memref_squeeze %dma_start3A_460 : memref<1x!tpu.dma_semaphore, #tpu.memory_space<semaphore_mem>> -> memref<!tpu.dma_semaphore, #tpu.memory_space<semaphore_mem>>
      %dma_start3A_462 = arith.constant 152 : i32
      %dma_start3A_463 = arith.constant 0 : i32
      %dma_start3A_464 = tpu.memref_slice %arg4[%add3A_451, %dma_start3A_462, %dma_start3A_463] : memref<4096x200x128xf32, #tpu.memory_space<hbm>> -> memref<1x48x128xf32, #tpu.memory_space<hbm>>
      %dma_start3A_465 = tpu.memref_squeeze %dma_start3A_464 : memref<1x48x128xf32, #tpu.memory_space<hbm>> -> memref<48x128xf32, #tpu.memory_space<hbm>>
      %dma_start3A_466 = arith.constant 0 : i32
      %dma_start3A_467 = arith.constant 0 : i32
      %dma_start3A_468 = tpu.memref_slice %arg7[%rem3A_437, %dma_start3A_466, %dma_start3A_467] : memref<6x128x128xf32, #tpu.memory_space<vmem>> -> memref<1x48x128xf32, #tpu.memory_space<vmem>>
      %dma_start3A_469 = tpu.memref_squeeze %dma_start3A_468 : memref<1x48x128xf32, #tpu.memory_space<vmem>> -> memref<48x128xf32, #tpu.memory_space<vmem>>
      tpu.enqueue_dma source(%dma_start3A_469 : memref<48x128xf32, #tpu.memory_space<vmem>>) target(%dma_start3A_465 : memref<48x128xf32, #tpu.memory_space<hbm>>) target_semaphore(%dma_start3A_461 : memref<!tpu.dma_semaphore, #tpu.memory_space<semaphore_mem>>)
      %add3A_470 = arith.constant 6 : i32
      %add3A_471 = arith.addi %add3A_184, %add3A_470 : i32
      %dma_start3A_472 = arith.constant 48 : i32
      %dma_start3A_473 = arith.constant 0 : i32
      %dma_start3A_474 = tpu.memref_slice %arg7[%rem3A_437, %dma_start3A_472, %dma_start3A_473] : memref<6x128x128xf32, #tpu.memory_space<vmem>> -> memref<1x72x128xf32, #tpu.memory_space<vmem>>
      %dma_start3A_475 = tpu.memref_squeeze %dma_start3A_474 : memref<1x72x128xf32, #tpu.memory_space<vmem>> -> memref<72x128xf32, #tpu.memory_space<vmem>>
      %dma_start3A_476 = arith.constant 128 : i32
      %dma_start3A_477 = arith.constant 0 : i32
      %dma_start3A_478 = tpu.memref_slice %arg4[%add3A_471, %dma_start3A_476, %dma_start3A_477] : memref<4096x200x128xf32, #tpu.memory_space<hbm>> -> memref<1x72x128xf32, #tpu.memory_space<hbm>>
      %dma_start3A_479 = tpu.memref_squeeze %dma_start3A_478 : memref<1x72x128xf32, #tpu.memory_space<hbm>> -> memref<72x128xf32, #tpu.memory_space<hbm>>
      %dma_start3A_480 = tpu.memref_slice %arg9[%rem3A_437] : memref<6x!tpu.dma_semaphore, #tpu.memory_space<semaphore_mem>> -> memref<1x!tpu.dma_semaphore, #tpu.memory_space<semaphore_mem>>
      %dma_start3A_481 = tpu.memref_squeeze %dma_start3A_480 : memref<1x!tpu.dma_semaphore, #tpu.memory_space<semaphore_mem>> -> memref<!tpu.dma_semaphore, #tpu.memory_space<semaphore_mem>>
      %dma_start3A_482 = arith.constant 128 : i32
      %dma_start3A_483 = arith.constant 0 : i32
      %dma_start3A_484 = tpu.memref_slice %arg4[%add3A_471, %dma_start3A_482, %dma_start3A_483] : memref<4096x200x128xf32, #tpu.memory_space<hbm>> -> memref<1x72x128xf32, #tpu.memory_space<hbm>>
      %dma_start3A_485 = tpu.memref_squeeze %dma_start3A_484 : memref<1x72x128xf32, #tpu.memory_space<hbm>> -> memref<72x128xf32, #tpu.memory_space<hbm>>
      %dma_start3A_486 = arith.constant 48 : i32
      %dma_start3A_487 = arith.constant 0 : i32
      %dma_start3A_488 = tpu.memref_slice %arg7[%rem3A_437, %dma_start3A_486, %dma_start3A_487] : memref<6x128x128xf32, #tpu.memory_space<vmem>> -> memref<1x72x128xf32, #tpu.memory_space<vmem>>
      %dma_start3A_489 = tpu.memref_squeeze %dma_start3A_488 : memref<1x72x128xf32, #tpu.memory_space<vmem>> -> memref<72x128xf32, #tpu.memory_space<vmem>>
      tpu.enqueue_dma source(%dma_start3A_489 : memref<72x128xf32, #tpu.memory_space<vmem>>) target(%dma_start3A_485 : memref<72x128xf32, #tpu.memory_space<hbm>>) target_semaphore(%dma_start3A_481 : memref<!tpu.dma_semaphore, #tpu.memory_space<semaphore_mem>>)
      %add3A_490 = arith.constant 7 : i32
      %add3A_491 = arith.addi %add3A_184, %add3A_490 : i32
      %dma_start3A_492 = arith.constant 120 : i32
      %dma_start3A_493 = arith.constant 0 : i32
      %dma_start3A_494 = tpu.memref_slice %arg7[%rem3A_437, %dma_start3A_492, %dma_start3A_493] : memref<6x128x128xf32, #tpu.memory_space<vmem>> -> memref<1x8x128xf32, #tpu.memory_space<vmem>>
      %dma_start3A_495 = tpu.memref_squeeze %dma_start3A_494 : memref<1x8x128xf32, #tpu.memory_space<vmem>> -> memref<8x128xf32, #tpu.memory_space<vmem>>
      %dma_start3A_496 = arith.constant 128 : i32
      %dma_start3A_497 = arith.constant 0 : i32
      %dma_start3A_498 = tpu.memref_slice %arg4[%add3A_491, %dma_start3A_496, %dma_start3A_497] : memref<4096x200x128xf32, #tpu.memory_space<hbm>> -> memref<1x8x128xf32, #tpu.memory_space<hbm>>
      %dma_start3A_499 = tpu.memref_squeeze %dma_start3A_498 : memref<1x8x128xf32, #tpu.memory_space<hbm>> -> memref<8x128xf32, #tpu.memory_space<hbm>>
      %dma_start3A_500 = tpu.memref_slice %arg9[%rem3A_437] : memref<6x!tpu.dma_semaphore, #tpu.memory_space<semaphore_mem>> -> memref<1x!tpu.dma_semaphore, #tpu.memory_space<semaphore_mem>>
      %dma_start3A_501 = tpu.memref_squeeze %dma_start3A_500 : memref<1x!tpu.dma_semaphore, #tpu.memory_space<semaphore_mem>> -> memref<!tpu.dma_semaphore, #tpu.memory_space<semaphore_mem>>
      %dma_start3A_502 = arith.constant 128 : i32
      %dma_start3A_503 = arith.constant 0 : i32
      %dma_start3A_504 = tpu.memref_slice %arg4[%add3A_491, %dma_start3A_502, %dma_start3A_503] : memref<4096x200x128xf32, #tpu.memory_space<hbm>> -> memref<1x8x128xf32, #tpu.memory_space<hbm>>
      %dma_start3A_505 = tpu.memref_squeeze %dma_start3A_504 : memref<1x8x128xf32, #tpu.memory_space<hbm>> -> memref<8x128xf32, #tpu.memory_space<hbm>>
      %dma_start3A_506 = arith.constant 120 : i32
      %dma_start3A_507 = arith.constant 0 : i32
      %dma_start3A_508 = tpu.memref_slice %arg7[%rem3A_437, %dma_start3A_506, %dma_start3A_507] : memref<6x128x128xf32, #tpu.memory_space<vmem>> -> memref<1x8x128xf32, #tpu.memory_space<vmem>>
      %dma_start3A_509 = tpu.memref_squeeze %dma_start3A_508 : memref<1x8x128xf32, #tpu.memory_space<vmem>> -> memref<8x128xf32, #tpu.memory_space<vmem>>
      tpu.enqueue_dma source(%dma_start3A_509 : memref<8x128xf32, #tpu.memory_space<vmem>>) target(%dma_start3A_505 : memref<8x128xf32, #tpu.memory_space<hbm>>) target_semaphore(%dma_start3A_501 : memref<!tpu.dma_semaphore, #tpu.memory_space<semaphore_mem>>)
      %add3A_510 = arith.constant 3 : i32
      %add3A_511 = arith.addi %add3A_435, %add3A_510 : i32
      %rem3A_512 = arith.constant 6 : i32
      %rem3A_513 = arith.remsi %add3A_511, %rem3A_512 : i32
      %lt3A_514 = arith.constant 200 : i32
      %lt3A_515 = arith.cmpi slt, %add3A_511, %lt3A_514 : i32
      %convert_element_type3A_516 = arith.extui %lt3A_515 : i1 to i32
      %cond3A_517 = arith.constant 0 : i32
      %cond3A_518 = arith.cmpi ne, %convert_element_type3A_516, %cond3A_517 : i32
      scf.if %cond3A_518 {
        %ge3A = arith.constant 6 : i32
        %ge3A_924 = arith.cmpi sge, %add3A_511, %ge3A : i32
        %convert_element_type3A_925 = arith.extui %ge3A_924 : i1 to i32
        %cond3A_926 = arith.constant 0 : i32
        %cond3A_927 = arith.cmpi ne, %convert_element_type3A_925, %cond3A_926 : i32
        scf.if %cond3A_927 {
          %dma_wait3A_940 = arith.constant 0 : i32
          %dma_wait3A_941 = arith.constant 0 : i32
          %dma_wait3A_942 = tpu.memref_slice %arg7[%rem3A_513, %dma_wait3A_940, %dma_wait3A_941] : memref<6x128x128xf32, #tpu.memory_space<vmem>> -> memref<1x128x128xf32, #tpu.memory_space<vmem>>
          %dma_wait3A_943 = tpu.memref_squeeze %dma_wait3A_942 : memref<1x128x128xf32, #tpu.memory_space<vmem>> -> memref<128x128xf32, #tpu.memory_space<vmem>>
          %dma_wait3A_944 = arith.constant 0 : i32
          %dma_wait3A_945 = arith.constant 0 : i32
          %dma_wait3A_946 = tpu.memref_slice %arg4[%mul3A_2, %dma_wait3A_944, %dma_wait3A_945] : memref<4096x200x128xf32, #tpu.memory_space<hbm>> -> memref<1x128x128xf32, #tpu.memory_space<hbm>>
          %dma_wait3A_947 = tpu.memref_squeeze %dma_wait3A_946 : memref<1x128x128xf32, #tpu.memory_space<hbm>> -> memref<128x128xf32, #tpu.memory_space<hbm>>
          %dma_wait3A_948 = tpu.memref_slice %arg9[%rem3A_513] : memref<6x!tpu.dma_semaphore, #tpu.memory_space<semaphore_mem>> -> memref<1x!tpu.dma_semaphore, #tpu.memory_space<semaphore_mem>>
          %dma_wait3A_949 = tpu.memref_squeeze %dma_wait3A_948 : memref<1x!tpu.dma_semaphore, #tpu.memory_space<semaphore_mem>> -> memref<!tpu.dma_semaphore, #tpu.memory_space<semaphore_mem>>
          %dma_wait3A_950 = arith.constant 0 : i32
          %dma_wait3A_951 = arith.constant 0 : i32
          %dma_wait3A_952 = tpu.memref_slice %arg4[%mul3A_2, %dma_wait3A_950, %dma_wait3A_951] : memref<4096x200x128xf32, #tpu.memory_space<hbm>> -> memref<1x128x128xf32, #tpu.memory_space<hbm>>
          %dma_wait3A_953 = tpu.memref_squeeze %dma_wait3A_952 : memref<1x128x128xf32, #tpu.memory_space<hbm>> -> memref<128x128xf32, #tpu.memory_space<hbm>>
          %dma_wait3A_954 = arith.constant 0 : i32
          %dma_wait3A_955 = arith.constant 0 : i32
          %dma_wait3A_956 = tpu.memref_slice %arg7[%rem3A_513, %dma_wait3A_954, %dma_wait3A_955] : memref<6x128x128xf32, #tpu.memory_space<vmem>> -> memref<1x128x128xf32, #tpu.memory_space<vmem>>
          %dma_wait3A_957 = tpu.memref_squeeze %dma_wait3A_956 : memref<1x128x128xf32, #tpu.memory_space<vmem>> -> memref<128x128xf32, #tpu.memory_space<vmem>>
          tpu.wait_dma2 semaphore(%dma_wait3A_949 : memref<!tpu.dma_semaphore, #tpu.memory_space<semaphore_mem>>) src(%dma_wait3A_957 : memref<128x128xf32, #tpu.memory_space<vmem>>) dst(%dma_wait3A_953 : memref<128x128xf32, #tpu.memory_space<hbm>>)
        } else {
        }
        %dma_start3A_928 = arith.constant 0 : i32
        %dma_start3A_929 = arith.constant 0 : i32
        %dma_start3A_930 = tpu.memref_slice %arg7[%rem3A_513, %dma_start3A_928, %dma_start3A_929] : memref<6x128x128xf32, #tpu.memory_space<vmem>> -> memref<1x128x128xf32, #tpu.memory_space<vmem>>
        %dma_start3A_931 = tpu.memref_squeeze %dma_start3A_930 : memref<1x128x128xf32, #tpu.memory_space<vmem>> -> memref<128x128xf32, #tpu.memory_space<vmem>>
        %dma_start3A_932 = arith.constant 0 : i32
        %dma_start3A_933 = tpu.memref_slice %arg6[%add3A_511, %dma_start3A_932] : memref<200x128xi32, #tpu.memory_space<vmem>> -> memref<1x128xi32, #tpu.memory_space<vmem>>
        %dma_start3A_934 = tpu.memref_squeeze %dma_start3A_933 : memref<1x128xi32, #tpu.memory_space<vmem>> -> memref<128xi32, #tpu.memory_space<vmem>>
        %dma_start3A_935 = arith.constant 0 : i32
        %dma_start3A_936 = arith.constant 0 : i32
        %dma_start3A_937 = tpu.memref_slice %arg5[%dma_start3A_935, %dma_start3A_936] : memref<256x128xf32, #tpu.memory_space<vmem_shared>> -> memref<256x128xf32, #tpu.memory_space<vmem_shared>>
        %dma_start3A_938 = tpu.memref_slice %arg8[%rem3A_513] : memref<6x!tpu.dma_semaphore, #tpu.memory_space<semaphore_mem>> -> memref<1x!tpu.dma_semaphore, #tpu.memory_space<semaphore_mem>>
        %dma_start3A_939 = tpu.memref_squeeze %dma_start3A_938 : memref<1x!tpu.dma_semaphore, #tpu.memory_space<semaphore_mem>> -> memref<!tpu.dma_semaphore, #tpu.memory_space<semaphore_mem>>
        tpu.enqueue_indirect_dma source(%dma_start3A_937 : memref<256x128xf32, #tpu.memory_space<vmem_shared>>) target(%dma_start3A_931 : memref<128x128xf32, #tpu.memory_space<vmem>>) offsets(%dma_start3A_934 : memref<128xi32, #tpu.memory_space<vmem>>) semaphore(%dma_start3A_939 : memref<!tpu.dma_semaphore, #tpu.memory_space<semaphore_mem>>)
      } else {
      }
      %mul3A_519 = arith.constant 9 : i32
      %mul3A_520 = arith.muli %scan3A_181, %mul3A_519 : i32
      %add3A_521 = arith.constant 128 : i32
      %add3A_522 = arith.addi %add3A_521, %mul3A_520 : i32
      %add3A_523 = arith.constant 4 : i32
      %add3A_524 = arith.addi %add3A_522, %add3A_523 : i32
      %rem3A_525 = arith.constant 6 : i32
      %rem3A_526 = arith.remsi %add3A_524, %rem3A_525 : i32
      %dma_wait3A_527 = arith.constant 0 : i32
      %dma_wait3A_528 = arith.constant 0 : i32
      %dma_wait3A_529 = tpu.memref_slice %arg7[%rem3A_526, %dma_wait3A_527, %dma_wait3A_528] : memref<6x128x128xf32, #tpu.memory_space<vmem>> -> memref<1x128x128xf32, #tpu.memory_space<vmem>>
      %dma_wait3A_530 = tpu.memref_squeeze %dma_wait3A_529 : memref<1x128x128xf32, #tpu.memory_space<vmem>> -> memref<128x128xf32, #tpu.memory_space<vmem>>
      %dma_wait3A_531 = arith.constant 0 : i32
      %dma_wait3A_532 = tpu.memref_slice %arg6[%add3A_524, %dma_wait3A_531] : memref<200x128xi32, #tpu.memory_space<vmem>> -> memref<1x128xi32, #tpu.memory_space<vmem>>
      %dma_wait3A_533 = tpu.memref_squeeze %dma_wait3A_532 : memref<1x128xi32, #tpu.memory_space<vmem>> -> memref<128xi32, #tpu.memory_space<vmem>>
      %dma_wait3A_534 = arith.constant 0 : i32
      %dma_wait3A_535 = arith.constant 0 : i32
      %dma_wait3A_536 = tpu.memref_slice %arg5[%dma_wait3A_534, %dma_wait3A_535] : memref<256x128xf32, #tpu.memory_space<vmem_shared>> -> memref<256x128xf32, #tpu.memory_space<vmem_shared>>
      %dma_wait3A_537 = tpu.memref_slice %arg8[%rem3A_526] : memref<6x!tpu.dma_semaphore, #tpu.memory_space<semaphore_mem>> -> memref<1x!tpu.dma_semaphore, #tpu.memory_space<semaphore_mem>>
      %dma_wait3A_538 = tpu.memref_squeeze %dma_wait3A_537 : memref<1x!tpu.dma_semaphore, #tpu.memory_space<semaphore_mem>> -> memref<!tpu.dma_semaphore, #tpu.memory_space<semaphore_mem>>
      tpu.wait_indirect_dma semaphore(%dma_wait3A_538 : memref<!tpu.dma_semaphore, #tpu.memory_space<semaphore_mem>>) src(%dma_wait3A_536 : memref<256x128xf32, #tpu.memory_space<vmem_shared>>) dst(%dma_wait3A_530 : memref<128x128xf32, #tpu.memory_space<vmem>>)
      %add3A_539 = arith.constant 7 : i32
      %add3A_540 = arith.addi %add3A_184, %add3A_539 : i32
      %dma_start3A_541 = arith.constant 0 : i32
      %dma_start3A_542 = arith.constant 0 : i32
      %dma_start3A_543 = tpu.memref_slice %arg7[%rem3A_526, %dma_start3A_541, %dma_start3A_542] : memref<6x128x128xf32, #tpu.memory_space<vmem>> -> memref<1x64x128xf32, #tpu.memory_space<vmem>>
      %dma_start3A_544 = tpu.memref_squeeze %dma_start3A_543 : memref<1x64x128xf32, #tpu.memory_space<vmem>> -> memref<64x128xf32, #tpu.memory_space<vmem>>
      %dma_start3A_545 = arith.constant 136 : i32
      %dma_start3A_546 = arith.constant 0 : i32
      %dma_start3A_547 = tpu.memref_slice %arg4[%add3A_540, %dma_start3A_545, %dma_start3A_546] : memref<4096x200x128xf32, #tpu.memory_space<hbm>> -> memref<1x64x128xf32, #tpu.memory_space<hbm>>
      %dma_start3A_548 = tpu.memref_squeeze %dma_start3A_547 : memref<1x64x128xf32, #tpu.memory_space<hbm>> -> memref<64x128xf32, #tpu.memory_space<hbm>>
      %dma_start3A_549 = tpu.memref_slice %arg9[%rem3A_526] : memref<6x!tpu.dma_semaphore, #tpu.memory_space<semaphore_mem>> -> memref<1x!tpu.dma_semaphore, #tpu.memory_space<semaphore_mem>>
      %dma_start3A_550 = tpu.memref_squeeze %dma_start3A_549 : memref<1x!tpu.dma_semaphore, #tpu.memory_space<semaphore_mem>> -> memref<!tpu.dma_semaphore, #tpu.memory_space<semaphore_mem>>
      %dma_start3A_551 = arith.constant 136 : i32
      %dma_start3A_552 = arith.constant 0 : i32
      %dma_start3A_553 = tpu.memref_slice %arg4[%add3A_540, %dma_start3A_551, %dma_start3A_552] : memref<4096x200x128xf32, #tpu.memory_space<hbm>> -> memref<1x64x128xf32, #tpu.memory_space<hbm>>
      %dma_start3A_554 = tpu.memref_squeeze %dma_start3A_553 : memref<1x64x128xf32, #tpu.memory_space<hbm>> -> memref<64x128xf32, #tpu.memory_space<hbm>>
      %dma_start3A_555 = arith.constant 0 : i32
      %dma_start3A_556 = arith.constant 0 : i32
      %dma_start3A_557 = tpu.memref_slice %arg7[%rem3A_526, %dma_start3A_555, %dma_start3A_556] : memref<6x128x128xf32, #tpu.memory_space<vmem>> -> memref<1x64x128xf32, #tpu.memory_space<vmem>>
      %dma_start3A_558 = tpu.memref_squeeze %dma_start3A_557 : memref<1x64x128xf32, #tpu.memory_space<vmem>> -> memref<64x128xf32, #tpu.memory_space<vmem>>
      tpu.enqueue_dma source(%dma_start3A_558 : memref<64x128xf32, #tpu.memory_space<vmem>>) target(%dma_start3A_554 : memref<64x128xf32, #tpu.memory_space<hbm>>) target_semaphore(%dma_start3A_550 : memref<!tpu.dma_semaphore, #tpu.memory_space<semaphore_mem>>)
      %add3A_559 = arith.constant 8 : i32
      %add3A_560 = arith.addi %add3A_184, %add3A_559 : i32
      %dma_start3A_561 = arith.constant 64 : i32
      %dma_start3A_562 = arith.constant 0 : i32
      %dma_start3A_563 = tpu.memref_slice %arg7[%rem3A_526, %dma_start3A_561, %dma_start3A_562] : memref<6x128x128xf32, #tpu.memory_space<vmem>> -> memref<1x64x128xf32, #tpu.memory_space<vmem>>
      %dma_start3A_564 = tpu.memref_squeeze %dma_start3A_563 : memref<1x64x128xf32, #tpu.memory_space<vmem>> -> memref<64x128xf32, #tpu.memory_space<vmem>>
      %dma_start3A_565 = arith.constant 128 : i32
      %dma_start3A_566 = arith.constant 0 : i32
      %dma_start3A_567 = tpu.memref_slice %arg4[%add3A_560, %dma_start3A_565, %dma_start3A_566] : memref<4096x200x128xf32, #tpu.memory_space<hbm>> -> memref<1x64x128xf32, #tpu.memory_space<hbm>>
      %dma_start3A_568 = tpu.memref_squeeze %dma_start3A_567 : memref<1x64x128xf32, #tpu.memory_space<hbm>> -> memref<64x128xf32, #tpu.memory_space<hbm>>
      %dma_start3A_569 = tpu.memref_slice %arg9[%rem3A_526] : memref<6x!tpu.dma_semaphore, #tpu.memory_space<semaphore_mem>> -> memref<1x!tpu.dma_semaphore, #tpu.memory_space<semaphore_mem>>
      %dma_start3A_570 = tpu.memref_squeeze %dma_start3A_569 : memref<1x!tpu.dma_semaphore, #tpu.memory_space<semaphore_mem>> -> memref<!tpu.dma_semaphore, #tpu.memory_space<semaphore_mem>>
      %dma_start3A_571 = arith.constant 128 : i32
      %dma_start3A_572 = arith.constant 0 : i32
      %dma_start3A_573 = tpu.memref_slice %arg4[%add3A_560, %dma_start3A_571, %dma_start3A_572] : memref<4096x200x128xf32, #tpu.memory_space<hbm>> -> memref<1x64x128xf32, #tpu.memory_space<hbm>>
      %dma_start3A_574 = tpu.memref_squeeze %dma_start3A_573 : memref<1x64x128xf32, #tpu.memory_space<hbm>> -> memref<64x128xf32, #tpu.memory_space<hbm>>
      %dma_start3A_575 = arith.constant 64 : i32
      %dma_start3A_576 = arith.constant 0 : i32
      %dma_start3A_577 = tpu.memref_slice %arg7[%rem3A_526, %dma_start3A_575, %dma_start3A_576] : memref<6x128x128xf32, #tpu.memory_space<vmem>> -> memref<1x64x128xf32, #tpu.memory_space<vmem>>
      %dma_start3A_578 = tpu.memref_squeeze %dma_start3A_577 : memref<1x64x128xf32, #tpu.memory_space<vmem>> -> memref<64x128xf32, #tpu.memory_space<vmem>>
      tpu.enqueue_dma source(%dma_start3A_578 : memref<64x128xf32, #tpu.memory_space<vmem>>) target(%dma_start3A_574 : memref<64x128xf32, #tpu.memory_space<hbm>>) target_semaphore(%dma_start3A_570 : memref<!tpu.dma_semaphore, #tpu.memory_space<semaphore_mem>>)
      %add3A_579 = arith.constant 3 : i32
      %add3A_580 = arith.addi %add3A_524, %add3A_579 : i32
      %rem3A_581 = arith.constant 6 : i32
      %rem3A_582 = arith.remsi %add3A_580, %rem3A_581 : i32
      %lt3A_583 = arith.constant 200 : i32
      %lt3A_584 = arith.cmpi slt, %add3A_580, %lt3A_583 : i32
      %convert_element_type3A_585 = arith.extui %lt3A_584 : i1 to i32
      %cond3A_586 = arith.constant 0 : i32
      %cond3A_587 = arith.cmpi ne, %convert_element_type3A_585, %cond3A_586 : i32
      scf.if %cond3A_587 {
        %ge3A = arith.constant 6 : i32
        %ge3A_924 = arith.cmpi sge, %add3A_580, %ge3A : i32
        %convert_element_type3A_925 = arith.extui %ge3A_924 : i1 to i32
        %cond3A_926 = arith.constant 0 : i32
        %cond3A_927 = arith.cmpi ne, %convert_element_type3A_925, %cond3A_926 : i32
        scf.if %cond3A_927 {
          %dma_wait3A_940 = arith.constant 0 : i32
          %dma_wait3A_941 = arith.constant 0 : i32
          %dma_wait3A_942 = tpu.memref_slice %arg7[%rem3A_582, %dma_wait3A_940, %dma_wait3A_941] : memref<6x128x128xf32, #tpu.memory_space<vmem>> -> memref<1x128x128xf32, #tpu.memory_space<vmem>>
          %dma_wait3A_943 = tpu.memref_squeeze %dma_wait3A_942 : memref<1x128x128xf32, #tpu.memory_space<vmem>> -> memref<128x128xf32, #tpu.memory_space<vmem>>
          %dma_wait3A_944 = arith.constant 0 : i32
          %dma_wait3A_945 = arith.constant 0 : i32
          %dma_wait3A_946 = tpu.memref_slice %arg4[%mul3A_2, %dma_wait3A_944, %dma_wait3A_945] : memref<4096x200x128xf32, #tpu.memory_space<hbm>> -> memref<1x128x128xf32, #tpu.memory_space<hbm>>
          %dma_wait3A_947 = tpu.memref_squeeze %dma_wait3A_946 : memref<1x128x128xf32, #tpu.memory_space<hbm>> -> memref<128x128xf32, #tpu.memory_space<hbm>>
          %dma_wait3A_948 = tpu.memref_slice %arg9[%rem3A_582] : memref<6x!tpu.dma_semaphore, #tpu.memory_space<semaphore_mem>> -> memref<1x!tpu.dma_semaphore, #tpu.memory_space<semaphore_mem>>
          %dma_wait3A_949 = tpu.memref_squeeze %dma_wait3A_948 : memref<1x!tpu.dma_semaphore, #tpu.memory_space<semaphore_mem>> -> memref<!tpu.dma_semaphore, #tpu.memory_space<semaphore_mem>>
          %dma_wait3A_950 = arith.constant 0 : i32
          %dma_wait3A_951 = arith.constant 0 : i32
          %dma_wait3A_952 = tpu.memref_slice %arg4[%mul3A_2, %dma_wait3A_950, %dma_wait3A_951] : memref<4096x200x128xf32, #tpu.memory_space<hbm>> -> memref<1x128x128xf32, #tpu.memory_space<hbm>>
          %dma_wait3A_953 = tpu.memref_squeeze %dma_wait3A_952 : memref<1x128x128xf32, #tpu.memory_space<hbm>> -> memref<128x128xf32, #tpu.memory_space<hbm>>
          %dma_wait3A_954 = arith.constant 0 : i32
          %dma_wait3A_955 = arith.constant 0 : i32
          %dma_wait3A_956 = tpu.memref_slice %arg7[%rem3A_582, %dma_wait3A_954, %dma_wait3A_955] : memref<6x128x128xf32, #tpu.memory_space<vmem>> -> memref<1x128x128xf32, #tpu.memory_space<vmem>>
          %dma_wait3A_957 = tpu.memref_squeeze %dma_wait3A_956 : memref<1x128x128xf32, #tpu.memory_space<vmem>> -> memref<128x128xf32, #tpu.memory_space<vmem>>
          tpu.wait_dma2 semaphore(%dma_wait3A_949 : memref<!tpu.dma_semaphore, #tpu.memory_space<semaphore_mem>>) src(%dma_wait3A_957 : memref<128x128xf32, #tpu.memory_space<vmem>>) dst(%dma_wait3A_953 : memref<128x128xf32, #tpu.memory_space<hbm>>)
        } else {
        }
        %dma_start3A_928 = arith.constant 0 : i32
        %dma_start3A_929 = arith.constant 0 : i32
        %dma_start3A_930 = tpu.memref_slice %arg7[%rem3A_582, %dma_start3A_928, %dma_start3A_929] : memref<6x128x128xf32, #tpu.memory_space<vmem>> -> memref<1x128x128xf32, #tpu.memory_space<vmem>>
        %dma_start3A_931 = tpu.memref_squeeze %dma_start3A_930 : memref<1x128x128xf32, #tpu.memory_space<vmem>> -> memref<128x128xf32, #tpu.memory_space<vmem>>
        %dma_start3A_932 = arith.constant 0 : i32
        %dma_start3A_933 = tpu.memref_slice %arg6[%add3A_580, %dma_start3A_932] : memref<200x128xi32, #tpu.memory_space<vmem>> -> memref<1x128xi32, #tpu.memory_space<vmem>>
        %dma_start3A_934 = tpu.memref_squeeze %dma_start3A_933 : memref<1x128xi32, #tpu.memory_space<vmem>> -> memref<128xi32, #tpu.memory_space<vmem>>
        %dma_start3A_935 = arith.constant 0 : i32
        %dma_start3A_936 = arith.constant 0 : i32
        %dma_start3A_937 = tpu.memref_slice %arg5[%dma_start3A_935, %dma_start3A_936] : memref<256x128xf32, #tpu.memory_space<vmem_shared>> -> memref<256x128xf32, #tpu.memory_space<vmem_shared>>
        %dma_start3A_938 = tpu.memref_slice %arg8[%rem3A_582] : memref<6x!tpu.dma_semaphore, #tpu.memory_space<semaphore_mem>> -> memref<1x!tpu.dma_semaphore, #tpu.memory_space<semaphore_mem>>
        %dma_start3A_939 = tpu.memref_squeeze %dma_start3A_938 : memref<1x!tpu.dma_semaphore, #tpu.memory_space<semaphore_mem>> -> memref<!tpu.dma_semaphore, #tpu.memory_space<semaphore_mem>>
        tpu.enqueue_indirect_dma source(%dma_start3A_937 : memref<256x128xf32, #tpu.memory_space<vmem_shared>>) target(%dma_start3A_931 : memref<128x128xf32, #tpu.memory_space<vmem>>) offsets(%dma_start3A_934 : memref<128xi32, #tpu.memory_space<vmem>>) semaphore(%dma_start3A_939 : memref<!tpu.dma_semaphore, #tpu.memory_space<semaphore_mem>>)
      } else {
      }
      %mul3A_588 = arith.constant 9 : i32
      %mul3A_589 = arith.muli %scan3A_181, %mul3A_588 : i32
      %add3A_590 = arith.constant 128 : i32
      %add3A_591 = arith.addi %add3A_590, %mul3A_589 : i32
      %add3A_592 = arith.constant 5 : i32
      %add3A_593 = arith.addi %add3A_591, %add3A_592 : i32
      %rem3A_594 = arith.constant 6 : i32
      %rem3A_595 = arith.remsi %add3A_593, %rem3A_594 : i32
      %dma_wait3A_596 = arith.constant 0 : i32
      %dma_wait3A_597 = arith.constant 0 : i32
      %dma_wait3A_598 = tpu.memref_slice %arg7[%rem3A_595, %dma_wait3A_596, %dma_wait3A_597] : memref<6x128x128xf32, #tpu.memory_space<vmem>> -> memref<1x128x128xf32, #tpu.memory_space<vmem>>
      %dma_wait3A_599 = tpu.memref_squeeze %dma_wait3A_598 : memref<1x128x128xf32, #tpu.memory_space<vmem>> -> memref<128x128xf32, #tpu.memory_space<vmem>>
      %dma_wait3A_600 = arith.constant 0 : i32
      %dma_wait3A_601 = tpu.memref_slice %arg6[%add3A_593, %dma_wait3A_600] : memref<200x128xi32, #tpu.memory_space<vmem>> -> memref<1x128xi32, #tpu.memory_space<vmem>>
      %dma_wait3A_602 = tpu.memref_squeeze %dma_wait3A_601 : memref<1x128xi32, #tpu.memory_space<vmem>> -> memref<128xi32, #tpu.memory_space<vmem>>
      %dma_wait3A_603 = arith.constant 0 : i32
      %dma_wait3A_604 = arith.constant 0 : i32
      %dma_wait3A_605 = tpu.memref_slice %arg5[%dma_wait3A_603, %dma_wait3A_604] : memref<256x128xf32, #tpu.memory_space<vmem_shared>> -> memref<256x128xf32, #tpu.memory_space<vmem_shared>>
      %dma_wait3A_606 = tpu.memref_slice %arg8[%rem3A_595] : memref<6x!tpu.dma_semaphore, #tpu.memory_space<semaphore_mem>> -> memref<1x!tpu.dma_semaphore, #tpu.memory_space<semaphore_mem>>
      %dma_wait3A_607 = tpu.memref_squeeze %dma_wait3A_606 : memref<1x!tpu.dma_semaphore, #tpu.memory_space<semaphore_mem>> -> memref<!tpu.dma_semaphore, #tpu.memory_space<semaphore_mem>>
      tpu.wait_indirect_dma semaphore(%dma_wait3A_607 : memref<!tpu.dma_semaphore, #tpu.memory_space<semaphore_mem>>) src(%dma_wait3A_605 : memref<256x128xf32, #tpu.memory_space<vmem_shared>>) dst(%dma_wait3A_599 : memref<128x128xf32, #tpu.memory_space<vmem>>)
      %add3A_608 = arith.constant 8 : i32
      %add3A_609 = arith.addi %add3A_184, %add3A_608 : i32
      %dma_start3A_610 = arith.constant 0 : i32
      %dma_start3A_611 = arith.constant 0 : i32
      %dma_start3A_612 = tpu.memref_slice %arg7[%rem3A_595, %dma_start3A_610, %dma_start3A_611] : memref<6x128x128xf32, #tpu.memory_space<vmem>> -> memref<1x8x128xf32, #tpu.memory_space<vmem>>
      %dma_start3A_613 = tpu.memref_squeeze %dma_start3A_612 : memref<1x8x128xf32, #tpu.memory_space<vmem>> -> memref<8x128xf32, #tpu.memory_space<vmem>>
      %dma_start3A_614 = arith.constant 192 : i32
      %dma_start3A_615 = arith.constant 0 : i32
      %dma_start3A_616 = tpu.memref_slice %arg4[%add3A_609, %dma_start3A_614, %dma_start3A_615] : memref<4096x200x128xf32, #tpu.memory_space<hbm>> -> memref<1x8x128xf32, #tpu.memory_space<hbm>>
      %dma_start3A_617 = tpu.memref_squeeze %dma_start3A_616 : memref<1x8x128xf32, #tpu.memory_space<hbm>> -> memref<8x128xf32, #tpu.memory_space<hbm>>
      %dma_start3A_618 = tpu.memref_slice %arg9[%rem3A_595] : memref<6x!tpu.dma_semaphore, #tpu.memory_space<semaphore_mem>> -> memref<1x!tpu.dma_semaphore, #tpu.memory_space<semaphore_mem>>
      %dma_start3A_619 = tpu.memref_squeeze %dma_start3A_618 : memref<1x!tpu.dma_semaphore, #tpu.memory_space<semaphore_mem>> -> memref<!tpu.dma_semaphore, #tpu.memory_space<semaphore_mem>>
      %dma_start3A_620 = arith.constant 192 : i32
      %dma_start3A_621 = arith.constant 0 : i32
      %dma_start3A_622 = tpu.memref_slice %arg4[%add3A_609, %dma_start3A_620, %dma_start3A_621] : memref<4096x200x128xf32, #tpu.memory_space<hbm>> -> memref<1x8x128xf32, #tpu.memory_space<hbm>>
      %dma_start3A_623 = tpu.memref_squeeze %dma_start3A_622 : memref<1x8x128xf32, #tpu.memory_space<hbm>> -> memref<8x128xf32, #tpu.memory_space<hbm>>
      %dma_start3A_624 = arith.constant 0 : i32
      %dma_start3A_625 = arith.constant 0 : i32
      %dma_start3A_626 = tpu.memref_slice %arg7[%rem3A_595, %dma_start3A_624, %dma_start3A_625] : memref<6x128x128xf32, #tpu.memory_space<vmem>> -> memref<1x8x128xf32, #tpu.memory_space<vmem>>
      %dma_start3A_627 = tpu.memref_squeeze %dma_start3A_626 : memref<1x8x128xf32, #tpu.memory_space<vmem>> -> memref<8x128xf32, #tpu.memory_space<vmem>>
      tpu.enqueue_dma source(%dma_start3A_627 : memref<8x128xf32, #tpu.memory_space<vmem>>) target(%dma_start3A_623 : memref<8x128xf32, #tpu.memory_space<hbm>>) target_semaphore(%dma_start3A_619 : memref<!tpu.dma_semaphore, #tpu.memory_space<semaphore_mem>>)
      %add3A_628 = arith.constant 9 : i32
      %add3A_629 = arith.addi %add3A_184, %add3A_628 : i32
      %dma_start3A_630 = arith.constant 8 : i32
      %dma_start3A_631 = arith.constant 0 : i32
      %dma_start3A_632 = tpu.memref_slice %arg7[%rem3A_595, %dma_start3A_630, %dma_start3A_631] : memref<6x128x128xf32, #tpu.memory_space<vmem>> -> memref<1x72x128xf32, #tpu.memory_space<vmem>>
      %dma_start3A_633 = tpu.memref_squeeze %dma_start3A_632 : memref<1x72x128xf32, #tpu.memory_space<vmem>> -> memref<72x128xf32, #tpu.memory_space<vmem>>
      %dma_start3A_634 = arith.constant 128 : i32
      %dma_start3A_635 = arith.constant 0 : i32
      %dma_start3A_636 = tpu.memref_slice %arg4[%add3A_629, %dma_start3A_634, %dma_start3A_635] : memref<4096x200x128xf32, #tpu.memory_space<hbm>> -> memref<1x72x128xf32, #tpu.memory_space<hbm>>
      %dma_start3A_637 = tpu.memref_squeeze %dma_start3A_636 : memref<1x72x128xf32, #tpu.memory_space<hbm>> -> memref<72x128xf32, #tpu.memory_space<hbm>>
      %dma_start3A_638 = tpu.memref_slice %arg9[%rem3A_595] : memref<6x!tpu.dma_semaphore, #tpu.memory_space<semaphore_mem>> -> memref<1x!tpu.dma_semaphore, #tpu.memory_space<semaphore_mem>>
      %dma_start3A_639 = tpu.memref_squeeze %dma_start3A_638 : memref<1x!tpu.dma_semaphore, #tpu.memory_space<semaphore_mem>> -> memref<!tpu.dma_semaphore, #tpu.memory_space<semaphore_mem>>
      %dma_start3A_640 = arith.constant 128 : i32
      %dma_start3A_641 = arith.constant 0 : i32
      %dma_start3A_642 = tpu.memref_slice %arg4[%add3A_629, %dma_start3A_640, %dma_start3A_641] : memref<4096x200x128xf32, #tpu.memory_space<hbm>> -> memref<1x72x128xf32, #tpu.memory_space<hbm>>
      %dma_start3A_643 = tpu.memref_squeeze %dma_start3A_642 : memref<1x72x128xf32, #tpu.memory_space<hbm>> -> memref<72x128xf32, #tpu.memory_space<hbm>>
      %dma_start3A_644 = arith.constant 8 : i32
      %dma_start3A_645 = arith.constant 0 : i32
      %dma_start3A_646 = tpu.memref_slice %arg7[%rem3A_595, %dma_start3A_644, %dma_start3A_645] : memref<6x128x128xf32, #tpu.memory_space<vmem>> -> memref<1x72x128xf32, #tpu.memory_space<vmem>>
      %dma_start3A_647 = tpu.memref_squeeze %dma_start3A_646 : memref<1x72x128xf32, #tpu.memory_space<vmem>> -> memref<72x128xf32, #tpu.memory_space<vmem>>
      tpu.enqueue_dma source(%dma_start3A_647 : memref<72x128xf32, #tpu.memory_space<vmem>>) target(%dma_start3A_643 : memref<72x128xf32, #tpu.memory_space<hbm>>) target_semaphore(%dma_start3A_639 : memref<!tpu.dma_semaphore, #tpu.memory_space<semaphore_mem>>)
      %add3A_648 = arith.constant 10 : i32
      %add3A_649 = arith.addi %add3A_184, %add3A_648 : i32
      %dma_start3A_650 = arith.constant 80 : i32
      %dma_start3A_651 = arith.constant 0 : i32
      %dma_start3A_652 = tpu.memref_slice %arg7[%rem3A_595, %dma_start3A_650, %dma_start3A_651] : memref<6x128x128xf32, #tpu.memory_space<vmem>> -> memref<1x48x128xf32, #tpu.memory_space<vmem>>
      %dma_start3A_653 = tpu.memref_squeeze %dma_start3A_652 : memref<1x48x128xf32, #tpu.memory_space<vmem>> -> memref<48x128xf32, #tpu.memory_space<vmem>>
      %dma_start3A_654 = arith.constant 128 : i32
      %dma_start3A_655 = arith.constant 0 : i32
      %dma_start3A_656 = tpu.memref_slice %arg4[%add3A_649, %dma_start3A_654, %dma_start3A_655] : memref<4096x200x128xf32, #tpu.memory_space<hbm>> -> memref<1x48x128xf32, #tpu.memory_space<hbm>>
      %dma_start3A_657 = tpu.memref_squeeze %dma_start3A_656 : memref<1x48x128xf32, #tpu.memory_space<hbm>> -> memref<48x128xf32, #tpu.memory_space<hbm>>
      %dma_start3A_658 = tpu.memref_slice %arg9[%rem3A_595] : memref<6x!tpu.dma_semaphore, #tpu.memory_space<semaphore_mem>> -> memref<1x!tpu.dma_semaphore, #tpu.memory_space<semaphore_mem>>
      %dma_start3A_659 = tpu.memref_squeeze %dma_start3A_658 : memref<1x!tpu.dma_semaphore, #tpu.memory_space<semaphore_mem>> -> memref<!tpu.dma_semaphore, #tpu.memory_space<semaphore_mem>>
      %dma_start3A_660 = arith.constant 128 : i32
      %dma_start3A_661 = arith.constant 0 : i32
      %dma_start3A_662 = tpu.memref_slice %arg4[%add3A_649, %dma_start3A_660, %dma_start3A_661] : memref<4096x200x128xf32, #tpu.memory_space<hbm>> -> memref<1x48x128xf32, #tpu.memory_space<hbm>>
      %dma_start3A_663 = tpu.memref_squeeze %dma_start3A_662 : memref<1x48x128xf32, #tpu.memory_space<hbm>> -> memref<48x128xf32, #tpu.memory_space<hbm>>
      %dma_start3A_664 = arith.constant 80 : i32
      %dma_start3A_665 = arith.constant 0 : i32
      %dma_start3A_666 = tpu.memref_slice %arg7[%rem3A_595, %dma_start3A_664, %dma_start3A_665] : memref<6x128x128xf32, #tpu.memory_space<vmem>> -> memref<1x48x128xf32, #tpu.memory_space<vmem>>
      %dma_start3A_667 = tpu.memref_squeeze %dma_start3A_666 : memref<1x48x128xf32, #tpu.memory_space<vmem>> -> memref<48x128xf32, #tpu.memory_space<vmem>>
      tpu.enqueue_dma source(%dma_start3A_667 : memref<48x128xf32, #tpu.memory_space<vmem>>) target(%dma_start3A_663 : memref<48x128xf32, #tpu.memory_space<hbm>>) target_semaphore(%dma_start3A_659 : memref<!tpu.dma_semaphore, #tpu.memory_space<semaphore_mem>>)
      %add3A_668 = arith.constant 3 : i32
      %add3A_669 = arith.addi %add3A_593, %add3A_668 : i32
      %rem3A_670 = arith.constant 6 : i32
      %rem3A_671 = arith.remsi %add3A_669, %rem3A_670 : i32
      %lt3A_672 = arith.constant 200 : i32
      %lt3A_673 = arith.cmpi slt, %add3A_669, %lt3A_672 : i32
      %convert_element_type3A_674 = arith.extui %lt3A_673 : i1 to i32
      %cond3A_675 = arith.constant 0 : i32
      %cond3A_676 = arith.cmpi ne, %convert_element_type3A_674, %cond3A_675 : i32
      scf.if %cond3A_676 {
        %ge3A = arith.constant 6 : i32
        %ge3A_924 = arith.cmpi sge, %add3A_669, %ge3A : i32
        %convert_element_type3A_925 = arith.extui %ge3A_924 : i1 to i32
        %cond3A_926 = arith.constant 0 : i32
        %cond3A_927 = arith.cmpi ne, %convert_element_type3A_925, %cond3A_926 : i32
        scf.if %cond3A_927 {
          %dma_wait3A_940 = arith.constant 0 : i32
          %dma_wait3A_941 = arith.constant 0 : i32
          %dma_wait3A_942 = tpu.memref_slice %arg7[%rem3A_671, %dma_wait3A_940, %dma_wait3A_941] : memref<6x128x128xf32, #tpu.memory_space<vmem>> -> memref<1x128x128xf32, #tpu.memory_space<vmem>>
          %dma_wait3A_943 = tpu.memref_squeeze %dma_wait3A_942 : memref<1x128x128xf32, #tpu.memory_space<vmem>> -> memref<128x128xf32, #tpu.memory_space<vmem>>
          %dma_wait3A_944 = arith.constant 0 : i32
          %dma_wait3A_945 = arith.constant 0 : i32
          %dma_wait3A_946 = tpu.memref_slice %arg4[%mul3A_2, %dma_wait3A_944, %dma_wait3A_945] : memref<4096x200x128xf32, #tpu.memory_space<hbm>> -> memref<1x128x128xf32, #tpu.memory_space<hbm>>
          %dma_wait3A_947 = tpu.memref_squeeze %dma_wait3A_946 : memref<1x128x128xf32, #tpu.memory_space<hbm>> -> memref<128x128xf32, #tpu.memory_space<hbm>>
          %dma_wait3A_948 = tpu.memref_slice %arg9[%rem3A_671] : memref<6x!tpu.dma_semaphore, #tpu.memory_space<semaphore_mem>> -> memref<1x!tpu.dma_semaphore, #tpu.memory_space<semaphore_mem>>
          %dma_wait3A_949 = tpu.memref_squeeze %dma_wait3A_948 : memref<1x!tpu.dma_semaphore, #tpu.memory_space<semaphore_mem>> -> memref<!tpu.dma_semaphore, #tpu.memory_space<semaphore_mem>>
          %dma_wait3A_950 = arith.constant 0 : i32
          %dma_wait3A_951 = arith.constant 0 : i32
          %dma_wait3A_952 = tpu.memref_slice %arg4[%mul3A_2, %dma_wait3A_950, %dma_wait3A_951] : memref<4096x200x128xf32, #tpu.memory_space<hbm>> -> memref<1x128x128xf32, #tpu.memory_space<hbm>>
          %dma_wait3A_953 = tpu.memref_squeeze %dma_wait3A_952 : memref<1x128x128xf32, #tpu.memory_space<hbm>> -> memref<128x128xf32, #tpu.memory_space<hbm>>
          %dma_wait3A_954 = arith.constant 0 : i32
          %dma_wait3A_955 = arith.constant 0 : i32
          %dma_wait3A_956 = tpu.memref_slice %arg7[%rem3A_671, %dma_wait3A_954, %dma_wait3A_955] : memref<6x128x128xf32, #tpu.memory_space<vmem>> -> memref<1x128x128xf32, #tpu.memory_space<vmem>>
          %dma_wait3A_957 = tpu.memref_squeeze %dma_wait3A_956 : memref<1x128x128xf32, #tpu.memory_space<vmem>> -> memref<128x128xf32, #tpu.memory_space<vmem>>
          tpu.wait_dma2 semaphore(%dma_wait3A_949 : memref<!tpu.dma_semaphore, #tpu.memory_space<semaphore_mem>>) src(%dma_wait3A_957 : memref<128x128xf32, #tpu.memory_space<vmem>>) dst(%dma_wait3A_953 : memref<128x128xf32, #tpu.memory_space<hbm>>)
        } else {
        }
        %dma_start3A_928 = arith.constant 0 : i32
        %dma_start3A_929 = arith.constant 0 : i32
        %dma_start3A_930 = tpu.memref_slice %arg7[%rem3A_671, %dma_start3A_928, %dma_start3A_929] : memref<6x128x128xf32, #tpu.memory_space<vmem>> -> memref<1x128x128xf32, #tpu.memory_space<vmem>>
        %dma_start3A_931 = tpu.memref_squeeze %dma_start3A_930 : memref<1x128x128xf32, #tpu.memory_space<vmem>> -> memref<128x128xf32, #tpu.memory_space<vmem>>
        %dma_start3A_932 = arith.constant 0 : i32
        %dma_start3A_933 = tpu.memref_slice %arg6[%add3A_669, %dma_start3A_932] : memref<200x128xi32, #tpu.memory_space<vmem>> -> memref<1x128xi32, #tpu.memory_space<vmem>>
        %dma_start3A_934 = tpu.memref_squeeze %dma_start3A_933 : memref<1x128xi32, #tpu.memory_space<vmem>> -> memref<128xi32, #tpu.memory_space<vmem>>
        %dma_start3A_935 = arith.constant 0 : i32
        %dma_start3A_936 = arith.constant 0 : i32
        %dma_start3A_937 = tpu.memref_slice %arg5[%dma_start3A_935, %dma_start3A_936] : memref<256x128xf32, #tpu.memory_space<vmem_shared>> -> memref<256x128xf32, #tpu.memory_space<vmem_shared>>
        %dma_start3A_938 = tpu.memref_slice %arg8[%rem3A_671] : memref<6x!tpu.dma_semaphore, #tpu.memory_space<semaphore_mem>> -> memref<1x!tpu.dma_semaphore, #tpu.memory_space<semaphore_mem>>
        %dma_start3A_939 = tpu.memref_squeeze %dma_start3A_938 : memref<1x!tpu.dma_semaphore, #tpu.memory_space<semaphore_mem>> -> memref<!tpu.dma_semaphore, #tpu.memory_space<semaphore_mem>>
        tpu.enqueue_indirect_dma source(%dma_start3A_937 : memref<256x128xf32, #tpu.memory_space<vmem_shared>>) target(%dma_start3A_931 : memref<128x128xf32, #tpu.memory_space<vmem>>) offsets(%dma_start3A_934 : memref<128xi32, #tpu.memory_space<vmem>>) semaphore(%dma_start3A_939 : memref<!tpu.dma_semaphore, #tpu.memory_space<semaphore_mem>>)
      } else {
      }
      %mul3A_677 = arith.constant 9 : i32
      %mul3A_678 = arith.muli %scan3A_181, %mul3A_677 : i32
      %add3A_679 = arith.constant 128 : i32
      %add3A_680 = arith.addi %add3A_679, %mul3A_678 : i32
      %add3A_681 = arith.constant 6 : i32
      %add3A_682 = arith.addi %add3A_680, %add3A_681 : i32
      %rem3A_683 = arith.constant 6 : i32
      %rem3A_684 = arith.remsi %add3A_682, %rem3A_683 : i32
      %dma_wait3A_685 = arith.constant 0 : i32
      %dma_wait3A_686 = arith.constant 0 : i32
      %dma_wait3A_687 = tpu.memref_slice %arg7[%rem3A_684, %dma_wait3A_685, %dma_wait3A_686] : memref<6x128x128xf32, #tpu.memory_space<vmem>> -> memref<1x128x128xf32, #tpu.memory_space<vmem>>
      %dma_wait3A_688 = tpu.memref_squeeze %dma_wait3A_687 : memref<1x128x128xf32, #tpu.memory_space<vmem>> -> memref<128x128xf32, #tpu.memory_space<vmem>>
      %dma_wait3A_689 = arith.constant 0 : i32
      %dma_wait3A_690 = tpu.memref_slice %arg6[%add3A_682, %dma_wait3A_689] : memref<200x128xi32, #tpu.memory_space<vmem>> -> memref<1x128xi32, #tpu.memory_space<vmem>>
      %dma_wait3A_691 = tpu.memref_squeeze %dma_wait3A_690 : memref<1x128xi32, #tpu.memory_space<vmem>> -> memref<128xi32, #tpu.memory_space<vmem>>
      %dma_wait3A_692 = arith.constant 0 : i32
      %dma_wait3A_693 = arith.constant 0 : i32
      %dma_wait3A_694 = tpu.memref_slice %arg5[%dma_wait3A_692, %dma_wait3A_693] : memref<256x128xf32, #tpu.memory_space<vmem_shared>> -> memref<256x128xf32, #tpu.memory_space<vmem_shared>>
      %dma_wait3A_695 = tpu.memref_slice %arg8[%rem3A_684] : memref<6x!tpu.dma_semaphore, #tpu.memory_space<semaphore_mem>> -> memref<1x!tpu.dma_semaphore, #tpu.memory_space<semaphore_mem>>
      %dma_wait3A_696 = tpu.memref_squeeze %dma_wait3A_695 : memref<1x!tpu.dma_semaphore, #tpu.memory_space<semaphore_mem>> -> memref<!tpu.dma_semaphore, #tpu.memory_space<semaphore_mem>>
      tpu.wait_indirect_dma semaphore(%dma_wait3A_696 : memref<!tpu.dma_semaphore, #tpu.memory_space<semaphore_mem>>) src(%dma_wait3A_694 : memref<256x128xf32, #tpu.memory_space<vmem_shared>>) dst(%dma_wait3A_688 : memref<128x128xf32, #tpu.memory_space<vmem>>)
      %add3A_697 = arith.constant 10 : i32
      %add3A_698 = arith.addi %add3A_184, %add3A_697 : i32
      %dma_start3A_699 = arith.constant 0 : i32
      %dma_start3A_700 = arith.constant 0 : i32
      %dma_start3A_701 = tpu.memref_slice %arg7[%rem3A_684, %dma_start3A_699, %dma_start3A_700] : memref<6x128x128xf32, #tpu.memory_space<vmem>> -> memref<1x24x128xf32, #tpu.memory_space<vmem>>
      %dma_start3A_702 = tpu.memref_squeeze %dma_start3A_701 : memref<1x24x128xf32, #tpu.memory_space<vmem>> -> memref<24x128xf32, #tpu.memory_space<vmem>>
      %dma_start3A_703 = arith.constant 176 : i32
      %dma_start3A_704 = arith.constant 0 : i32
      %dma_start3A_705 = tpu.memref_slice %arg4[%add3A_698, %dma_start3A_703, %dma_start3A_704] : memref<4096x200x128xf32, #tpu.memory_space<hbm>> -> memref<1x24x128xf32, #tpu.memory_space<hbm>>
      %dma_start3A_706 = tpu.memref_squeeze %dma_start3A_705 : memref<1x24x128xf32, #tpu.memory_space<hbm>> -> memref<24x128xf32, #tpu.memory_space<hbm>>
      %dma_start3A_707 = tpu.memref_slice %arg9[%rem3A_684] : memref<6x!tpu.dma_semaphore, #tpu.memory_space<semaphore_mem>> -> memref<1x!tpu.dma_semaphore, #tpu.memory_space<semaphore_mem>>
      %dma_start3A_708 = tpu.memref_squeeze %dma_start3A_707 : memref<1x!tpu.dma_semaphore, #tpu.memory_space<semaphore_mem>> -> memref<!tpu.dma_semaphore, #tpu.memory_space<semaphore_mem>>
      %dma_start3A_709 = arith.constant 176 : i32
      %dma_start3A_710 = arith.constant 0 : i32
      %dma_start3A_711 = tpu.memref_slice %arg4[%add3A_698, %dma_start3A_709, %dma_start3A_710] : memref<4096x200x128xf32, #tpu.memory_space<hbm>> -> memref<1x24x128xf32, #tpu.memory_space<hbm>>
      %dma_start3A_712 = tpu.memref_squeeze %dma_start3A_711 : memref<1x24x128xf32, #tpu.memory_space<hbm>> -> memref<24x128xf32, #tpu.memory_space<hbm>>
      %dma_start3A_713 = arith.constant 0 : i32
      %dma_start3A_714 = arith.constant 0 : i32
      %dma_start3A_715 = tpu.memref_slice %arg7[%rem3A_684, %dma_start3A_713, %dma_start3A_714] : memref<6x128x128xf32, #tpu.memory_space<vmem>> -> memref<1x24x128xf32, #tpu.memory_space<vmem>>
      %dma_start3A_716 = tpu.memref_squeeze %dma_start3A_715 : memref<1x24x128xf32, #tpu.memory_space<vmem>> -> memref<24x128xf32, #tpu.memory_space<vmem>>
      tpu.enqueue_dma source(%dma_start3A_716 : memref<24x128xf32, #tpu.memory_space<vmem>>) target(%dma_start3A_712 : memref<24x128xf32, #tpu.memory_space<hbm>>) target_semaphore(%dma_start3A_708 : memref<!tpu.dma_semaphore, #tpu.memory_space<semaphore_mem>>)
      %add3A_717 = arith.constant 11 : i32
      %add3A_718 = arith.addi %add3A_184, %add3A_717 : i32
      %dma_start3A_719 = arith.constant 24 : i32
      %dma_start3A_720 = arith.constant 0 : i32
      %dma_start3A_721 = tpu.memref_slice %arg7[%rem3A_684, %dma_start3A_719, %dma_start3A_720] : memref<6x128x128xf32, #tpu.memory_space<vmem>> -> memref<1x72x128xf32, #tpu.memory_space<vmem>>
      %dma_start3A_722 = tpu.memref_squeeze %dma_start3A_721 : memref<1x72x128xf32, #tpu.memory_space<vmem>> -> memref<72x128xf32, #tpu.memory_space<vmem>>
      %dma_start3A_723 = arith.constant 128 : i32
      %dma_start3A_724 = arith.constant 0 : i32
      %dma_start3A_725 = tpu.memref_slice %arg4[%add3A_718, %dma_start3A_723, %dma_start3A_724] : memref<4096x200x128xf32, #tpu.memory_space<hbm>> -> memref<1x72x128xf32, #tpu.memory_space<hbm>>
      %dma_start3A_726 = tpu.memref_squeeze %dma_start3A_725 : memref<1x72x128xf32, #tpu.memory_space<hbm>> -> memref<72x128xf32, #tpu.memory_space<hbm>>
      %dma_start3A_727 = tpu.memref_slice %arg9[%rem3A_684] : memref<6x!tpu.dma_semaphore, #tpu.memory_space<semaphore_mem>> -> memref<1x!tpu.dma_semaphore, #tpu.memory_space<semaphore_mem>>
      %dma_start3A_728 = tpu.memref_squeeze %dma_start3A_727 : memref<1x!tpu.dma_semaphore, #tpu.memory_space<semaphore_mem>> -> memref<!tpu.dma_semaphore, #tpu.memory_space<semaphore_mem>>
      %dma_start3A_729 = arith.constant 128 : i32
      %dma_start3A_730 = arith.constant 0 : i32
      %dma_start3A_731 = tpu.memref_slice %arg4[%add3A_718, %dma_start3A_729, %dma_start3A_730] : memref<4096x200x128xf32, #tpu.memory_space<hbm>> -> memref<1x72x128xf32, #tpu.memory_space<hbm>>
      %dma_start3A_732 = tpu.memref_squeeze %dma_start3A_731 : memref<1x72x128xf32, #tpu.memory_space<hbm>> -> memref<72x128xf32, #tpu.memory_space<hbm>>
      %dma_start3A_733 = arith.constant 24 : i32
      %dma_start3A_734 = arith.constant 0 : i32
      %dma_start3A_735 = tpu.memref_slice %arg7[%rem3A_684, %dma_start3A_733, %dma_start3A_734] : memref<6x128x128xf32, #tpu.memory_space<vmem>> -> memref<1x72x128xf32, #tpu.memory_space<vmem>>
      %dma_start3A_736 = tpu.memref_squeeze %dma_start3A_735 : memref<1x72x128xf32, #tpu.memory_space<vmem>> -> memref<72x128xf32, #tpu.memory_space<vmem>>
      tpu.enqueue_dma source(%dma_start3A_736 : memref<72x128xf32, #tpu.memory_space<vmem>>) target(%dma_start3A_732 : memref<72x128xf32, #tpu.memory_space<hbm>>) target_semaphore(%dma_start3A_728 : memref<!tpu.dma_semaphore, #tpu.memory_space<semaphore_mem>>)
      %add3A_737 = arith.constant 12 : i32
      %add3A_738 = arith.addi %add3A_184, %add3A_737 : i32
      %dma_start3A_739 = arith.constant 96 : i32
      %dma_start3A_740 = arith.constant 0 : i32
      %dma_start3A_741 = tpu.memref_slice %arg7[%rem3A_684, %dma_start3A_739, %dma_start3A_740] : memref<6x128x128xf32, #tpu.memory_space<vmem>> -> memref<1x32x128xf32, #tpu.memory_space<vmem>>
      %dma_start3A_742 = tpu.memref_squeeze %dma_start3A_741 : memref<1x32x128xf32, #tpu.memory_space<vmem>> -> memref<32x128xf32, #tpu.memory_space<vmem>>
      %dma_start3A_743 = arith.constant 128 : i32
      %dma_start3A_744 = arith.constant 0 : i32
      %dma_start3A_745 = tpu.memref_slice %arg4[%add3A_738, %dma_start3A_743, %dma_start3A_744] : memref<4096x200x128xf32, #tpu.memory_space<hbm>> -> memref<1x32x128xf32, #tpu.memory_space<hbm>>
      %dma_start3A_746 = tpu.memref_squeeze %dma_start3A_745 : memref<1x32x128xf32, #tpu.memory_space<hbm>> -> memref<32x128xf32, #tpu.memory_space<hbm>>
      %dma_start3A_747 = tpu.memref_slice %arg9[%rem3A_684] : memref<6x!tpu.dma_semaphore, #tpu.memory_space<semaphore_mem>> -> memref<1x!tpu.dma_semaphore, #tpu.memory_space<semaphore_mem>>
      %dma_start3A_748 = tpu.memref_squeeze %dma_start3A_747 : memref<1x!tpu.dma_semaphore, #tpu.memory_space<semaphore_mem>> -> memref<!tpu.dma_semaphore, #tpu.memory_space<semaphore_mem>>
      %dma_start3A_749 = arith.constant 128 : i32
      %dma_start3A_750 = arith.constant 0 : i32
      %dma_start3A_751 = tpu.memref_slice %arg4[%add3A_738, %dma_start3A_749, %dma_start3A_750] : memref<4096x200x128xf32, #tpu.memory_space<hbm>> -> memref<1x32x128xf32, #tpu.memory_space<hbm>>
      %dma_start3A_752 = tpu.memref_squeeze %dma_start3A_751 : memref<1x32x128xf32, #tpu.memory_space<hbm>> -> memref<32x128xf32, #tpu.memory_space<hbm>>
      %dma_start3A_753 = arith.constant 96 : i32
      %dma_start3A_754 = arith.constant 0 : i32
      %dma_start3A_755 = tpu.memref_slice %arg7[%rem3A_684, %dma_start3A_753, %dma_start3A_754] : memref<6x128x128xf32, #tpu.memory_space<vmem>> -> memref<1x32x128xf32, #tpu.memory_space<vmem>>
      %dma_start3A_756 = tpu.memref_squeeze %dma_start3A_755 : memref<1x32x128xf32, #tpu.memory_space<vmem>> -> memref<32x128xf32, #tpu.memory_space<vmem>>
      tpu.enqueue_dma source(%dma_start3A_756 : memref<32x128xf32, #tpu.memory_space<vmem>>) target(%dma_start3A_752 : memref<32x128xf32, #tpu.memory_space<hbm>>) target_semaphore(%dma_start3A_748 : memref<!tpu.dma_semaphore, #tpu.memory_space<semaphore_mem>>)
      %add3A_757 = arith.constant 3 : i32
      %add3A_758 = arith.addi %add3A_682, %add3A_757 : i32
      %rem3A_759 = arith.constant 6 : i32
      %rem3A_760 = arith.remsi %add3A_758, %rem3A_759 : i32
      %lt3A_761 = arith.constant 200 : i32
      %lt3A_762 = arith.cmpi slt, %add3A_758, %lt3A_761 : i32
      %convert_element_type3A_763 = arith.extui %lt3A_762 : i1 to i32
      %cond3A_764 = arith.constant 0 : i32
      %cond3A_765 = arith.cmpi ne, %convert_element_type3A_763, %cond3A_764 : i32
      scf.if %cond3A_765 {
        %ge3A = arith.constant 6 : i32
        %ge3A_924 = arith.cmpi sge, %add3A_758, %ge3A : i32
        %convert_element_type3A_925 = arith.extui %ge3A_924 : i1 to i32
        %cond3A_926 = arith.constant 0 : i32
        %cond3A_927 = arith.cmpi ne, %convert_element_type3A_925, %cond3A_926 : i32
        scf.if %cond3A_927 {
          %dma_wait3A_940 = arith.constant 0 : i32
          %dma_wait3A_941 = arith.constant 0 : i32
          %dma_wait3A_942 = tpu.memref_slice %arg7[%rem3A_760, %dma_wait3A_940, %dma_wait3A_941] : memref<6x128x128xf32, #tpu.memory_space<vmem>> -> memref<1x128x128xf32, #tpu.memory_space<vmem>>
          %dma_wait3A_943 = tpu.memref_squeeze %dma_wait3A_942 : memref<1x128x128xf32, #tpu.memory_space<vmem>> -> memref<128x128xf32, #tpu.memory_space<vmem>>
          %dma_wait3A_944 = arith.constant 0 : i32
          %dma_wait3A_945 = arith.constant 0 : i32
          %dma_wait3A_946 = tpu.memref_slice %arg4[%mul3A_2, %dma_wait3A_944, %dma_wait3A_945] : memref<4096x200x128xf32, #tpu.memory_space<hbm>> -> memref<1x128x128xf32, #tpu.memory_space<hbm>>
          %dma_wait3A_947 = tpu.memref_squeeze %dma_wait3A_946 : memref<1x128x128xf32, #tpu.memory_space<hbm>> -> memref<128x128xf32, #tpu.memory_space<hbm>>
          %dma_wait3A_948 = tpu.memref_slice %arg9[%rem3A_760] : memref<6x!tpu.dma_semaphore, #tpu.memory_space<semaphore_mem>> -> memref<1x!tpu.dma_semaphore, #tpu.memory_space<semaphore_mem>>
          %dma_wait3A_949 = tpu.memref_squeeze %dma_wait3A_948 : memref<1x!tpu.dma_semaphore, #tpu.memory_space<semaphore_mem>> -> memref<!tpu.dma_semaphore, #tpu.memory_space<semaphore_mem>>
          %dma_wait3A_950 = arith.constant 0 : i32
          %dma_wait3A_951 = arith.constant 0 : i32
          %dma_wait3A_952 = tpu.memref_slice %arg4[%mul3A_2, %dma_wait3A_950, %dma_wait3A_951] : memref<4096x200x128xf32, #tpu.memory_space<hbm>> -> memref<1x128x128xf32, #tpu.memory_space<hbm>>
          %dma_wait3A_953 = tpu.memref_squeeze %dma_wait3A_952 : memref<1x128x128xf32, #tpu.memory_space<hbm>> -> memref<128x128xf32, #tpu.memory_space<hbm>>
          %dma_wait3A_954 = arith.constant 0 : i32
          %dma_wait3A_955 = arith.constant 0 : i32
          %dma_wait3A_956 = tpu.memref_slice %arg7[%rem3A_760, %dma_wait3A_954, %dma_wait3A_955] : memref<6x128x128xf32, #tpu.memory_space<vmem>> -> memref<1x128x128xf32, #tpu.memory_space<vmem>>
          %dma_wait3A_957 = tpu.memref_squeeze %dma_wait3A_956 : memref<1x128x128xf32, #tpu.memory_space<vmem>> -> memref<128x128xf32, #tpu.memory_space<vmem>>
          tpu.wait_dma2 semaphore(%dma_wait3A_949 : memref<!tpu.dma_semaphore, #tpu.memory_space<semaphore_mem>>) src(%dma_wait3A_957 : memref<128x128xf32, #tpu.memory_space<vmem>>) dst(%dma_wait3A_953 : memref<128x128xf32, #tpu.memory_space<hbm>>)
        } else {
        }
        %dma_start3A_928 = arith.constant 0 : i32
        %dma_start3A_929 = arith.constant 0 : i32
        %dma_start3A_930 = tpu.memref_slice %arg7[%rem3A_760, %dma_start3A_928, %dma_start3A_929] : memref<6x128x128xf32, #tpu.memory_space<vmem>> -> memref<1x128x128xf32, #tpu.memory_space<vmem>>
        %dma_start3A_931 = tpu.memref_squeeze %dma_start3A_930 : memref<1x128x128xf32, #tpu.memory_space<vmem>> -> memref<128x128xf32, #tpu.memory_space<vmem>>
        %dma_start3A_932 = arith.constant 0 : i32
        %dma_start3A_933 = tpu.memref_slice %arg6[%add3A_758, %dma_start3A_932] : memref<200x128xi32, #tpu.memory_space<vmem>> -> memref<1x128xi32, #tpu.memory_space<vmem>>
        %dma_start3A_934 = tpu.memref_squeeze %dma_start3A_933 : memref<1x128xi32, #tpu.memory_space<vmem>> -> memref<128xi32, #tpu.memory_space<vmem>>
        %dma_start3A_935 = arith.constant 0 : i32
        %dma_start3A_936 = arith.constant 0 : i32
        %dma_start3A_937 = tpu.memref_slice %arg5[%dma_start3A_935, %dma_start3A_936] : memref<256x128xf32, #tpu.memory_space<vmem_shared>> -> memref<256x128xf32, #tpu.memory_space<vmem_shared>>
        %dma_start3A_938 = tpu.memref_slice %arg8[%rem3A_760] : memref<6x!tpu.dma_semaphore, #tpu.memory_space<semaphore_mem>> -> memref<1x!tpu.dma_semaphore, #tpu.memory_space<semaphore_mem>>
        %dma_start3A_939 = tpu.memref_squeeze %dma_start3A_938 : memref<1x!tpu.dma_semaphore, #tpu.memory_space<semaphore_mem>> -> memref<!tpu.dma_semaphore, #tpu.memory_space<semaphore_mem>>
        tpu.enqueue_indirect_dma source(%dma_start3A_937 : memref<256x128xf32, #tpu.memory_space<vmem_shared>>) target(%dma_start3A_931 : memref<128x128xf32, #tpu.memory_space<vmem>>) offsets(%dma_start3A_934 : memref<128xi32, #tpu.memory_space<vmem>>) semaphore(%dma_start3A_939 : memref<!tpu.dma_semaphore, #tpu.memory_space<semaphore_mem>>)
      } else {
      }
      %mul3A_766 = arith.constant 9 : i32
      %mul3A_767 = arith.muli %scan3A_181, %mul3A_766 : i32
      %add3A_768 = arith.constant 128 : i32
      %add3A_769 = arith.addi %add3A_768, %mul3A_767 : i32
      %add3A_770 = arith.constant 7 : i32
      %add3A_771 = arith.addi %add3A_769, %add3A_770 : i32
      %rem3A_772 = arith.constant 6 : i32
      %rem3A_773 = arith.remsi %add3A_771, %rem3A_772 : i32
      %dma_wait3A_774 = arith.constant 0 : i32
      %dma_wait3A_775 = arith.constant 0 : i32
      %dma_wait3A_776 = tpu.memref_slice %arg7[%rem3A_773, %dma_wait3A_774, %dma_wait3A_775] : memref<6x128x128xf32, #tpu.memory_space<vmem>> -> memref<1x128x128xf32, #tpu.memory_space<vmem>>
      %dma_wait3A_777 = tpu.memref_squeeze %dma_wait3A_776 : memref<1x128x128xf32, #tpu.memory_space<vmem>> -> memref<128x128xf32, #tpu.memory_space<vmem>>
      %dma_wait3A_778 = arith.constant 0 : i32
      %dma_wait3A_779 = tpu.memref_slice %arg6[%add3A_771, %dma_wait3A_778] : memref<200x128xi32, #tpu.memory_space<vmem>> -> memref<1x128xi32, #tpu.memory_space<vmem>>
      %dma_wait3A_780 = tpu.memref_squeeze %dma_wait3A_779 : memref<1x128xi32, #tpu.memory_space<vmem>> -> memref<128xi32, #tpu.memory_space<vmem>>
      %dma_wait3A_781 = arith.constant 0 : i32
      %dma_wait3A_782 = arith.constant 0 : i32
      %dma_wait3A_783 = tpu.memref_slice %arg5[%dma_wait3A_781, %dma_wait3A_782] : memref<256x128xf32, #tpu.memory_space<vmem_shared>> -> memref<256x128xf32, #tpu.memory_space<vmem_shared>>
      %dma_wait3A_784 = tpu.memref_slice %arg8[%rem3A_773] : memref<6x!tpu.dma_semaphore, #tpu.memory_space<semaphore_mem>> -> memref<1x!tpu.dma_semaphore, #tpu.memory_space<semaphore_mem>>
      %dma_wait3A_785 = tpu.memref_squeeze %dma_wait3A_784 : memref<1x!tpu.dma_semaphore, #tpu.memory_space<semaphore_mem>> -> memref<!tpu.dma_semaphore, #tpu.memory_space<semaphore_mem>>
      tpu.wait_indirect_dma semaphore(%dma_wait3A_785 : memref<!tpu.dma_semaphore, #tpu.memory_space<semaphore_mem>>) src(%dma_wait3A_783 : memref<256x128xf32, #tpu.memory_space<vmem_shared>>) dst(%dma_wait3A_777 : memref<128x128xf32, #tpu.memory_space<vmem>>)
      %add3A_786 = arith.constant 12 : i32
      %add3A_787 = arith.addi %add3A_184, %add3A_786 : i32
      %dma_start3A_788 = arith.constant 0 : i32
      %dma_start3A_789 = arith.constant 0 : i32
      %dma_start3A_790 = tpu.memref_slice %arg7[%rem3A_773, %dma_start3A_788, %dma_start3A_789] : memref<6x128x128xf32, #tpu.memory_space<vmem>> -> memref<1x40x128xf32, #tpu.memory_space<vmem>>
      %dma_start3A_791 = tpu.memref_squeeze %dma_start3A_790 : memref<1x40x128xf32, #tpu.memory_space<vmem>> -> memref<40x128xf32, #tpu.memory_space<vmem>>
      %dma_start3A_792 = arith.constant 160 : i32
      %dma_start3A_793 = arith.constant 0 : i32
      %dma_start3A_794 = tpu.memref_slice %arg4[%add3A_787, %dma_start3A_792, %dma_start3A_793] : memref<4096x200x128xf32, #tpu.memory_space<hbm>> -> memref<1x40x128xf32, #tpu.memory_space<hbm>>
      %dma_start3A_795 = tpu.memref_squeeze %dma_start3A_794 : memref<1x40x128xf32, #tpu.memory_space<hbm>> -> memref<40x128xf32, #tpu.memory_space<hbm>>
      %dma_start3A_796 = tpu.memref_slice %arg9[%rem3A_773] : memref<6x!tpu.dma_semaphore, #tpu.memory_space<semaphore_mem>> -> memref<1x!tpu.dma_semaphore, #tpu.memory_space<semaphore_mem>>
      %dma_start3A_797 = tpu.memref_squeeze %dma_start3A_796 : memref<1x!tpu.dma_semaphore, #tpu.memory_space<semaphore_mem>> -> memref<!tpu.dma_semaphore, #tpu.memory_space<semaphore_mem>>
      %dma_start3A_798 = arith.constant 160 : i32
      %dma_start3A_799 = arith.constant 0 : i32
      %dma_start3A_800 = tpu.memref_slice %arg4[%add3A_787, %dma_start3A_798, %dma_start3A_799] : memref<4096x200x128xf32, #tpu.memory_space<hbm>> -> memref<1x40x128xf32, #tpu.memory_space<hbm>>
      %dma_start3A_801 = tpu.memref_squeeze %dma_start3A_800 : memref<1x40x128xf32, #tpu.memory_space<hbm>> -> memref<40x128xf32, #tpu.memory_space<hbm>>
      %dma_start3A_802 = arith.constant 0 : i32
      %dma_start3A_803 = arith.constant 0 : i32
      %dma_start3A_804 = tpu.memref_slice %arg7[%rem3A_773, %dma_start3A_802, %dma_start3A_803] : memref<6x128x128xf32, #tpu.memory_space<vmem>> -> memref<1x40x128xf32, #tpu.memory_space<vmem>>
      %dma_start3A_805 = tpu.memref_squeeze %dma_start3A_804 : memref<1x40x128xf32, #tpu.memory_space<vmem>> -> memref<40x128xf32, #tpu.memory_space<vmem>>
      tpu.enqueue_dma source(%dma_start3A_805 : memref<40x128xf32, #tpu.memory_space<vmem>>) target(%dma_start3A_801 : memref<40x128xf32, #tpu.memory_space<hbm>>) target_semaphore(%dma_start3A_797 : memref<!tpu.dma_semaphore, #tpu.memory_space<semaphore_mem>>)
      %add3A_806 = arith.constant 13 : i32
      %add3A_807 = arith.addi %add3A_184, %add3A_806 : i32
      %dma_start3A_808 = arith.constant 40 : i32
      %dma_start3A_809 = arith.constant 0 : i32
      %dma_start3A_810 = tpu.memref_slice %arg7[%rem3A_773, %dma_start3A_808, %dma_start3A_809] : memref<6x128x128xf32, #tpu.memory_space<vmem>> -> memref<1x72x128xf32, #tpu.memory_space<vmem>>
      %dma_start3A_811 = tpu.memref_squeeze %dma_start3A_810 : memref<1x72x128xf32, #tpu.memory_space<vmem>> -> memref<72x128xf32, #tpu.memory_space<vmem>>
      %dma_start3A_812 = arith.constant 128 : i32
      %dma_start3A_813 = arith.constant 0 : i32
      %dma_start3A_814 = tpu.memref_slice %arg4[%add3A_807, %dma_start3A_812, %dma_start3A_813] : memref<4096x200x128xf32, #tpu.memory_space<hbm>> -> memref<1x72x128xf32, #tpu.memory_space<hbm>>
      %dma_start3A_815 = tpu.memref_squeeze %dma_start3A_814 : memref<1x72x128xf32, #tpu.memory_space<hbm>> -> memref<72x128xf32, #tpu.memory_space<hbm>>
      %dma_start3A_816 = tpu.memref_slice %arg9[%rem3A_773] : memref<6x!tpu.dma_semaphore, #tpu.memory_space<semaphore_mem>> -> memref<1x!tpu.dma_semaphore, #tpu.memory_space<semaphore_mem>>
      %dma_start3A_817 = tpu.memref_squeeze %dma_start3A_816 : memref<1x!tpu.dma_semaphore, #tpu.memory_space<semaphore_mem>> -> memref<!tpu.dma_semaphore, #tpu.memory_space<semaphore_mem>>
      %dma_start3A_818 = arith.constant 128 : i32
      %dma_start3A_819 = arith.constant 0 : i32
      %dma_start3A_820 = tpu.memref_slice %arg4[%add3A_807, %dma_start3A_818, %dma_start3A_819] : memref<4096x200x128xf32, #tpu.memory_space<hbm>> -> memref<1x72x128xf32, #tpu.memory_space<hbm>>
      %dma_start3A_821 = tpu.memref_squeeze %dma_start3A_820 : memref<1x72x128xf32, #tpu.memory_space<hbm>> -> memref<72x128xf32, #tpu.memory_space<hbm>>
      %dma_start3A_822 = arith.constant 40 : i32
      %dma_start3A_823 = arith.constant 0 : i32
      %dma_start3A_824 = tpu.memref_slice %arg7[%rem3A_773, %dma_start3A_822, %dma_start3A_823] : memref<6x128x128xf32, #tpu.memory_space<vmem>> -> memref<1x72x128xf32, #tpu.memory_space<vmem>>
      %dma_start3A_825 = tpu.memref_squeeze %dma_start3A_824 : memref<1x72x128xf32, #tpu.memory_space<vmem>> -> memref<72x128xf32, #tpu.memory_space<vmem>>
      tpu.enqueue_dma source(%dma_start3A_825 : memref<72x128xf32, #tpu.memory_space<vmem>>) target(%dma_start3A_821 : memref<72x128xf32, #tpu.memory_space<hbm>>) target_semaphore(%dma_start3A_817 : memref<!tpu.dma_semaphore, #tpu.memory_space<semaphore_mem>>)
      %add3A_826 = arith.constant 14 : i32
      %add3A_827 = arith.addi %add3A_184, %add3A_826 : i32
      %dma_start3A_828 = arith.constant 112 : i32
      %dma_start3A_829 = arith.constant 0 : i32
      %dma_start3A_830 = tpu.memref_slice %arg7[%rem3A_773, %dma_start3A_828, %dma_start3A_829] : memref<6x128x128xf32, #tpu.memory_space<vmem>> -> memref<1x16x128xf32, #tpu.memory_space<vmem>>
      %dma_start3A_831 = tpu.memref_squeeze %dma_start3A_830 : memref<1x16x128xf32, #tpu.memory_space<vmem>> -> memref<16x128xf32, #tpu.memory_space<vmem>>
      %dma_start3A_832 = arith.constant 128 : i32
      %dma_start3A_833 = arith.constant 0 : i32
      %dma_start3A_834 = tpu.memref_slice %arg4[%add3A_827, %dma_start3A_832, %dma_start3A_833] : memref<4096x200x128xf32, #tpu.memory_space<hbm>> -> memref<1x16x128xf32, #tpu.memory_space<hbm>>
      %dma_start3A_835 = tpu.memref_squeeze %dma_start3A_834 : memref<1x16x128xf32, #tpu.memory_space<hbm>> -> memref<16x128xf32, #tpu.memory_space<hbm>>
      %dma_start3A_836 = tpu.memref_slice %arg9[%rem3A_773] : memref<6x!tpu.dma_semaphore, #tpu.memory_space<semaphore_mem>> -> memref<1x!tpu.dma_semaphore, #tpu.memory_space<semaphore_mem>>
      %dma_start3A_837 = tpu.memref_squeeze %dma_start3A_836 : memref<1x!tpu.dma_semaphore, #tpu.memory_space<semaphore_mem>> -> memref<!tpu.dma_semaphore, #tpu.memory_space<semaphore_mem>>
      %dma_start3A_838 = arith.constant 128 : i32
      %dma_start3A_839 = arith.constant 0 : i32
      %dma_start3A_840 = tpu.memref_slice %arg4[%add3A_827, %dma_start3A_838, %dma_start3A_839] : memref<4096x200x128xf32, #tpu.memory_space<hbm>> -> memref<1x16x128xf32, #tpu.memory_space<hbm>>
      %dma_start3A_841 = tpu.memref_squeeze %dma_start3A_840 : memref<1x16x128xf32, #tpu.memory_space<hbm>> -> memref<16x128xf32, #tpu.memory_space<hbm>>
      %dma_start3A_842 = arith.constant 112 : i32
      %dma_start3A_843 = arith.constant 0 : i32
      %dma_start3A_844 = tpu.memref_slice %arg7[%rem3A_773, %dma_start3A_842, %dma_start3A_843] : memref<6x128x128xf32, #tpu.memory_space<vmem>> -> memref<1x16x128xf32, #tpu.memory_space<vmem>>
      %dma_start3A_845 = tpu.memref_squeeze %dma_start3A_844 : memref<1x16x128xf32, #tpu.memory_space<vmem>> -> memref<16x128xf32, #tpu.memory_space<vmem>>
      tpu.enqueue_dma source(%dma_start3A_845 : memref<16x128xf32, #tpu.memory_space<vmem>>) target(%dma_start3A_841 : memref<16x128xf32, #tpu.memory_space<hbm>>) target_semaphore(%dma_start3A_837 : memref<!tpu.dma_semaphore, #tpu.memory_space<semaphore_mem>>)
      %add3A_846 = arith.constant 3 : i32
      %add3A_847 = arith.addi %add3A_771, %add3A_846 : i32
      %rem3A_848 = arith.constant 6 : i32
      %rem3A_849 = arith.remsi %add3A_847, %rem3A_848 : i32
      %lt3A_850 = arith.constant 200 : i32
      %lt3A_851 = arith.cmpi slt, %add3A_847, %lt3A_850 : i32
      %convert_element_type3A_852 = arith.extui %lt3A_851 : i1 to i32
      %cond3A_853 = arith.constant 0 : i32
      %cond3A_854 = arith.cmpi ne, %convert_element_type3A_852, %cond3A_853 : i32
      scf.if %cond3A_854 {
        %ge3A = arith.constant 6 : i32
        %ge3A_924 = arith.cmpi sge, %add3A_847, %ge3A : i32
        %convert_element_type3A_925 = arith.extui %ge3A_924 : i1 to i32
        %cond3A_926 = arith.constant 0 : i32
        %cond3A_927 = arith.cmpi ne, %convert_element_type3A_925, %cond3A_926 : i32
        scf.if %cond3A_927 {
          %dma_wait3A_940 = arith.constant 0 : i32
          %dma_wait3A_941 = arith.constant 0 : i32
          %dma_wait3A_942 = tpu.memref_slice %arg7[%rem3A_849, %dma_wait3A_940, %dma_wait3A_941] : memref<6x128x128xf32, #tpu.memory_space<vmem>> -> memref<1x128x128xf32, #tpu.memory_space<vmem>>
          %dma_wait3A_943 = tpu.memref_squeeze %dma_wait3A_942 : memref<1x128x128xf32, #tpu.memory_space<vmem>> -> memref<128x128xf32, #tpu.memory_space<vmem>>
          %dma_wait3A_944 = arith.constant 0 : i32
          %dma_wait3A_945 = arith.constant 0 : i32
          %dma_wait3A_946 = tpu.memref_slice %arg4[%mul3A_2, %dma_wait3A_944, %dma_wait3A_945] : memref<4096x200x128xf32, #tpu.memory_space<hbm>> -> memref<1x128x128xf32, #tpu.memory_space<hbm>>
          %dma_wait3A_947 = tpu.memref_squeeze %dma_wait3A_946 : memref<1x128x128xf32, #tpu.memory_space<hbm>> -> memref<128x128xf32, #tpu.memory_space<hbm>>
          %dma_wait3A_948 = tpu.memref_slice %arg9[%rem3A_849] : memref<6x!tpu.dma_semaphore, #tpu.memory_space<semaphore_mem>> -> memref<1x!tpu.dma_semaphore, #tpu.memory_space<semaphore_mem>>
          %dma_wait3A_949 = tpu.memref_squeeze %dma_wait3A_948 : memref<1x!tpu.dma_semaphore, #tpu.memory_space<semaphore_mem>> -> memref<!tpu.dma_semaphore, #tpu.memory_space<semaphore_mem>>
          %dma_wait3A_950 = arith.constant 0 : i32
          %dma_wait3A_951 = arith.constant 0 : i32
          %dma_wait3A_952 = tpu.memref_slice %arg4[%mul3A_2, %dma_wait3A_950, %dma_wait3A_951] : memref<4096x200x128xf32, #tpu.memory_space<hbm>> -> memref<1x128x128xf32, #tpu.memory_space<hbm>>
          %dma_wait3A_953 = tpu.memref_squeeze %dma_wait3A_952 : memref<1x128x128xf32, #tpu.memory_space<hbm>> -> memref<128x128xf32, #tpu.memory_space<hbm>>
          %dma_wait3A_954 = arith.constant 0 : i32
          %dma_wait3A_955 = arith.constant 0 : i32
          %dma_wait3A_956 = tpu.memref_slice %arg7[%rem3A_849, %dma_wait3A_954, %dma_wait3A_955] : memref<6x128x128xf32, #tpu.memory_space<vmem>> -> memref<1x128x128xf32, #tpu.memory_space<vmem>>
          %dma_wait3A_957 = tpu.memref_squeeze %dma_wait3A_956 : memref<1x128x128xf32, #tpu.memory_space<vmem>> -> memref<128x128xf32, #tpu.memory_space<vmem>>
          tpu.wait_dma2 semaphore(%dma_wait3A_949 : memref<!tpu.dma_semaphore, #tpu.memory_space<semaphore_mem>>) src(%dma_wait3A_957 : memref<128x128xf32, #tpu.memory_space<vmem>>) dst(%dma_wait3A_953 : memref<128x128xf32, #tpu.memory_space<hbm>>)
        } else {
        }
        %dma_start3A_928 = arith.constant 0 : i32
        %dma_start3A_929 = arith.constant 0 : i32
        %dma_start3A_930 = tpu.memref_slice %arg7[%rem3A_849, %dma_start3A_928, %dma_start3A_929] : memref<6x128x128xf32, #tpu.memory_space<vmem>> -> memref<1x128x128xf32, #tpu.memory_space<vmem>>
        %dma_start3A_931 = tpu.memref_squeeze %dma_start3A_930 : memref<1x128x128xf32, #tpu.memory_space<vmem>> -> memref<128x128xf32, #tpu.memory_space<vmem>>
        %dma_start3A_932 = arith.constant 0 : i32
        %dma_start3A_933 = tpu.memref_slice %arg6[%add3A_847, %dma_start3A_932] : memref<200x128xi32, #tpu.memory_space<vmem>> -> memref<1x128xi32, #tpu.memory_space<vmem>>
        %dma_start3A_934 = tpu.memref_squeeze %dma_start3A_933 : memref<1x128xi32, #tpu.memory_space<vmem>> -> memref<128xi32, #tpu.memory_space<vmem>>
        %dma_start3A_935 = arith.constant 0 : i32
        %dma_start3A_936 = arith.constant 0 : i32
        %dma_start3A_937 = tpu.memref_slice %arg5[%dma_start3A_935, %dma_start3A_936] : memref<256x128xf32, #tpu.memory_space<vmem_shared>> -> memref<256x128xf32, #tpu.memory_space<vmem_shared>>
        %dma_start3A_938 = tpu.memref_slice %arg8[%rem3A_849] : memref<6x!tpu.dma_semaphore, #tpu.memory_space<semaphore_mem>> -> memref<1x!tpu.dma_semaphore, #tpu.memory_space<semaphore_mem>>
        %dma_start3A_939 = tpu.memref_squeeze %dma_start3A_938 : memref<1x!tpu.dma_semaphore, #tpu.memory_space<semaphore_mem>> -> memref<!tpu.dma_semaphore, #tpu.memory_space<semaphore_mem>>
        tpu.enqueue_indirect_dma source(%dma_start3A_937 : memref<256x128xf32, #tpu.memory_space<vmem_shared>>) target(%dma_start3A_931 : memref<128x128xf32, #tpu.memory_space<vmem>>) offsets(%dma_start3A_934 : memref<128xi32, #tpu.memory_space<vmem>>) semaphore(%dma_start3A_939 : memref<!tpu.dma_semaphore, #tpu.memory_space<semaphore_mem>>)
      } else {
      }
      %mul3A_855 = arith.constant 9 : i32
      %mul3A_856 = arith.muli %scan3A_181, %mul3A_855 : i32
      %add3A_857 = arith.constant 128 : i32
      %add3A_858 = arith.addi %add3A_857, %mul3A_856 : i32
      %add3A_859 = arith.constant 8 : i32
      %add3A_860 = arith.addi %add3A_858, %add3A_859 : i32
      %rem3A_861 = arith.constant 6 : i32
      %rem3A_862 = arith.remsi %add3A_860, %rem3A_861 : i32
      %dma_wait3A_863 = arith.constant 0 : i32
      %dma_wait3A_864 = arith.constant 0 : i32
      %dma_wait3A_865 = tpu.memref_slice %arg7[%rem3A_862, %dma_wait3A_863, %dma_wait3A_864] : memref<6x128x128xf32, #tpu.memory_space<vmem>> -> memref<1x128x128xf32, #tpu.memory_space<vmem>>
      %dma_wait3A_866 = tpu.memref_squeeze %dma_wait3A_865 : memref<1x128x128xf32, #tpu.memory_space<vmem>> -> memref<128x128xf32, #tpu.memory_space<vmem>>
      %dma_wait3A_867 = arith.constant 0 : i32
      %dma_wait3A_868 = tpu.memref_slice %arg6[%add3A_860, %dma_wait3A_867] : memref<200x128xi32, #tpu.memory_space<vmem>> -> memref<1x128xi32, #tpu.memory_space<vmem>>
      %dma_wait3A_869 = tpu.memref_squeeze %dma_wait3A_868 : memref<1x128xi32, #tpu.memory_space<vmem>> -> memref<128xi32, #tpu.memory_space<vmem>>
      %dma_wait3A_870 = arith.constant 0 : i32
      %dma_wait3A_871 = arith.constant 0 : i32
      %dma_wait3A_872 = tpu.memref_slice %arg5[%dma_wait3A_870, %dma_wait3A_871] : memref<256x128xf32, #tpu.memory_space<vmem_shared>> -> memref<256x128xf32, #tpu.memory_space<vmem_shared>>
      %dma_wait3A_873 = tpu.memref_slice %arg8[%rem3A_862] : memref<6x!tpu.dma_semaphore, #tpu.memory_space<semaphore_mem>> -> memref<1x!tpu.dma_semaphore, #tpu.memory_space<semaphore_mem>>
      %dma_wait3A_874 = tpu.memref_squeeze %dma_wait3A_873 : memref<1x!tpu.dma_semaphore, #tpu.memory_space<semaphore_mem>> -> memref<!tpu.dma_semaphore, #tpu.memory_space<semaphore_mem>>
      tpu.wait_indirect_dma semaphore(%dma_wait3A_874 : memref<!tpu.dma_semaphore, #tpu.memory_space<semaphore_mem>>) src(%dma_wait3A_872 : memref<256x128xf32, #tpu.memory_space<vmem_shared>>) dst(%dma_wait3A_866 : memref<128x128xf32, #tpu.memory_space<vmem>>)
      %add3A_875 = arith.constant 14 : i32
      %add3A_876 = arith.addi %add3A_184, %add3A_875 : i32
      %dma_start3A_877 = arith.constant 0 : i32
      %dma_start3A_878 = arith.constant 0 : i32
      %dma_start3A_879 = tpu.memref_slice %arg7[%rem3A_862, %dma_start3A_877, %dma_start3A_878] : memref<6x128x128xf32, #tpu.memory_space<vmem>> -> memref<1x56x128xf32, #tpu.memory_space<vmem>>
      %dma_start3A_880 = tpu.memref_squeeze %dma_start3A_879 : memref<1x56x128xf32, #tpu.memory_space<vmem>> -> memref<56x128xf32, #tpu.memory_space<vmem>>
      %dma_start3A_881 = arith.constant 144 : i32
      %dma_start3A_882 = arith.constant 0 : i32
      %dma_start3A_883 = tpu.memref_slice %arg4[%add3A_876, %dma_start3A_881, %dma_start3A_882] : memref<4096x200x128xf32, #tpu.memory_space<hbm>> -> memref<1x56x128xf32, #tpu.memory_space<hbm>>
      %dma_start3A_884 = tpu.memref_squeeze %dma_start3A_883 : memref<1x56x128xf32, #tpu.memory_space<hbm>> -> memref<56x128xf32, #tpu.memory_space<hbm>>
      %dma_start3A_885 = tpu.memref_slice %arg9[%rem3A_862] : memref<6x!tpu.dma_semaphore, #tpu.memory_space<semaphore_mem>> -> memref<1x!tpu.dma_semaphore, #tpu.memory_space<semaphore_mem>>
      %dma_start3A_886 = tpu.memref_squeeze %dma_start3A_885 : memref<1x!tpu.dma_semaphore, #tpu.memory_space<semaphore_mem>> -> memref<!tpu.dma_semaphore, #tpu.memory_space<semaphore_mem>>
      %dma_start3A_887 = arith.constant 144 : i32
      %dma_start3A_888 = arith.constant 0 : i32
      %dma_start3A_889 = tpu.memref_slice %arg4[%add3A_876, %dma_start3A_887, %dma_start3A_888] : memref<4096x200x128xf32, #tpu.memory_space<hbm>> -> memref<1x56x128xf32, #tpu.memory_space<hbm>>
      %dma_start3A_890 = tpu.memref_squeeze %dma_start3A_889 : memref<1x56x128xf32, #tpu.memory_space<hbm>> -> memref<56x128xf32, #tpu.memory_space<hbm>>
      %dma_start3A_891 = arith.constant 0 : i32
      %dma_start3A_892 = arith.constant 0 : i32
      %dma_start3A_893 = tpu.memref_slice %arg7[%rem3A_862, %dma_start3A_891, %dma_start3A_892] : memref<6x128x128xf32, #tpu.memory_space<vmem>> -> memref<1x56x128xf32, #tpu.memory_space<vmem>>
      %dma_start3A_894 = tpu.memref_squeeze %dma_start3A_893 : memref<1x56x128xf32, #tpu.memory_space<vmem>> -> memref<56x128xf32, #tpu.memory_space<vmem>>
      tpu.enqueue_dma source(%dma_start3A_894 : memref<56x128xf32, #tpu.memory_space<vmem>>) target(%dma_start3A_890 : memref<56x128xf32, #tpu.memory_space<hbm>>) target_semaphore(%dma_start3A_886 : memref<!tpu.dma_semaphore, #tpu.memory_space<semaphore_mem>>)
      %add3A_895 = arith.constant 15 : i32
      %add3A_896 = arith.addi %add3A_184, %add3A_895 : i32
      %dma_start3A_897 = arith.constant 56 : i32
      %dma_start3A_898 = arith.constant 0 : i32
      %dma_start3A_899 = tpu.memref_slice %arg7[%rem3A_862, %dma_start3A_897, %dma_start3A_898] : memref<6x128x128xf32, #tpu.memory_space<vmem>> -> memref<1x72x128xf32, #tpu.memory_space<vmem>>
      %dma_start3A_900 = tpu.memref_squeeze %dma_start3A_899 : memref<1x72x128xf32, #tpu.memory_space<vmem>> -> memref<72x128xf32, #tpu.memory_space<vmem>>
      %dma_start3A_901 = arith.constant 128 : i32
      %dma_start3A_902 = arith.constant 0 : i32
      %dma_start3A_903 = tpu.memref_slice %arg4[%add3A_896, %dma_start3A_901, %dma_start3A_902] : memref<4096x200x128xf32, #tpu.memory_space<hbm>> -> memref<1x72x128xf32, #tpu.memory_space<hbm>>
      %dma_start3A_904 = tpu.memref_squeeze %dma_start3A_903 : memref<1x72x128xf32, #tpu.memory_space<hbm>> -> memref<72x128xf32, #tpu.memory_space<hbm>>
      %dma_start3A_905 = tpu.memref_slice %arg9[%rem3A_862] : memref<6x!tpu.dma_semaphore, #tpu.memory_space<semaphore_mem>> -> memref<1x!tpu.dma_semaphore, #tpu.memory_space<semaphore_mem>>
      %dma_start3A_906 = tpu.memref_squeeze %dma_start3A_905 : memref<1x!tpu.dma_semaphore, #tpu.memory_space<semaphore_mem>> -> memref<!tpu.dma_semaphore, #tpu.memory_space<semaphore_mem>>
      %dma_start3A_907 = arith.constant 128 : i32
      %dma_start3A_908 = arith.constant 0 : i32
      %dma_start3A_909 = tpu.memref_slice %arg4[%add3A_896, %dma_start3A_907, %dma_start3A_908] : memref<4096x200x128xf32, #tpu.memory_space<hbm>> -> memref<1x72x128xf32, #tpu.memory_space<hbm>>
      %dma_start3A_910 = tpu.memref_squeeze %dma_start3A_909 : memref<1x72x128xf32, #tpu.memory_space<hbm>> -> memref<72x128xf32, #tpu.memory_space<hbm>>
      %dma_start3A_911 = arith.constant 56 : i32
      %dma_start3A_912 = arith.constant 0 : i32
      %dma_start3A_913 = tpu.memref_slice %arg7[%rem3A_862, %dma_start3A_911, %dma_start3A_912] : memref<6x128x128xf32, #tpu.memory_space<vmem>> -> memref<1x72x128xf32, #tpu.memory_space<vmem>>
      %dma_start3A_914 = tpu.memref_squeeze %dma_start3A_913 : memref<1x72x128xf32, #tpu.memory_space<vmem>> -> memref<72x128xf32, #tpu.memory_space<vmem>>
      tpu.enqueue_dma source(%dma_start3A_914 : memref<72x128xf32, #tpu.memory_space<vmem>>) target(%dma_start3A_910 : memref<72x128xf32, #tpu.memory_space<hbm>>) target_semaphore(%dma_start3A_906 : memref<!tpu.dma_semaphore, #tpu.memory_space<semaphore_mem>>)
      %add3A_915 = arith.constant 3 : i32
      %add3A_916 = arith.addi %add3A_860, %add3A_915 : i32
      %rem3A_917 = arith.constant 6 : i32
      %rem3A_918 = arith.remsi %add3A_916, %rem3A_917 : i32
      %lt3A_919 = arith.constant 200 : i32
      %lt3A_920 = arith.cmpi slt, %add3A_916, %lt3A_919 : i32
      %convert_element_type3A_921 = arith.extui %lt3A_920 : i1 to i32
      %cond3A_922 = arith.constant 0 : i32
      %cond3A_923 = arith.cmpi ne, %convert_element_type3A_921, %cond3A_922 : i32
      scf.if %cond3A_923 {
        %ge3A = arith.constant 6 : i32
        %ge3A_924 = arith.cmpi sge, %add3A_916, %ge3A : i32
        %convert_element_type3A_925 = arith.extui %ge3A_924 : i1 to i32
        %cond3A_926 = arith.constant 0 : i32
        %cond3A_927 = arith.cmpi ne, %convert_element_type3A_925, %cond3A_926 : i32
        scf.if %cond3A_927 {
          %dma_wait3A_940 = arith.constant 0 : i32
          %dma_wait3A_941 = arith.constant 0 : i32
          %dma_wait3A_942 = tpu.memref_slice %arg7[%rem3A_918, %dma_wait3A_940, %dma_wait3A_941] : memref<6x128x128xf32, #tpu.memory_space<vmem>> -> memref<1x128x128xf32, #tpu.memory_space<vmem>>
          %dma_wait3A_943 = tpu.memref_squeeze %dma_wait3A_942 : memref<1x128x128xf32, #tpu.memory_space<vmem>> -> memref<128x128xf32, #tpu.memory_space<vmem>>
          %dma_wait3A_944 = arith.constant 0 : i32
          %dma_wait3A_945 = arith.constant 0 : i32
          %dma_wait3A_946 = tpu.memref_slice %arg4[%mul3A_2, %dma_wait3A_944, %dma_wait3A_945] : memref<4096x200x128xf32, #tpu.memory_space<hbm>> -> memref<1x128x128xf32, #tpu.memory_space<hbm>>
          %dma_wait3A_947 = tpu.memref_squeeze %dma_wait3A_946 : memref<1x128x128xf32, #tpu.memory_space<hbm>> -> memref<128x128xf32, #tpu.memory_space<hbm>>
          %dma_wait3A_948 = tpu.memref_slice %arg9[%rem3A_918] : memref<6x!tpu.dma_semaphore, #tpu.memory_space<semaphore_mem>> -> memref<1x!tpu.dma_semaphore, #tpu.memory_space<semaphore_mem>>
          %dma_wait3A_949 = tpu.memref_squeeze %dma_wait3A_948 : memref<1x!tpu.dma_semaphore, #tpu.memory_space<semaphore_mem>> -> memref<!tpu.dma_semaphore, #tpu.memory_space<semaphore_mem>>
          %dma_wait3A_950 = arith.constant 0 : i32
          %dma_wait3A_951 = arith.constant 0 : i32
          %dma_wait3A_952 = tpu.memref_slice %arg4[%mul3A_2, %dma_wait3A_950, %dma_wait3A_951] : memref<4096x200x128xf32, #tpu.memory_space<hbm>> -> memref<1x128x128xf32, #tpu.memory_space<hbm>>
          %dma_wait3A_953 = tpu.memref_squeeze %dma_wait3A_952 : memref<1x128x128xf32, #tpu.memory_space<hbm>> -> memref<128x128xf32, #tpu.memory_space<hbm>>
          %dma_wait3A_954 = arith.constant 0 : i32
          %dma_wait3A_955 = arith.constant 0 : i32
          %dma_wait3A_956 = tpu.memref_slice %arg7[%rem3A_918, %dma_wait3A_954, %dma_wait3A_955] : memref<6x128x128xf32, #tpu.memory_space<vmem>> -> memref<1x128x128xf32, #tpu.memory_space<vmem>>
          %dma_wait3A_957 = tpu.memref_squeeze %dma_wait3A_956 : memref<1x128x128xf32, #tpu.memory_space<vmem>> -> memref<128x128xf32, #tpu.memory_space<vmem>>
          tpu.wait_dma2 semaphore(%dma_wait3A_949 : memref<!tpu.dma_semaphore, #tpu.memory_space<semaphore_mem>>) src(%dma_wait3A_957 : memref<128x128xf32, #tpu.memory_space<vmem>>) dst(%dma_wait3A_953 : memref<128x128xf32, #tpu.memory_space<hbm>>)
        } else {
        }
        %dma_start3A_928 = arith.constant 0 : i32
        %dma_start3A_929 = arith.constant 0 : i32
        %dma_start3A_930 = tpu.memref_slice %arg7[%rem3A_918, %dma_start3A_928, %dma_start3A_929] : memref<6x128x128xf32, #tpu.memory_space<vmem>> -> memref<1x128x128xf32, #tpu.memory_space<vmem>>
        %dma_start3A_931 = tpu.memref_squeeze %dma_start3A_930 : memref<1x128x128xf32, #tpu.memory_space<vmem>> -> memref<128x128xf32, #tpu.memory_space<vmem>>
        %dma_start3A_932 = arith.constant 0 : i32
        %dma_start3A_933 = tpu.memref_slice %arg6[%add3A_916, %dma_start3A_932] : memref<200x128xi32, #tpu.memory_space<vmem>> -> memref<1x128xi32, #tpu.memory_space<vmem>>
        %dma_start3A_934 = tpu.memref_squeeze %dma_start3A_933 : memref<1x128xi32, #tpu.memory_space<vmem>> -> memref<128xi32, #tpu.memory_space<vmem>>
        %dma_start3A_935 = arith.constant 0 : i32
        %dma_start3A_936 = arith.constant 0 : i32
        %dma_start3A_937 = tpu.memref_slice %arg5[%dma_start3A_935, %dma_start3A_936] : memref<256x128xf32, #tpu.memory_space<vmem_shared>> -> memref<256x128xf32, #tpu.memory_space<vmem_shared>>
        %dma_start3A_938 = tpu.memref_slice %arg8[%rem3A_918] : memref<6x!tpu.dma_semaphore, #tpu.memory_space<semaphore_mem>> -> memref<1x!tpu.dma_semaphore, #tpu.memory_space<semaphore_mem>>
        %dma_start3A_939 = tpu.memref_squeeze %dma_start3A_938 : memref<1x!tpu.dma_semaphore, #tpu.memory_space<semaphore_mem>> -> memref<!tpu.dma_semaphore, #tpu.memory_space<semaphore_mem>>
        tpu.enqueue_indirect_dma source(%dma_start3A_937 : memref<256x128xf32, #tpu.memory_space<vmem_shared>>) target(%dma_start3A_931 : memref<128x128xf32, #tpu.memory_space<vmem>>) offsets(%dma_start3A_934 : memref<128xi32, #tpu.memory_space<vmem>>) semaphore(%dma_start3A_939 : memref<!tpu.dma_semaphore, #tpu.memory_space<semaphore_mem>>)
      } else {
      }
    }
    %scan3A_61 = arith.constant 8 : i32
    %dma_wait3A = arith.constant 0 : i32
    %dma_wait3A_62 = arith.constant 0 : i32
    %dma_wait3A_63 = arith.constant 0 : i32
    %dma_wait3A_64 = arith.constant 0 : i32
    %dma_wait3A_65 = tpu.memref_slice %arg7[%dma_wait3A, %dma_wait3A_63, %dma_wait3A_64] : memref<6x128x128xf32, #tpu.memory_space<vmem>> -> memref<1x128x128xf32, #tpu.memory_space<vmem>>
    %dma_wait3A_66 = tpu.memref_squeeze %dma_wait3A_65 : memref<1x128x128xf32, #tpu.memory_space<vmem>> -> memref<128x128xf32, #tpu.memory_space<vmem>>
    %dma_wait3A_67 = arith.constant 0 : i32
    %dma_wait3A_68 = arith.constant 0 : i32
    %dma_wait3A_69 = tpu.memref_slice %arg4[%mul3A_2, %dma_wait3A_67, %dma_wait3A_68] : memref<4096x200x128xf32, #tpu.memory_space<hbm>> -> memref<1x128x128xf32, #tpu.memory_space<hbm>>
    %dma_wait3A_70 = tpu.memref_squeeze %dma_wait3A_69 : memref<1x128x128xf32, #tpu.memory_space<hbm>> -> memref<128x128xf32, #tpu.memory_space<hbm>>
    %dma_wait3A_71 = tpu.memref_slice %arg9[%dma_wait3A_62] : memref<6x!tpu.dma_semaphore, #tpu.memory_space<semaphore_mem>> -> memref<1x!tpu.dma_semaphore, #tpu.memory_space<semaphore_mem>>
    %dma_wait3A_72 = tpu.memref_squeeze %dma_wait3A_71 : memref<1x!tpu.dma_semaphore, #tpu.memory_space<semaphore_mem>> -> memref<!tpu.dma_semaphore, #tpu.memory_space<semaphore_mem>>
    %dma_wait3A_73 = arith.constant 0 : i32
    %dma_wait3A_74 = arith.constant 0 : i32
    %dma_wait3A_75 = tpu.memref_slice %arg4[%mul3A_2, %dma_wait3A_73, %dma_wait3A_74] : memref<4096x200x128xf32, #tpu.memory_space<hbm>> -> memref<1x128x128xf32, #tpu.memory_space<hbm>>
    %dma_wait3A_76 = tpu.memref_squeeze %dma_wait3A_75 : memref<1x128x128xf32, #tpu.memory_space<hbm>> -> memref<128x128xf32, #tpu.memory_space<hbm>>
    %dma_wait3A_77 = arith.constant 0 : i32
    %dma_wait3A_78 = arith.constant 0 : i32
    %dma_wait3A_79 = tpu.memref_slice %arg7[%dma_wait3A, %dma_wait3A_77, %dma_wait3A_78] : memref<6x128x128xf32, #tpu.memory_space<vmem>> -> memref<1x128x128xf32, #tpu.memory_space<vmem>>
    %dma_wait3A_80 = tpu.memref_squeeze %dma_wait3A_79 : memref<1x128x128xf32, #tpu.memory_space<vmem>> -> memref<128x128xf32, #tpu.memory_space<vmem>>
    tpu.wait_dma2 semaphore(%dma_wait3A_72 : memref<!tpu.dma_semaphore, #tpu.memory_space<semaphore_mem>>) src(%dma_wait3A_80 : memref<128x128xf32, #tpu.memory_space<vmem>>) dst(%dma_wait3A_76 : memref<128x128xf32, #tpu.memory_space<hbm>>)
    %dma_wait3A_81 = arith.constant 1 : i32
    %dma_wait3A_82 = arith.constant 1 : i32
    %dma_wait3A_83 = arith.constant 0 : i32
    %dma_wait3A_84 = arith.constant 0 : i32
    %dma_wait3A_85 = tpu.memref_slice %arg7[%dma_wait3A_81, %dma_wait3A_83, %dma_wait3A_84] : memref<6x128x128xf32, #tpu.memory_space<vmem>> -> memref<1x128x128xf32, #tpu.memory_space<vmem>>
    %dma_wait3A_86 = tpu.memref_squeeze %dma_wait3A_85 : memref<1x128x128xf32, #tpu.memory_space<vmem>> -> memref<128x128xf32, #tpu.memory_space<vmem>>
    %dma_wait3A_87 = arith.constant 0 : i32
    %dma_wait3A_88 = arith.constant 0 : i32
    %dma_wait3A_89 = tpu.memref_slice %arg4[%mul3A_2, %dma_wait3A_87, %dma_wait3A_88] : memref<4096x200x128xf32, #tpu.memory_space<hbm>> -> memref<1x128x128xf32, #tpu.memory_space<hbm>>
    %dma_wait3A_90 = tpu.memref_squeeze %dma_wait3A_89 : memref<1x128x128xf32, #tpu.memory_space<hbm>> -> memref<128x128xf32, #tpu.memory_space<hbm>>
    %dma_wait3A_91 = tpu.memref_slice %arg9[%dma_wait3A_82] : memref<6x!tpu.dma_semaphore, #tpu.memory_space<semaphore_mem>> -> memref<1x!tpu.dma_semaphore, #tpu.memory_space<semaphore_mem>>
    %dma_wait3A_92 = tpu.memref_squeeze %dma_wait3A_91 : memref<1x!tpu.dma_semaphore, #tpu.memory_space<semaphore_mem>> -> memref<!tpu.dma_semaphore, #tpu.memory_space<semaphore_mem>>
    %dma_wait3A_93 = arith.constant 0 : i32
    %dma_wait3A_94 = arith.constant 0 : i32
    %dma_wait3A_95 = tpu.memref_slice %arg4[%mul3A_2, %dma_wait3A_93, %dma_wait3A_94] : memref<4096x200x128xf32, #tpu.memory_space<hbm>> -> memref<1x128x128xf32, #tpu.memory_space<hbm>>
    %dma_wait3A_96 = tpu.memref_squeeze %dma_wait3A_95 : memref<1x128x128xf32, #tpu.memory_space<hbm>> -> memref<128x128xf32, #tpu.memory_space<hbm>>
    %dma_wait3A_97 = arith.constant 0 : i32
    %dma_wait3A_98 = arith.constant 0 : i32
    %dma_wait3A_99 = tpu.memref_slice %arg7[%dma_wait3A_81, %dma_wait3A_97, %dma_wait3A_98] : memref<6x128x128xf32, #tpu.memory_space<vmem>> -> memref<1x128x128xf32, #tpu.memory_space<vmem>>
    %dma_wait3A_100 = tpu.memref_squeeze %dma_wait3A_99 : memref<1x128x128xf32, #tpu.memory_space<vmem>> -> memref<128x128xf32, #tpu.memory_space<vmem>>
    tpu.wait_dma2 semaphore(%dma_wait3A_92 : memref<!tpu.dma_semaphore, #tpu.memory_space<semaphore_mem>>) src(%dma_wait3A_100 : memref<128x128xf32, #tpu.memory_space<vmem>>) dst(%dma_wait3A_96 : memref<128x128xf32, #tpu.memory_space<hbm>>)
    %dma_wait3A_101 = arith.constant 2 : i32
    %dma_wait3A_102 = arith.constant 2 : i32
    %dma_wait3A_103 = arith.constant 0 : i32
    %dma_wait3A_104 = arith.constant 0 : i32
    %dma_wait3A_105 = tpu.memref_slice %arg7[%dma_wait3A_101, %dma_wait3A_103, %dma_wait3A_104] : memref<6x128x128xf32, #tpu.memory_space<vmem>> -> memref<1x128x128xf32, #tpu.memory_space<vmem>>
    %dma_wait3A_106 = tpu.memref_squeeze %dma_wait3A_105 : memref<1x128x128xf32, #tpu.memory_space<vmem>> -> memref<128x128xf32, #tpu.memory_space<vmem>>
    %dma_wait3A_107 = arith.constant 0 : i32
    %dma_wait3A_108 = arith.constant 0 : i32
    %dma_wait3A_109 = tpu.memref_slice %arg4[%mul3A_2, %dma_wait3A_107, %dma_wait3A_108] : memref<4096x200x128xf32, #tpu.memory_space<hbm>> -> memref<1x128x128xf32, #tpu.memory_space<hbm>>
    %dma_wait3A_110 = tpu.memref_squeeze %dma_wait3A_109 : memref<1x128x128xf32, #tpu.memory_space<hbm>> -> memref<128x128xf32, #tpu.memory_space<hbm>>
    %dma_wait3A_111 = tpu.memref_slice %arg9[%dma_wait3A_102] : memref<6x!tpu.dma_semaphore, #tpu.memory_space<semaphore_mem>> -> memref<1x!tpu.dma_semaphore, #tpu.memory_space<semaphore_mem>>
    %dma_wait3A_112 = tpu.memref_squeeze %dma_wait3A_111 : memref<1x!tpu.dma_semaphore, #tpu.memory_space<semaphore_mem>> -> memref<!tpu.dma_semaphore, #tpu.memory_space<semaphore_mem>>
    %dma_wait3A_113 = arith.constant 0 : i32
    %dma_wait3A_114 = arith.constant 0 : i32
    %dma_wait3A_115 = tpu.memref_slice %arg4[%mul3A_2, %dma_wait3A_113, %dma_wait3A_114] : memref<4096x200x128xf32, #tpu.memory_space<hbm>> -> memref<1x128x128xf32, #tpu.memory_space<hbm>>
    %dma_wait3A_116 = tpu.memref_squeeze %dma_wait3A_115 : memref<1x128x128xf32, #tpu.memory_space<hbm>> -> memref<128x128xf32, #tpu.memory_space<hbm>>
    %dma_wait3A_117 = arith.constant 0 : i32
    %dma_wait3A_118 = arith.constant 0 : i32
    %dma_wait3A_119 = tpu.memref_slice %arg7[%dma_wait3A_101, %dma_wait3A_117, %dma_wait3A_118] : memref<6x128x128xf32, #tpu.memory_space<vmem>> -> memref<1x128x128xf32, #tpu.memory_space<vmem>>
    %dma_wait3A_120 = tpu.memref_squeeze %dma_wait3A_119 : memref<1x128x128xf32, #tpu.memory_space<vmem>> -> memref<128x128xf32, #tpu.memory_space<vmem>>
    tpu.wait_dma2 semaphore(%dma_wait3A_112 : memref<!tpu.dma_semaphore, #tpu.memory_space<semaphore_mem>>) src(%dma_wait3A_120 : memref<128x128xf32, #tpu.memory_space<vmem>>) dst(%dma_wait3A_116 : memref<128x128xf32, #tpu.memory_space<hbm>>)
    %dma_wait3A_121 = arith.constant 3 : i32
    %dma_wait3A_122 = arith.constant 3 : i32
    %dma_wait3A_123 = arith.constant 0 : i32
    %dma_wait3A_124 = arith.constant 0 : i32
    %dma_wait3A_125 = tpu.memref_slice %arg7[%dma_wait3A_121, %dma_wait3A_123, %dma_wait3A_124] : memref<6x128x128xf32, #tpu.memory_space<vmem>> -> memref<1x128x128xf32, #tpu.memory_space<vmem>>
    %dma_wait3A_126 = tpu.memref_squeeze %dma_wait3A_125 : memref<1x128x128xf32, #tpu.memory_space<vmem>> -> memref<128x128xf32, #tpu.memory_space<vmem>>
    %dma_wait3A_127 = arith.constant 0 : i32
    %dma_wait3A_128 = arith.constant 0 : i32
    %dma_wait3A_129 = tpu.memref_slice %arg4[%mul3A_2, %dma_wait3A_127, %dma_wait3A_128] : memref<4096x200x128xf32, #tpu.memory_space<hbm>> -> memref<1x128x128xf32, #tpu.memory_space<hbm>>
    %dma_wait3A_130 = tpu.memref_squeeze %dma_wait3A_129 : memref<1x128x128xf32, #tpu.memory_space<hbm>> -> memref<128x128xf32, #tpu.memory_space<hbm>>
    %dma_wait3A_131 = tpu.memref_slice %arg9[%dma_wait3A_122] : memref<6x!tpu.dma_semaphore, #tpu.memory_space<semaphore_mem>> -> memref<1x!tpu.dma_semaphore, #tpu.memory_space<semaphore_mem>>
    %dma_wait3A_132 = tpu.memref_squeeze %dma_wait3A_131 : memref<1x!tpu.dma_semaphore, #tpu.memory_space<semaphore_mem>> -> memref<!tpu.dma_semaphore, #tpu.memory_space<semaphore_mem>>
    %dma_wait3A_133 = arith.constant 0 : i32
    %dma_wait3A_134 = arith.constant 0 : i32
    %dma_wait3A_135 = tpu.memref_slice %arg4[%mul3A_2, %dma_wait3A_133, %dma_wait3A_134] : memref<4096x200x128xf32, #tpu.memory_space<hbm>> -> memref<1x128x128xf32, #tpu.memory_space<hbm>>
    %dma_wait3A_136 = tpu.memref_squeeze %dma_wait3A_135 : memref<1x128x128xf32, #tpu.memory_space<hbm>> -> memref<128x128xf32, #tpu.memory_space<hbm>>
    %dma_wait3A_137 = arith.constant 0 : i32
    %dma_wait3A_138 = arith.constant 0 : i32
    %dma_wait3A_139 = tpu.memref_slice %arg7[%dma_wait3A_121, %dma_wait3A_137, %dma_wait3A_138] : memref<6x128x128xf32, #tpu.memory_space<vmem>> -> memref<1x128x128xf32, #tpu.memory_space<vmem>>
    %dma_wait3A_140 = tpu.memref_squeeze %dma_wait3A_139 : memref<1x128x128xf32, #tpu.memory_space<vmem>> -> memref<128x128xf32, #tpu.memory_space<vmem>>
    tpu.wait_dma2 semaphore(%dma_wait3A_132 : memref<!tpu.dma_semaphore, #tpu.memory_space<semaphore_mem>>) src(%dma_wait3A_140 : memref<128x128xf32, #tpu.memory_space<vmem>>) dst(%dma_wait3A_136 : memref<128x128xf32, #tpu.memory_space<hbm>>)
    %dma_wait3A_141 = arith.constant 4 : i32
    %dma_wait3A_142 = arith.constant 4 : i32
    %dma_wait3A_143 = arith.constant 0 : i32
    %dma_wait3A_144 = arith.constant 0 : i32
    %dma_wait3A_145 = tpu.memref_slice %arg7[%dma_wait3A_141, %dma_wait3A_143, %dma_wait3A_144] : memref<6x128x128xf32, #tpu.memory_space<vmem>> -> memref<1x128x128xf32, #tpu.memory_space<vmem>>
    %dma_wait3A_146 = tpu.memref_squeeze %dma_wait3A_145 : memref<1x128x128xf32, #tpu.memory_space<vmem>> -> memref<128x128xf32, #tpu.memory_space<vmem>>
    %dma_wait3A_147 = arith.constant 0 : i32
    %dma_wait3A_148 = arith.constant 0 : i32
    %dma_wait3A_149 = tpu.memref_slice %arg4[%mul3A_2, %dma_wait3A_147, %dma_wait3A_148] : memref<4096x200x128xf32, #tpu.memory_space<hbm>> -> memref<1x128x128xf32, #tpu.memory_space<hbm>>
    %dma_wait3A_150 = tpu.memref_squeeze %dma_wait3A_149 : memref<1x128x128xf32, #tpu.memory_space<hbm>> -> memref<128x128xf32, #tpu.memory_space<hbm>>
    %dma_wait3A_151 = tpu.memref_slice %arg9[%dma_wait3A_142] : memref<6x!tpu.dma_semaphore, #tpu.memory_space<semaphore_mem>> -> memref<1x!tpu.dma_semaphore, #tpu.memory_space<semaphore_mem>>
    %dma_wait3A_152 = tpu.memref_squeeze %dma_wait3A_151 : memref<1x!tpu.dma_semaphore, #tpu.memory_space<semaphore_mem>> -> memref<!tpu.dma_semaphore, #tpu.memory_space<semaphore_mem>>
    %dma_wait3A_153 = arith.constant 0 : i32
    %dma_wait3A_154 = arith.constant 0 : i32
    %dma_wait3A_155 = tpu.memref_slice %arg4[%mul3A_2, %dma_wait3A_153, %dma_wait3A_154] : memref<4096x200x128xf32, #tpu.memory_space<hbm>> -> memref<1x128x128xf32, #tpu.memory_space<hbm>>
    %dma_wait3A_156 = tpu.memref_squeeze %dma_wait3A_155 : memref<1x128x128xf32, #tpu.memory_space<hbm>> -> memref<128x128xf32, #tpu.memory_space<hbm>>
    %dma_wait3A_157 = arith.constant 0 : i32
    %dma_wait3A_158 = arith.constant 0 : i32
    %dma_wait3A_159 = tpu.memref_slice %arg7[%dma_wait3A_141, %dma_wait3A_157, %dma_wait3A_158] : memref<6x128x128xf32, #tpu.memory_space<vmem>> -> memref<1x128x128xf32, #tpu.memory_space<vmem>>
    %dma_wait3A_160 = tpu.memref_squeeze %dma_wait3A_159 : memref<1x128x128xf32, #tpu.memory_space<vmem>> -> memref<128x128xf32, #tpu.memory_space<vmem>>
    tpu.wait_dma2 semaphore(%dma_wait3A_152 : memref<!tpu.dma_semaphore, #tpu.memory_space<semaphore_mem>>) src(%dma_wait3A_160 : memref<128x128xf32, #tpu.memory_space<vmem>>) dst(%dma_wait3A_156 : memref<128x128xf32, #tpu.memory_space<hbm>>)
    %dma_wait3A_161 = arith.constant 5 : i32
    %dma_wait3A_162 = arith.constant 5 : i32
    %dma_wait3A_163 = arith.constant 0 : i32
    %dma_wait3A_164 = arith.constant 0 : i32
    %dma_wait3A_165 = tpu.memref_slice %arg7[%dma_wait3A_161, %dma_wait3A_163, %dma_wait3A_164] : memref<6x128x128xf32, #tpu.memory_space<vmem>> -> memref<1x128x128xf32, #tpu.memory_space<vmem>>
    %dma_wait3A_166 = tpu.memref_squeeze %dma_wait3A_165 : memref<1x128x128xf32, #tpu.memory_space<vmem>> -> memref<128x128xf32, #tpu.memory_space<vmem>>
    %dma_wait3A_167 = arith.constant 0 : i32
    %dma_wait3A_168 = arith.constant 0 : i32
    %dma_wait3A_169 = tpu.memref_slice %arg4[%mul3A_2, %dma_wait3A_167, %dma_wait3A_168] : memref<4096x200x128xf32, #tpu.memory_space<hbm>> -> memref<1x128x128xf32, #tpu.memory_space<hbm>>
    %dma_wait3A_170 = tpu.memref_squeeze %dma_wait3A_169 : memref<1x128x128xf32, #tpu.memory_space<hbm>> -> memref<128x128xf32, #tpu.memory_space<hbm>>
    %dma_wait3A_171 = tpu.memref_slice %arg9[%dma_wait3A_162] : memref<6x!tpu.dma_semaphore, #tpu.memory_space<semaphore_mem>> -> memref<1x!tpu.dma_semaphore, #tpu.memory_space<semaphore_mem>>
    %dma_wait3A_172 = tpu.memref_squeeze %dma_wait3A_171 : memref<1x!tpu.dma_semaphore, #tpu.memory_space<semaphore_mem>> -> memref<!tpu.dma_semaphore, #tpu.memory_space<semaphore_mem>>
    %dma_wait3A_173 = arith.constant 0 : i32
    %dma_wait3A_174 = arith.constant 0 : i32
    %dma_wait3A_175 = tpu.memref_slice %arg4[%mul3A_2, %dma_wait3A_173, %dma_wait3A_174] : memref<4096x200x128xf32, #tpu.memory_space<hbm>> -> memref<1x128x128xf32, #tpu.memory_space<hbm>>
    %dma_wait3A_176 = tpu.memref_squeeze %dma_wait3A_175 : memref<1x128x128xf32, #tpu.memory_space<hbm>> -> memref<128x128xf32, #tpu.memory_space<hbm>>
    %dma_wait3A_177 = arith.constant 0 : i32
    %dma_wait3A_178 = arith.constant 0 : i32
    %dma_wait3A_179 = tpu.memref_slice %arg7[%dma_wait3A_161, %dma_wait3A_177, %dma_wait3A_178] : memref<6x128x128xf32, #tpu.memory_space<vmem>> -> memref<1x128x128xf32, #tpu.memory_space<vmem>>
    %dma_wait3A_180 = tpu.memref_squeeze %dma_wait3A_179 : memref<1x128x128xf32, #tpu.memory_space<vmem>> -> memref<128x128xf32, #tpu.memory_space<vmem>>
    tpu.wait_dma2 semaphore(%dma_wait3A_172 : memref<!tpu.dma_semaphore, #tpu.memory_space<semaphore_mem>>) src(%dma_wait3A_180 : memref<128x128xf32, #tpu.memory_space<vmem>>) dst(%dma_wait3A_176 : memref<128x128xf32, #tpu.memory_space<hbm>>)
    return
  }
}

module attributes {stable_mosaic.version = 14 : i64} {
  func.func @_scale_body(%arg0: memref<256x64xf32, #tpu.memory_space<vmem>>, %arg1: memref<256x128xf32, #tpu.memory_space<vmem>>) attributes {dimension_semantics = [], scalar_prefetch = 0 : i64, scratch_operands = 0 : i64, tpu.core_type = #tpu.core_type<tc>} {
    %get3A = arith.constant 0 : index
    %get3A_0 = arith.constant 0 : index
    %get3A_1 = vector.load %arg0[%get3A, %get3A_0] : memref<256x64xf32, #tpu.memory_space<vmem>>, vector<256x64xf32>
    %mul3A = arith.constant 8.000000e+00 : f32
    %mul3A_2 = vector.broadcast %mul3A : f32 to vector<256x64xf32>
    %mul3A_3 = arith.mulf %get3A_1, %mul3A_2 : vector<256x64xf32>
    %broadcast_in_dim3A = arith.constant 0.000000e+00 : f32
    %broadcast_in_dim3A_4 = vector.broadcast %broadcast_in_dim3A : f32 to vector<256x64xf32>
    %concatenate3A = tpu.concatenate %mul3A_3, %broadcast_in_dim3A_4 in 1 : vector<256x64xf32>, vector<256x64xf32> -> vector<256x128xf32>
    %swap3A = arith.constant 0 : index
    %swap3A_5 = arith.constant 0 : index
    %swap3A_6 = vector.load %arg1[%swap3A, %swap3A_5] : memref<256x128xf32, #tpu.memory_space<vmem>>, vector<256x128xf32>
    tpu.vector_store %arg1[%swap3A, %swap3A_5], %concatenate3A {strides = array<i32>} : memref<256x128xf32, #tpu.memory_space<vmem>>, vector<256x128xf32>,
    return
  }
}

</mosaic_0001>

<sc_bundles>
// kernel: kernel.4.cloned.1.call-start
scs
__scs_entry_jumppad:
0x0: {  	(pc) =	sbr.rel $0x88, $3  }
0x1: {  	(tag) =	ssettag $0x0;
	lr =	simm.s32 $0x1  }
0x2: {  	[smem:$0x3F9F] =	sst lr;
	_ =	strace $0xD0000000  }
0x3: {  	_ = 	snop  }
0x4: {  	_ = 	snop  }
0x5: {  	_ = 	snop  }
0x6: {  	_ = 	snop  }
0x7: {  	_ = 	snop  }
__scs_overlays_trampoline_lowered:
0x8: {  	[smem:$0x3FAE] =	sst s0  }
0x9: {  	[smem:$0x3FAF] =	sst s1  }
0xa: {  	[smem:$0x3FB0] =	sst s2  }
0xb: {  	[smem:$0x3FB1] =	sst s3  }
0xc: {  	[smem:$0x3FB2] =	sst s4  }
0xd: {  	[smem:$0x3FB3] =	sst s5  }
0xe: {  	[smem:$0x3FB4] =	sst s6  }
0xf: {  	[smem:$0x3FB5] =	sst s7  }
0x10: {  	[smem:$0x3FB6] =	sst s8  }
0x11: {  	[smem:$0x3FB7] =	sst s9;
	s0 =	simm.s32 @!p0 $0x0  }
0x12: {  	s1 =	sld [smem:$0x3F9D];
	s0 =	simm.s32 @p0 $0x1  }
0x13: {  	[smem:$0x3FB8] =	sst s0;
	s0 =	simm.s32 @!p1 $0x0  }
0x14: {  	s2 =	sld [smem:$0x3F9C];
	s0 =	simm.s32 @p1 $0x1  }
0x15: {  	[smem:$0x3FB9] =	sst s0;
	s0 =	simm.s32 @!p2 $0x0  }
0x16: {  	s3 =	sld [smem:$0x3FDB];
	s0 =	simm.s32 @p2 $0x1  }
0x17: {  	s4 =	simm.s32 $0x1BF5;
	[smem:$0x3FBB] =	sst s0  }
0x18: {  	s0 =	sld [smem:$0x3F9E];
	_ =	swait.ge [sflag:s4], $0x0  }
0x19: {  	s7 =	sld [smem:$0x3F9F]  }
0x1a: {  	s8 =	sadd.s32 $0xFFFFE003, lr  }
0x1b: {  	s9 =	sadd.s32 $0xFFFFFEF7, lr;
	s5 =	simm.s32 $0xFFFFFFFF;
	p2 =	slt.u32 s8, $0xFFFFF086  }
0x1c: {  	p1 =	slt.u32 s9, $0xF7A;
	s5 =	simm.s32 @!p2 $0x0  }
0x1d: {  	s5 =	simm.s32 @p1 $0x1;
	p0 =	seq.s32 s7, s2  }
0x1e: {  	s7 =	smul.u32 @!p0 $0xF7A, s2;
	p2 =	seq.s32 @!p0 s5, $0x0  }
0x1f: {  	s9 =	smul.u32 $0xF7A, s1;
	s8 =	simm.s32 @!p0 $0x1BF5;
	p2 =	por !p2, p0  }
0x20: {  	[sflag:s8] =	ssyncset.s32 @!p0 $0xFFFFF086;
	s6 =	sadd.s32 @!p0 s3, s7;
	s7 =	simm.s32 @!p0 $0x108  }
0x21: {  	s3 =	sadd.s32 s3, s9;
	s6 =	sadd.s32 @!p0 $0x88, s6;
	s7 =	simm.s32 @p2 $0x1082  }
0x22: {  	[simem:s7], [sflag:s8] =	dma.local @!p0 [hbm:s6], $0xF7A  }
0x23: {  	s9 =	sor.u32 $0xD0000000, s2;
	s6 =	simm.s32 $0x108;
	_ =	swait.ge @!p0 [sflag:s8], $0x0  }
0x24: {  	s3 =	sadd.s32 $0x88, s3;
	s6 =	simm.s32 @!p1 $0x1082;
	[sflag:s4] =	ssyncset.s32 $0xFFFFF086  }
0x25: {  	[simem:s6], [sflag:s4] =	dma.local [hbm:s3], $0xF7A  }
0x26: {  	[smem:$0x3F9F] =	sst s1;
	(tag) =	ssettag s2;
	_ =	strace s9  }
0x27: {  	s1 =	sld [smem:$0x3FAF]  }
0x28: {  	s2 =	sld [smem:$0x3FB0]  }
0x29: {  	s4 =	sld [smem:$0x3FB2]  }
0x2a: {  	p0 =	seq.s32 s5, $0x0;
	s5 =	sld [smem:$0x3FB3]  }
0x2b: {  	s6 =	sld [smem:$0x3FB4]  }
0x2c: {  	s7 =	sld [smem:$0x3FB5]  }
0x2d: {  	s3 =	simm.s32 $0x108;
	s8 =	sld [smem:$0x3FB6]  }
0x2e: {  	s3 =	simm.s32 @!p0 $0x1082;
	s9 =	sld [smem:$0x3FB7]  }
0x2f: {  	lr =	sadd.s32 s0, s3;
	s0 =	sld [smem:$0x3FAE]  }
0x30: {  	s3 =	sld [smem:$0x3FB1]  }
0x31: {  	[smem:$0x3FBA] =	sst s10  }
0x32: {  	s10 =	sld [smem:$0x3FB8];
	_ =	sdelay $0x3  }
0x33: {  	p0 =	seq.s32 s10, $0x1;
	s10 =	sld [smem:$0x3FBA];
	_ =	sdelay $0x3  }
0x34: {  	[smem:$0x3FBA] =	sst s10  }
0x35: {  	s10 =	sld [smem:$0x3FB9];
	_ =	sdelay $0x3  }
0x36: {  	p1 =	seq.s32 s10, $0x1;
	s10 =	sld [smem:$0x3FBA];
	_ =	sdelay $0x3  }
0x37: {  	[smem:$0x3FBA] =	sst s10  }
0x38: {  	s10 =	sld [smem:$0x3FBB]  }
0x39: {  	_ = 	snop;
	(pc) =	sbr.ind lr, $3  }
0x3a: {  	_ = 	snop  }
0x3b: {  	_ = 	snop  }
0x3c: {  	p2 =	seq.s32 s10, $0x1;
	s10 =	sld [smem:$0x3FBA]  }
0x3d: {  	_ =	shalt  }
0x3e: {  	_ =	shalt  }
0x3f: {  	_ =	shalt  }
0x40: {  	_ =	shalt  }
0x41: {  	_ =	shalt  }
0x42: {  	_ =	shalt  }
0x43: {  	_ =	shalt  }
0x44: {  	_ =	shalt  }
0x45: {  	_ =	shalt  }
0x46: {  	_ =	shalt  }
0x47: {  	_ =	shalt  }
0x48: {  	_ =	shalt  }
0x49: {  	_ =	shalt  }
0x4a: {  	_ =	shalt  }
0x4b: {  	_ =	shalt  }
0x4c: {  	_ =	shalt  }
0x4d: {  	_ =	shalt  }
0x4e: {  	_ =	shalt  }
0x4f: {  	_ =	shalt  }
0x50: {  	_ =	shalt  }
0x51: {  	_ =	shalt  }
0x52: {  	_ =	shalt  }
0x53: {  	_ =	shalt  }
0x54: {  	_ =	shalt  }
0x55: {  	_ =	shalt  }
0x56: {  	_ =	shalt  }
0x57: {  	_ =	shalt  }
0x58: {  	_ =	shalt  }
0x59: {  	_ =	shalt  }
0x5a: {  	_ =	shalt  }
0x5b: {  	_ =	shalt  }
0x5c: {  	_ =	shalt  }
0x5d: {  	_ =	shalt  }
0x5e: {  	_ =	shalt  }
0x5f: {  	_ =	shalt  }
0x60: {  	_ =	shalt  }
0x61: {  	_ =	shalt  }
0x62: {  	_ =	shalt  }
0x63: {  	_ =	shalt  }
0x64: {  	_ =	shalt  }
0x65: {  	_ =	shalt  }
0x66: {  	_ =	shalt  }
0x67: {  	_ =	shalt  }
0x68: {  	_ =	shalt  }
0x69: {  	_ =	shalt  }
0x6a: {  	_ =	shalt  }
0x6b: {  	_ =	shalt  }
0x6c: {  	_ =	shalt  }
0x6d: {  	_ =	shalt  }
0x6e: {  	_ =	shalt  }
0x6f: {  	_ =	shalt  }
0x70: {  	_ =	shalt  }
0x71: {  	_ =	shalt  }
0x72: {  	_ =	shalt  }
0x73: {  	_ =	shalt  }
0x74: {  	_ =	shalt  }
0x75: {  	_ =	shalt  }
0x76: {  	_ =	shalt  }
0x77: {  	_ =	shalt  }
0x78: {  	_ =	shalt  }
0x79: {  	_ =	shalt  }
0x7a: {  	_ =	shalt  }
0x7b: {  	_ =	shalt  }
0x7c: {  	_ =	shalt  }
0x7d: {  	_ =	shalt  }
0x7e: {  	_ =	shalt  }
0x7f: {  	_ =	shalt  }
0x80: {  	_ =	shalt  }
0x81: {  	_ =	shalt  }
0x82: {  	_ =	shalt  }
0x83: {  	_ =	shalt  }
0x84: {  	_ =	shalt  }
0x85: {  	_ =	shalt  }
0x86: {  	_ =	shalt  }
0x87: {  	_ =	shalt  }
.Lfunc_end0:
.L_simem_size_0:
called_computation.1_lowered:
.L_overlay_start_0:
0x88: {  	s2 =	sld [smem:$0x3FD9]  }
0x89: {  	s3 =	sld [smem:$0x3FFE];
	_ =	sdelay $0x1  }
0x8a: {  	s1 =	srdreg.scid  }
0x8b: {  	s0 =	sand.u32 $0x1, s1  }
0x8c: {  	s17 =	sshll.u32 s0, $0xA;
	s2 =	sadd.s32 s3, s2  }
0x8d: {  	s2 =	sadd.s32 s2, s17  }
0x8e: {  	[smem:$0x3FC6] =	sst s2  }
0x8f: {  	_ = 	snop  }
0x90: {  	s2 =	sld [smem:$0x3FD0];
	(tm) =	ssettm $0x1  }
0x91: {  	s18 =	sld [smem:$0x3FFB];
	_ =	sdelay $0x3  }
0x92: {  	_ =	strace s18  }
0x93: {  	s3 =	sld [smem:$0x3FFC];
	_ =	sdelay $0x3  }
0x94: {  	_ =	strace s3  }
0x95: {  	s3 =	sld [smem:$0x3FFD];
	_ =	sdelay $0x3  }
0x96: {  	_ =	strace s3  }
0x97: {  	_ =	strace $0x8FFFFFFF  }
0x98: {  	s19 =	sld [smem:$0x3FDB];
	_ =	sdelay $0x1  }
0x99: {  	s4 =	simm.s32 $_scs_section_size  }
0x9a: {  	s5 =	simm.s32 $_size__tile_overlayer_lowered;
	s6 =	simm.s32 $_tile_overlayer_lowered  }
0x9b: {  	s22 =	simm.s32 $0x1BFF;
	s21 =	sshll.u32 s6, $0x1;
	s3 =	sadd.s32 s4, s19  }
0x9c: {  	s7 =	simm.s32 $0x0;
	s20 =	sshll.u32 s5, $0x1;
	s5 =	sadd.s32 s21, s3  }
0x9d: {  	[timem:s7], [sflag:s22] =	dma.local [hbm:s5], s20  }
0x9e: {  	_ =	swait.ge [sflag:s22], s20  }
0x9f: {  	s4 =	ssub.s32 $0x0, s20;
	[sflag:s22] =	ssyncset.done $0x0  }
0xa0: {  	[sflag:s22] =	ssyncadd.s32 s4;
	_ =	sdelay $0x1  }
0xa1: {  	s23 =	simm.s32 $0x1B8B  }
0xa2: {  	_ =	swait.ge [sflag:s23], $0x1  }
0xa3: {  	[sflag:s23] =	ssyncset.done $0x0  }
0xa4: {  	s25 =	simm.s32 $0x1B8E;
	s24 =	sld [smem:$0x3FFE];
	[sflag:s23] =	ssyncadd.s32 $0xFFFFFFFF  }
0xa5: {  	s26 =	simm.s32 $execute0_lowered;
	[smem:$0x3FD2] =	sst s25  }
0xa6: {  	s5 =	sshll.u32 s26, $0x1;
	_ =	strace $0x80000046;
	[dreg:$0x1] =	wrdreg $0xFFFFFFFF  }
0xa7: {  	s28 =	simm.s32 $_size_execute0_lowered;
	s3 =	sadd.s32 s3, s5;
	[dreg:$0x0] =	wrdreg $0x0  }
0xa8: {  	s5 =	sshll.u32 s28, $0x1;
	[dreg:$0x2] =	wrdreg s3  }
0xa9: {  	[dreg:$0x3] =	wrdreg s5  }
0xaa: {  	[dreg:$0x4] =	wrdreg $0xC0  }
0xab: {  	_ =	task [dreg:s7], $0x5FFFF  }
0xac: {  	[dreg:$0x1] =	wrdreg $0xFFFFFFFF  }
0xad: {  	[dreg:$0x0] =	wrdreg $0x60  }
0xae: {  	[dreg:$0x2] =	wrdreg s24  }
0xaf: {  	[dreg:$0x3] =	wrdreg s2  }
0xb0: {  	[dreg:$0x4] =	wrdreg $0x0  }
0xb1: {  	[dreg:$0x5] =	wrdreg $0x9  }
0xb2: {  	_ =	task.clear_ibuf [dreg:s7], $0x6FFFF;
	_ =	strace $0x90000046  }
0xb3: {  	s29 =	simm.s32 $0x9;
	_ =	strace $0x80000048  }
0xb4: {  	_ =	swait.ge [sflag:s29], $0x1  }
0xb5: {  	[sflag:s29] =	ssyncadd.s32 $0xFFFFFFFF  }
0xb6: {  	_ =	strace $0x90000048  }
0xb7: {  	_ =	sfence  }
0xb8: {  	s30 =	sld [smem:$0x0];
	_ =	sdelay $0x2  }
0xb9: {  	s31 =	sshll.u32 s1, $0xD;
	s1 =	sshrl.u32 s1, $0x2  }
0xba: {  	s3 =	sand.u32 $0x4000, s31;
	s1 =	sadd.s32 s1, s30  }
0xbb: {  	s0 =	sor.u32 s3, s0;
	s1 =	sshll.u32 s1, $0x11  }
0xbc: {  	s0 =	sor.u32 s1, s0  }
0xbd: {  	s0 =	sadd.s32 $0x8F2B, s0  }
0xbe: {  	[sflag:s0] =	ssyncadd.remote.s32 $0x1  }
0xbf: {  	_ =	sfence.sel $0xFFFF  }
0xc0: {  	[dreg:$0x0] =	wrdreg $0xFFFFFFFF;
	(pc) =	sbr.abs _section_cstart, $3  }
0xc1: {  	[dreg:$0x1] =	wrdreg $0xFFFFFFFF  }
0xc2: {  	_ =	task.clear_ibuf [dreg:s7], $0x2FFFF;
	_ =	strace $0x9FFFFFFF  }
0xc3: {  	(tm) =	ssettm $0x7FFFFFFF  }
tec
execute0_lowered:
.L_overlay_start_1:
0x0: {  	(tag) =	ssettag $0x1  }
0x1: {  	s0 =	srdreg.scid;
	s2 =	rddreg [dreg:$0x0]  }
0x2: {  	s1 =	stileid.u32;
	s7 =	rddreg [dreg:$0x1]  }
0x3: {  	s28 =	rddreg [dreg:$0x2];
	s8 =	smul.u32 $0x640000, s1  }
0x4: {  	s5 =	sand.u32 $0x1, s0;
	s15 =	sshll.u32 s1, $0x1;
	s11 =	smul.u32 $0xC8000, s1  }
0x5: {  	s4 =	sadd.s32 $0x2400, s2;
	p0 =	sne.s32 s1, $0x0;
	s9 =	smul.u32 $0x320000, s5  }
0x6: {  	s0 =	sor.u32 s5, s15;
	s3 =	ssub.s32 $0x2, s5;
	s16 =	smul.u32 $0x64000, s5  }
0x7: {  	s6 =	smul.u32 $0xC80, s0;
	s0 =	simm.s32 $0x0;
	s10 =	sshrl.u32 s3, $0x1  }
0x8: {  	s17 =	sadd.s32 s11, s4;
	[smem:$0x7FF] =	sst s0;
	s5 =	sadd.s32 s9, s8  }
0x9: {  	s3 =	ssub.s32 s3, s10;
	s6 =	sadd.s32 s7, s6;
	s18 =	sadd.s32 $0x61C00, s5  }
0xa: {  	s20 =	sadd.s32 $0x5B800, s5;
	s22 =	sadd.s32 $0x5C000, s5;
	s24 =	sadd.s32 $0x55400, s5  }
0xb: {  	s26 =	sadd.s32 $0x4F000, s5;
	s31 =	sadd.s32 $0x50000, s5;
	s8 =	sadd.s32 $0x48C00, s5  }
0xc: {  	s10 =	sadd.s32 $0x42800, s5;
	s12 =	sadd.s32 $0x44000, s5;
	s14 =	sadd.s32 $0x3C400, s5  }
0xd: {  	[dreg:$0x4] =	wrdreg s6;
	s6 =	sadd.s32 s16, s17;
	s19 =	sshrl.u32 s18, $0x3  }
0xe: {  	s21 =	sshrl.u32 s20, $0x3;
	s23 =	sshrl.u32 s22, $0x3;
	s25 =	sshrl.u32 s24, $0x3  }
0xf: {  	s30 =	sshrl.u32 s26, $0x3;
	s7 =	sshrl.u32 s31, $0x3;
	s9 =	sshrl.u32 s8, $0x3  }
0x10: {  	s11 =	sshrl.u32 s10, $0x3;
	s13 =	sshrl.u32 s12, $0x3;
	s15 =	sshrl.u32 s14, $0x3  }
0x11: {  	s16 =	sadd.s32 $0x36000, s5;
	s18 =	sadd.s32 $0x38000, s5;
	s20 =	sadd.s32 $0x2FC00, s5  }
0x12: {  	s22 =	sadd.s32 $0x30000, s5;
	s24 =	sadd.s32 $0x29800, s5;
	s26 =	sadd.s32 $0x23400, s5  }
0x13: {  	s31 =	sadd.s32 $0x24000, s5;
	s8 =	sor.u32 $0x1D000, s5;
	s10 =	sor.u32 $0x16C00, s5  }
0x14: {  	s12 =	sor.u32 $0x18000, s5;
	s14 =	sor.u32 $0x10800, s5;
	[dreg:$0x5] =	wrdreg s6  }
0x15: {  	s6 =	sadd.s32 s19, s4;
	s17 =	sshrl.u32 s16, $0x3;
	s19 =	sshrl.u32 s18, $0x3  }
0x16: {  	s16 =	sor.u32 $0xA400, s5;
	[dreg:$0x6] =	wrdreg s6;
	s6 =	sadd.s32 s21, s4  }
0x17: {  	s21 =	sshrl.u32 s20, $0x3;
	[dreg:$0x7] =	wrdreg s6;
	s6 =	sadd.s32 s23, s4  }
0x18: {  	s23 =	sshrl.u32 s22, $0x3;
	[dreg:$0x8] =	wrdreg s6;
	s6 =	sadd.s32 s25, s4  }
0x19: {  	s25 =	sshrl.u32 s24, $0x3;
	s24 =	sshrl.u32 s16, $0x3;
	[dreg:$0x9] =	wrdreg s6  }
0x1a: {  	s6 =	sadd.s32 s30, s4;
	s30 =	sshrl.u32 s26, $0x3;
	s24 =	sadd.s32 s24, s4  }
0x1b: {  	[dreg:$0xa] =	wrdreg s6;
	s6 =	sadd.s32 s7, s4;
	s18 =	sadd.s32 s30, s4  }
0x1c: {  	s7 =	sshrl.u32 s31, $0x3;
	s30 =	sadd.s32 $0x1400, s2;
	s31 =	smax.u32 s3, $0x1  }
0x1d: {  	s3 =	simm.s32 $0x0;
	[dreg:$0xb] =	wrdreg s6;
	s6 =	sadd.s32 s9, s4  }
0x1e: {  	s9 =	sshrl.u32 s8, $0x3;
	[dreg:$0xc] =	wrdreg s6;
	s6 =	sadd.s32 s11, s4  }
0x1f: {  	s20 =	sadd.s32 s9, s4;
	[dreg:$0xd] =	wrdreg s6;
	s6 =	sadd.s32 s13, s4  }
0x20: {  	s11 =	sshrl.u32 s10, $0x3;
	s13 =	sshrl.u32 s12, $0x3;
	[dreg:$0xe] =	wrdreg s6  }
0x21: {  	s6 =	sadd.s32 s15, s4;
	s22 =	sadd.s32 s13, s4;
	s15 =	sshrl.u32 s14, $0x3  }
0x22: {  	[dreg:$0xf] =	wrdreg s6;
	s6 =	sadd.s32 s17, s4;
	s17 =	sadd.s32 s25, s4  }
0x23: {  	s25 =	sor.u32 $0xC000, s5;
	s5 =	sor.u32 $0x4000, s5;
	[dreg:$0x10] =	wrdreg s6  }
0x24: {  	s6 =	sadd.s32 s19, s4;
	s19 =	sadd.s32 s7, s4;
	s26 =	sshrl.u32 s25, $0x3  }
.Ltmp0:
0x25: {  	[dreg:$0x11] =	wrdreg s6;
	s6 =	sadd.s32 s21, s4;
	(pc) =	sbr.rel .LBB2_1-.Ltmp0, $4  }
0x26: {  	s5 =	sshrl.u32 s5, $0x3;
	[dreg:$0x12] =	wrdreg s6;
	s6 =	sadd.s32 s23, s4  }
0x27: {  	s25 =	simm.s32 $0x80;
	s21 =	sadd.s32 s11, s4;
	[dreg:$0x13] =	wrdreg s6  }
0x28: {  	s26 =	sadd.s32 s26, s4;
	_ =	strace $0x80000047;
	[dreg:$0x14] =	wrdreg s30  }
0x29: {  	s29 =	sadd.s32 s5, s4;
	s23 =	sadd.s32 s15, s4;
	[dreg:$0x15] =	wrdreg s31  }
.LBB2_6:
0x2a: {  	s1 =	simm.s32 $0x7  }
0x2b: {  	_ =	swait.ge [sflag:s1], $0x4000  }
0x2c: {  	[sflag:s1] =	ssyncset.done $0x0  }
0x2d: {  	s14 =	simm.s32 $0x8;
	[sflag:s1] =	ssyncadd.s32 $0xFFFFC000  }
0x2e: {  	_ =	swait.ge [sflag:s14], $0x4000  }
0x2f: {  	[sflag:s14] =	ssyncset.done $0x0  }
0x30: {  	s15 =	simm.s32 $0x9;
	[sflag:s14] =	ssyncadd.s32 $0xFFFFC000  }
0x31: {  	_ =	swait.ge [sflag:s15], $0x4000  }
0x32: {  	[sflag:s15] =	ssyncset.done $0x0  }
0x33: {  	s16 =	simm.s32 $0xA;
	[sflag:s15] =	ssyncadd.s32 $0xFFFFC000  }
0x34: {  	_ =	swait.ge [sflag:s16], $0x4000  }
0x35: {  	[sflag:s16] =	ssyncset.done $0x0  }
0x36: {  	s30 =	simm.s32 $0xB;
	[sflag:s16] =	ssyncadd.s32 $0xFFFFC000  }
0x37: {  	_ =	swait.ge [sflag:s30], $0x4000  }
0x38: {  	[sflag:s30] =	ssyncset.done $0x0  }
0x39: {  	s2 =	simm.s32 $0xC;
	[sflag:s30] =	ssyncadd.s32 $0xFFFFC000  }
0x3a: {  	_ =	swait.ge [sflag:s2], $0x4000  }
0x3b: {  	s3 =	rddreg [dreg:$0x16]  }
0x3c: {  	s31 =	rddreg [dreg:$0x15];
	s3 =	sadd.s32 $0x1, s3  }
0x3d: {  	p1 =	sne.s32 s3, s31  }
.Ltmp1:
0x3e: {  	_ = 	snop;
	(pc) =	sbr.rel @!p1 .LBB2_7-.Ltmp1, $3  }
0x3f: {  	_ =	sdelay $0x1  }
0x40: {  	[sflag:s2] =	ssyncset.done $0x0  }
0x41: {  	[sflag:s2] =	ssyncadd.s32 $0xFFFFC000  }
.LBB2_1:
0x42: {  	[dreg:$0x16] =	wrdreg s3  }
0x43: {  	s1 =	sshrl.u32 @!p0 s28, $0x3;
	s2 =	simm.s32 @!p0 $0x1C0D;
	s3 =	rddreg [dreg:$0x14]  }
0x44: {  	[spmem:s1], [sflag:s2] =	dma.local @!p0 [hbm:s3], $0x1000  }
0x45: {  	s8 =	simm.s32 $0x800;
	s9 =	simm.s32 $0xD;
	s1 =	simm.s32 @!p0 $0xD  }
0x46: {  	s10 =	simm.s32 $0x6C00;
	s11 =	simm.s32 $0x880;
	_ =	swait.ge @!p0 [sflag:s1], $0x1000  }
0x47: {  	s12 =	simm.s32 $0xAC00;
	s13 =	smul.u32 $0xAB, s0;
	[sflag:s1] =	ssyncset.done @!p0 $0x0  }
0x48: {  	s14 =	simm.s32 $0x900;
	s15 =	simm.s32 $0xEC00;
	[sflag:s1] =	ssyncadd.s32 @!p0 $0xFFFFF000  }
0x49: {  	s4 =	simm.s32 $0x980;
	s16 =	sshrl.u32 s13, $0xA;
	[bflag:$0x0] =	sbarrier.arrive $0xFFFF  }
0x4a: {  	s5 =	simm.s32 $0x2;
	s2 =	sand.u32 $0x3F, s16;
	s7 =	rddreg [dreg:$0x4]  }
0x4b: {  	[tilespmem:s8], [sflag:$0xD] =	stream.linear.gather [hbm4b:s7+s0], $0x6400, $0x38;
	[tilespmem:$0x1EC00] =	vst v63  }
0x4c: {  	s1 =	sadd.s32 $0x201, s13;
	s2 =	smul.u32 $0x6, s2;
	_ =	swait.ge [sflag:s9], $0x6400  }
0x4d: {  	p1 =	por $0x1, $0x1;
	s1 =	sshrl.u32 s1, $0xA;
	[sflag:s9] =	ssyncset.done $0x0  }
0x4e: {  	s1 =	sand.u32 $0x3F, s1;
	s2 =	ssub.s32 $0x0, s2;
	[sflag:s9] =	ssyncadd.s32 $0xFFFF9C00  }
0x4f: {  	[tilespmem:s10], [sflag:$0x1] =	stream.indirect.gather [spmem:s28], $0x80, s8, s25, $0xb8;
	[tilespmem:$0x1EC00] =	vst v63  }
0x50: {  	s3 =	simm.s32 $0x1;
	s1 =	smul.u32 $0x6, s1;
	s2 =	sand.u32 $0xFF, s2  }
0x51: {  	[tilespmem:s12], [sflag:$0x2] =	stream.indirect.gather [spmem:s28], $0x80, s11, s25, $0xb8;
	[tilespmem:$0x1EC00] =	vst v63  }
0x52: {  	s6 =	sadd.s32 $0x1, s2;
	s7 =	sshll.u32 s2, $0xE;
	s1 =	ssub.s32 $0x0, s1  }
0x53: {  	[tilespmem:s15], [sflag:$0x3] =	stream.indirect.gather [spmem:s28], $0x80, s14, s25, $0xb8;
	[tilespmem:$0x1EC00] =	vst v63  }
0x54: {  	s2 =	sadd.s32 $0x7, s2;
	s1 =	sadd.s32 $0x3, s1;
	_ =	swait.ge [sflag:s6], $0x4000  }
0x55: {  	s30 =	sadd.s32 $0x6C00, s7;
	s1 =	sand.u32 $0xFF, s1;
	[sflag:s6] =	ssyncset.done $0x0  }
0x56: {  	s8 =	sadd.s32 @!p1 $0x7, s1;
	s31 =	rddreg [dreg:$0x5];
	[sflag:s6] =	ssyncadd.s32 $0xFFFFC000  }
0x57: {  	[hbm4b:s31+s0] =	stream.linear.scatter [tilespmem:s30], [sflag:s2], $0x4000, $0x38;
	[tilespmem:$0x1EC00] =	vst v63  }
0x58: {  	s9 =	sshll.u32 s1, $0xE;
	s7 =	sadd.s32 $0x1, s1;
	_ =	swait.ge @!p1 [sflag:s8], $0x4000  }
0x59: {  	s1 =	simm.s32 $0xA00;
	s6 =	smul.u32 $0xAB, s3;
	[sflag:s8] =	ssyncset.done @!p1 $0x0  }
0x5a: {  	s2 =	sadd.s32 $0xC80, s31;
	[sflag:s8] =	ssyncadd.s32 @!p1 $0xFFFFC000;
	s8 =	sadd.s32 $0x6C00, s9  }
.LBB2_2:
0x5b: {  	[tilespmem:s8], [sflag:s7] =	stream.indirect.gather [spmem:s28], $0x80, s4, s25, $0xb8;
	[tilespmem:$0x1EC00] =	vst v63  }
0x5c: {  	s7 =	smov.u32 s5;
	s4 =	smov.u32 s1  }
0x5d: {  	s5 =	sadd.s32 $0x1, s5;
	s8 =	sshrl.u32 s6, $0xA;
	s6 =	sadd.s32 $0x201, s6  }
0x5e: {  	p1 =	sne.s32 s5, $0x80;
	s8 =	sand.u32 $0x3F, s8;
	s6 =	sshrl.u32 s6, $0xA  }
0x5f: {  	s8 =	smul.u32 $0x6, s8;
	s6 =	sand.u32 $0x3F, s6  }
0x60: {  	s6 =	smul.u32 $0x6, s6  }
0x61: {  	s8 =	ssub.s32 s3, s8  }
0x62: {  	s8 =	sand.u32 $0xFF, s8;
	s6 =	ssub.s32 s3, s6  }
0x63: {  	s9 =	sadd.s32 $0x1, s8;
	s10 =	sshll.u32 s8, $0xE;
	s6 =	sadd.s32 $0x3, s6  }
0x64: {  	p2 =	slt.u32 s3, $0x3;
	_ =	swait.ge [sflag:s9], $0x4000;
	s6 =	sand.u32 $0xFF, s6  }
0x65: {  	s3 =	sadd.s32 $0x7, s8;
	[sflag:s9] =	ssyncset.done $0x0;
	s8 =	sshll.u32 s6, $0xE  }
0x66: {  	[sflag:s9] =	ssyncadd.s32 $0xFFFFC000  }
.Ltmp2:
0x67: {  	s9 =	sadd.s32 $0x6C00, s10;
	s10 =	sadd.s32 @!p2 $0x7, s6;
	(pc) =	sbr.rel @p1 .LBB2_2-.Ltmp2, $4  }
0x68: {  	[hbm4b:s2+s0] =	stream.linear.scatter [tilespmem:s9], [sflag:s3], $0x4000, $0x38;
	[tilespmem:$0x1EC00] =	vst v63  }
0x69: {  	s2 =	sadd.s32 $0xC80, s2;
	s3 =	smov.u32 s7;
	_ =	swait.ge @!p2 [sflag:s10], $0x4000  }
0x6a: {  	s1 =	sadd.s32 $0x80, s1;
	s7 =	sadd.s32 $0x1, s6;
	[sflag:s10] =	ssyncset.done @!p2 $0x0  }
0x6b: {  	s8 =	sadd.s32 $0x6C00, s8;
	s6 =	smul.u32 $0xAB, s3;
	[sflag:s10] =	ssyncadd.s32 @!p2 $0xFFFFC000  }
0x6c: {  	[tilespmem:s8], [sflag:s7] =	stream.indirect.gather [spmem:s28], $0x80, s4, s25, $0xb8;
	[tilespmem:$0x1EC00] =	vst v63  }
0x6d: {  	s11 =	sshrl.u32 s6, $0xA  }
0x6e: {  	s5 =	sadd.s32 $0x201, s6;
	s4 =	sand.u32 $0x3F, s11  }
0x6f: {  	s5 =	sshrl.u32 s5, $0xA;
	s4 =	smul.u32 $0x6, s4  }
0x70: {  	s5 =	sand.u32 $0x3F, s5  }
0x71: {  	s5 =	smul.u32 $0x6, s5;
	s4 =	ssub.s32 s3, s4  }
0x72: {  	s4 =	sand.u32 $0xFF, s4  }
0x73: {  	p1 =	slt.u32 s3, $0x3;
	s5 =	ssub.s32 s3, s5;
	s12 =	sadd.s32 $0x1, s4  }
0x74: {  	s5 =	sadd.s32 $0x3, s5;
	s13 =	sshll.u32 s4, $0xE;
	_ =	swait.ge [sflag:s12], $0x4000  }
0x75: {  	s14 =	sadd.s32 $0x7, s4;
	s5 =	sand.u32 $0xFF, s5;
	[sflag:s12] =	ssyncset.done $0x0  }
0x76: {  	s15 =	sadd.s32 $0x6C00, s13;
	s6 =	sadd.s32 @!p1 $0x7, s5;
	[sflag:s12] =	ssyncadd.s32 $0xFFFFC000  }
0x77: {  	[hbm4b:s2+s0] =	stream.linear.scatter [tilespmem:s15], [sflag:s14], $0x4000, $0x38;
	[tilespmem:$0x1EC00] =	vst v63  }
0x78: {  	_ =	swait.ge @!p1 [sflag:s6], $0x4000  }
0x79: {  	s16 =	sshll.u32 s5, $0xE;
	[sflag:s6] =	ssyncset.done @!p1 $0x0  }
0x7a: {  	s30 =	sadd.s32 $0x1, s5;
	s2 =	sadd.s32 $0x6C00, s16;
	[sflag:s6] =	ssyncadd.s32 @!p1 $0xFFFFC000  }
0x7b: {  	[tilespmem:s2], [sflag:s30] =	stream.indirect.gather [spmem:s28], $0x80, s1, s25, $0xb8;
	[tilespmem:$0x1EC00] =	vst v63  }
0x7c: {  	s31 =	simm.s32 $0x4D80;
	s1 =	simm.s32 $0x0;
	s2 =	simm.s32 $0x0  }
.LBB2_4:
0x7d: {  	s3 =	sor.u32 $0xFFFFFF80, s2  }
0x7e: {  	s4 =	sand.u32 $0xFF, s3  }
0x7f: {  	s4 =	smul.u32 $0xAB, s4;
	_ =	sdelay $0x1  }
0x80: {  	s4 =	sshrl.u32 s4, $0xA  }
0x81: {  	s4 =	smul.u32 $0x6, s4;
	_ =	sdelay $0x1  }
0x82: {  	s3 =	ssub.s32 s3, s4  }
0x83: {  	s3 =	sand.u32 $0xFF, s3  }
0x84: {  	s6 =	sadd.s32 $0x1, s3  }
0x85: {  	s5 =	sadd.s32 s1, s29;
	s30 =	smul.u32 $0xAB, s2;
	_ =	swait.ge [sflag:s6], $0x4000  }
0x86: {  	s7 =	sadd.s32 $0x7, s3;
	s3 =	sshll.u32 s3, $0xE;
	[sflag:s6] =	ssyncset.done $0x0  }
0x87: {  	s8 =	sadd.s32 $0x5781, s30;
	[sflag:s6] =	ssyncadd.s32 $0xFFFFC000;
	s6 =	sadd.s32 $0x6C00, s3  }
0x88: {  	[hbm4b:s5+s0] =	stream.linear.scatter [tilespmem:s6], [sflag:s7], $0x2400, $0x38;
	[tilespmem:$0x1EC00] =	vst v63  }
0x89: {  	s5 =	sshrl.u32 s8, $0xA  }
0x8a: {  	s9 =	sadd.s32 s1, s24;
	s3 =	sadd.s32 $0x9000, s3;
	s5 =	sand.u32 $0x3F, s5  }
0x8b: {  	[hbm4b:s9+s0] =	stream.linear.scatter [tilespmem:s3], [sflag:s7], $0x1C00, $0x38;
	[tilespmem:$0x1EC00] =	vst v63  }
0x8c: {  	s5 =	smul.u32 $0x6, s5;
	s7 =	sadd.s32 $0xFFFFFF81, s2  }
0x8d: {  	s12 =	sand.u32 $0xFF, s7  }
0x8e: {  	s10 =	ssub.s32 s2, s5;
	s8 =	smul.u32 $0xAB, s12  }
0x8f: {  	s3 =	sadd.s32 $0xFFFFFF83, s10  }
0x90: {  	s11 =	sand.u32 $0xFF, s3;
	s9 =	sshrl.u32 s8, $0xA  }
0x91: {  	s3 =	sadd.s32 $0x7, s11;
	s13 =	smul.u32 $0x6, s9  }
0x92: {  	s10 =	sadd.s32 $0xFFFFFC00, s31;
	s4 =	sshll.u32 s11, $0xE;
	_ =	swait.ge [sflag:s3], $0x4000  }
0x93: {  	s8 =	sadd.s32 $0x1, s11;
	[sflag:s3] =	ssyncset.done $0x0;
	s5 =	ssub.s32 s7, s13  }
0x94: {  	s6 =	sadd.s32 $0x6C00, s4;
	[sflag:s3] =	ssyncadd.s32 $0xFFFFC000;
	s5 =	sand.u32 $0xFF, s5  }
0x95: {  	[tilespmem:s6], [sflag:s8] =	stream.indirect.gather [spmem:s28], $0x80, s10, s25, $0xb8;
	[tilespmem:$0x1EC00] =	vst v63  }
0x96: {  	s13 =	sadd.s32 $0x582C, s30;
	s14 =	sadd.s32 $0x1, s5  }
0x97: {  	s15 =	sadd.s32 s1, s26;
	s9 =	sshrl.u32 s13, $0xA;
	_ =	swait.ge [sflag:s14], $0x4000  }
0x98: {  	s7 =	sshll.u32 s5, $0xE;
	s5 =	sadd.s32 $0x7, s5;
	[sflag:s14] =	ssyncset.done $0x0  }
0x99: {  	s9 =	sand.u32 $0x3F, s9;
	s16 =	sadd.s32 $0x6C00, s7;
	[sflag:s14] =	ssyncadd.s32 $0xFFFFC000  }
0x9a: {  	[hbm4b:s15+s0] =	stream.linear.scatter [tilespmem:s16], [sflag:s5], $0x800, $0x38;
	[tilespmem:$0x1EC00] =	vst v63  }
0x9b: {  	s11 =	sadd.s32 s1, s23;
	s12 =	sadd.s32 $0x7400, s7;
	s9 =	smul.u32 $0x6, s9  }
0x9c: {  	[hbm4b:s11+s0] =	stream.linear.scatter [tilespmem:s12], [sflag:s5], $0x2400, $0x38;
	[tilespmem:$0x1EC00] =	vst v63  }
0x9d: {  	s7 =	sadd.s32 $0x9800, s7;
	s11 =	sadd.s32 $0xFFFFFF82, s2  }
0x9e: {  	s14 =	sadd.s32 s1, s21;
	s15 =	ssub.s32 s2, s9;
	s12 =	sand.u32 $0xFF, s11  }
0x9f: {  	[hbm4b:s14+s0] =	stream.linear.scatter [tilespmem:s7], [sflag:s5], $0x1400, $0x38;
	[tilespmem:$0x1EC00] =	vst v63  }
0xa0: {  	s5 =	sadd.s32 $0xFFFFFF84, s15;
	s12 =	smul.u32 $0xAB, s12  }
0xa1: {  	s16 =	sand.u32 $0xFF, s5  }
0xa2: {  	s5 =	sadd.s32 $0x7, s16;
	s13 =	sshrl.u32 s12, $0xA  }
0xa3: {  	s14 =	sadd.s32 $0xFFFFFC80, s31;
	_ =	swait.ge [sflag:s5], $0x4000;
	s13 =	smul.u32 $0x6, s13  }
0xa4: {  	s7 =	sshll.u32 s16, $0xE;
	s12 =	sadd.s32 $0x1, s16;
	[sflag:s5] =	ssyncset.done $0x0  }
0xa5: {  	s10 =	sadd.s32 $0x6C00, s7;
	[sflag:s5] =	ssyncadd.s32 $0xFFFFC000;
	s9 =	ssub.s32 s11, s13  }
0xa6: {  	[tilespmem:s10], [sflag:s12] =	stream.indirect.gather [spmem:s28], $0x80, s14, s25, $0xb8;
	[tilespmem:$0x1EC00] =	vst v63  }
0xa7: {  	s9 =	sand.u32 $0xFF, s9  }
0xa8: {  	s14 =	sadd.s32 $0x1, s9  }
0xa9: {  	_ =	swait.ge [sflag:s14], $0x4000  }
0xaa: {  	s15 =	sadd.s32 s1, s22;
	s11 =	sshll.u32 s9, $0xE;
	[sflag:s14] =	ssyncset.done $0x0  }
0xab: {  	s9 =	sadd.s32 $0x7, s9;
	s16 =	sadd.s32 $0x6C00, s11;
	[sflag:s14] =	ssyncadd.s32 $0xFFFFC000  }
0xac: {  	[hbm4b:s15+s0] =	stream.linear.scatter [tilespmem:s16], [sflag:s9], $0x1000, $0x38;
	[tilespmem:$0x1EC00] =	vst v63  }
0xad: {  	s15 =	sadd.s32 s1, s20;
	s16 =	sadd.s32 $0x7C00, s11  }
0xae: {  	[hbm4b:s15+s0] =	stream.linear.scatter [tilespmem:s16], [sflag:s9], $0x2400, $0x38;
	[tilespmem:$0x1EC00] =	vst v63  }
0xaf: {  	s15 =	sadd.s32 $0x58D7, s30  }
0xb0: {  	s13 =	sshrl.u32 s15, $0xA  }
0xb1: {  	s13 =	sand.u32 $0x3F, s13  }
0xb2: {  	s11 =	sadd.s32 $0xA000, s11;
	s16 =	sadd.s32 s1, s18;
	s13 =	smul.u32 $0x6, s13  }
0xb3: {  	[hbm4b:s16+s0] =	stream.linear.scatter [tilespmem:s11], [sflag:s9], $0xC00, $0x38;
	[tilespmem:$0x1EC00] =	vst v63  }
0xb4: {  	s15 =	ssub.s32 s2, s13  }
0xb5: {  	s9 =	sadd.s32 $0xFFFFFF85, s15  }
0xb6: {  	s16 =	sand.u32 $0xFF, s9  }
0xb7: {  	s9 =	sadd.s32 $0x7, s16  }
0xb8: {  	_ =	swait.ge [sflag:s9], $0x4000  }
0xb9: {  	s15 =	sadd.s32 $0xFFFFFD00, s31;
	s11 =	sshll.u32 s16, $0xE;
	[sflag:s9] =	ssyncset.done $0x0  }
0xba: {  	s13 =	sadd.s32 $0x1, s16;
	s14 =	sadd.s32 $0x6C00, s11;
	[sflag:s9] =	ssyncadd.s32 $0xFFFFC000  }
0xbb: {  	[tilespmem:s14], [sflag:s13] =	stream.indirect.gather [spmem:s28], $0x80, s15, s25, $0xb8;
	[tilespmem:$0x1EC00] =	vst v63  }
0xbc: {  	_ =	swait.ge [sflag:s8], $0x4000  }
0xbd: {  	[sflag:s8] =	ssyncset.done $0x0  }
0xbe: {  	s16 =	sadd.s32 s1, s19;
	[sflag:s8] =	ssyncadd.s32 $0xFFFFC000  }
0xbf: {  	[hbm4b:s16+s0] =	stream.linear.scatter [tilespmem:s6], [sflag:s3], $0x1800, $0x38;
	[tilespmem:$0x1EC00] =	vst v63  }
0xc0: {  	s15 =	sadd.s32 s1, s17;
	s16 =	sadd.s32 $0x8400, s4  }
0xc1: {  	[hbm4b:s15+s0] =	stream.linear.scatter [tilespmem:s16], [sflag:s3], $0x2400, $0x38;
	[tilespmem:$0x1EC00] =	vst v63  }
0xc2: {  	s15 =	sadd.s32 $0x5982, s30  }
0xc3: {  	s6 =	sshrl.u32 s15, $0xA  }
0xc4: {  	s16 =	rddreg [dreg:$0x12];
	s6 =	sand.u32 $0x3F, s6  }
0xc5: {  	s4 =	sadd.s32 $0xA800, s4;
	s8 =	sadd.s32 s1, s16;
	s6 =	smul.u32 $0x6, s6  }
0xc6: {  	[hbm4b:s8+s0] =	stream.linear.scatter [tilespmem:s4], [sflag:s3], $0x400, $0x38;
	[tilespmem:$0x1EC00] =	vst v63  }
0xc7: {  	s8 =	ssub.s32 s2, s6  }
0xc8: {  	s3 =	sadd.s32 $0xFFFFFF86, s8  }
0xc9: {  	s3 =	sand.u32 $0xFF, s3  }
0xca: {  	s4 =	sadd.s32 $0x7, s3  }
0xcb: {  	_ =	swait.ge [sflag:s4], $0x4000  }
0xcc: {  	s6 =	sadd.s32 $0xFFFFFD80, s31;
	s8 =	sshll.u32 s3, $0xE;
	[sflag:s4] =	ssyncset.done $0x0  }
0xcd: {  	s16 =	sadd.s32 $0x1, s3;
	s15 =	sadd.s32 $0x6C00, s8;
	[sflag:s4] =	ssyncadd.s32 $0xFFFFC000  }
0xce: {  	[tilespmem:s15], [sflag:s16] =	stream.indirect.gather [spmem:s28], $0x80, s6, s25, $0xb8;
	[tilespmem:$0x1EC00] =	vst v63  }
0xcf: {  	_ =	swait.ge [sflag:s12], $0x4000  }
0xd0: {  	[sflag:s12] =	ssyncset.done $0x0  }
0xd1: {  	[sflag:s12] =	ssyncadd.s32 $0xFFFFC000;
	s12 =	rddreg [dreg:$0x13]  }
0xd2: {  	s6 =	sadd.s32 $0x5A2D, s30;
	s3 =	sadd.s32 s1, s12  }
0xd3: {  	[hbm4b:s3+s0] =	stream.linear.scatter [tilespmem:s10], [sflag:s5], $0x2000, $0x38;
	[tilespmem:$0x1EC00] =	vst v63  }
0xd4: {  	s3 =	sshrl.u32 s6, $0xA  }
0xd5: {  	s10 =	rddreg [dreg:$0x10];
	s3 =	sand.u32 $0x3F, s3  }
0xd6: {  	s7 =	sadd.s32 $0x8C00, s7;
	s6 =	sadd.s32 s1, s10;
	s3 =	smul.u32 $0x6, s3  }
0xd7: {  	[hbm4b:s6+s0] =	stream.linear.scatter [tilespmem:s7], [sflag:s5], $0x2000, $0x38;
	[tilespmem:$0x1EC00] =	vst v63  }
0xd8: {  	s3 =	ssub.s32 s2, s3  }
0xd9: {  	s3 =	sadd.s32 $0xFFFFFF87, s3  }
0xda: {  	s12 =	sand.u32 $0xFF, s3  }
0xdb: {  	s3 =	sadd.s32 $0x7, s12  }
0xdc: {  	_ =	swait.ge [sflag:s3], $0x4000  }
0xdd: {  	s7 =	sadd.s32 $0xFFFFFE00, s31;
	s5 =	sshll.u32 s12, $0xE;
	[sflag:s3] =	ssyncset.done $0x0  }
0xde: {  	s12 =	sadd.s32 $0x1, s12;
	s10 =	sadd.s32 $0x6C00, s5;
	[sflag:s3] =	ssyncadd.s32 $0xFFFFC000  }
0xdf: {  	[tilespmem:s10], [sflag:s12] =	stream.indirect.gather [spmem:s28], $0x80, s7, s25, $0xb8;
	[tilespmem:$0x1EC00] =	vst v63  }
0xe0: {  	_ =	swait.ge [sflag:s13], $0x4000  }
0xe1: {  	[sflag:s13] =	ssyncset.done $0x0;
	s7 =	rddreg [dreg:$0x11]  }
0xe2: {  	[sflag:s13] =	ssyncadd.s32 $0xFFFFC000;
	s6 =	sadd.s32 s1, s7;
	s13 =	rddreg [dreg:$0xf]  }
0xe3: {  	[hbm4b:s6+s0] =	stream.linear.scatter [tilespmem:s14], [sflag:s9], $0x400, $0x38;
	[tilespmem:$0x1EC00] =	vst v63  }
0xe4: {  	s7 =	sadd.s32 $0x5AD8, s30;
	s6 =	sadd.s32 s1, s13;
	s14 =	sadd.s32 $0x7000, s11  }
0xe5: {  	[hbm4b:s6+s0] =	stream.linear.scatter [tilespmem:s14], [sflag:s9], $0x2400, $0x38;
	[tilespmem:$0x1EC00] =	vst v63  }
0xe6: {  	s6 =	sshrl.u32 s7, $0xA  }
0xe7: {  	s13 =	rddreg [dreg:$0xd];
	s6 =	sand.u32 $0x3F, s6  }
0xe8: {  	s11 =	sadd.s32 $0x9400, s11;
	s7 =	sadd.s32 s1, s13;
	s6 =	smul.u32 $0x6, s6  }
0xe9: {  	[hbm4b:s7+s0] =	stream.linear.scatter [tilespmem:s11], [sflag:s9], $0x1800, $0x38;
	[tilespmem:$0x1EC00] =	vst v63  }
0xea: {  	s6 =	ssub.s32 s2, s6  }
0xeb: {  	s6 =	sadd.s32 $0x88, s6  }
0xec: {  	s14 =	sand.u32 $0xFF, s6  }
0xed: {  	s6 =	sadd.s32 $0x7, s14  }
0xee: {  	_ =	swait.ge [sflag:s6], $0x4000  }
0xef: {  	s30 =	sadd.s32 $0xFFFFFE80, s31;
	s7 =	sshll.u32 s14, $0xE;
	[sflag:s6] =	ssyncset.done $0x0  }
0xf0: {  	s11 =	sadd.s32 $0x1, s14;
	s9 =	sadd.s32 $0x6C00, s7;
	[sflag:s6] =	ssyncadd.s32 $0xFFFFC000  }
0xf1: {  	[tilespmem:s9], [sflag:s11] =	stream.indirect.gather [spmem:s28], $0x80, s30, s25, $0xb8;
	[tilespmem:$0x1EC00] =	vst v63  }
0xf2: {  	_ =	swait.ge [sflag:s16], $0x4000  }
0xf3: {  	[sflag:s16] =	ssyncset.done $0x0;
	s14 =	rddreg [dreg:$0xe]  }
0xf4: {  	p1 =	seq.s32 s1, $0x57800;
	[sflag:s16] =	ssyncadd.s32 $0xFFFFC000;
	s13 =	sadd.s32 s1, s14  }
0xf5: {  	[hbm4b:s13+s0] =	stream.linear.scatter [tilespmem:s15], [sflag:s4], $0xC00, $0x38;
	[tilespmem:$0x1EC00] =	vst v63  }
0xf6: {  	s16 =	rddreg [dreg:$0xc];
	s13 =	sadd.s32 @!p1 $0x89, s2  }
0xf7: {  	s30 =	sadd.s32 $0x7800, s8;
	s14 =	sadd.s32 s1, s16;
	s16 =	smul.u32 @!p1 $0xAB, s13  }
0xf8: {  	[hbm4b:s14+s0] =	stream.linear.scatter [tilespmem:s30], [sflag:s4], $0x2400, $0x38;
	[tilespmem:$0x1EC00] =	vst v63  }
0xf9: {  	s14 =	sshrl.u32 @!p1 s16, $0xA  }
0xfa: {  	s30 =	rddreg [dreg:$0xa];
	s14 =	sand.u32 @!p1 $0x3F, s14  }
0xfb: {  	s8 =	sadd.s32 $0x9C00, s8;
	s15 =	sadd.s32 s1, s30;
	s14 =	smul.u32 @!p1 $0x6, s14  }
0xfc: {  	[hbm4b:s15+s0] =	stream.linear.scatter [tilespmem:s8], [sflag:s4], $0x1000, $0x38;
	[tilespmem:$0x1EC00] =	vst v63  }
0xfd: {  	s4 =	ssub.s32 @!p1 s13, s14  }
0xfe: {  	s4 =	sand.u32 @!p1 $0xFF, s4  }
0xff: {  	s8 =	sadd.s32 @!p1 $0x7, s4  }
0x100: {  	s14 =	simm.s32 @!p1 $0x80;
	_ =	swait.ge @!p1 [sflag:s8], $0x4000  }
0x101: {  	s13 =	sshll.u32 @!p1 s4, $0xE;
	s4 =	sadd.s32 @!p1 $0x1, s4;
	[sflag:s8] =	ssyncset.done @!p1 $0x0  }
0x102: {  	[sflag:s8] =	ssyncadd.s32 @!p1 $0xFFFFC000;
	s8 =	sadd.s32 @!p1 $0x6C00, s13;
	s13 =	sadd.s32 @!p1 $0xFFFFFF00, s31  }
0x103: {  	[tilespmem:s8], [sflag:s4] =	stream.indirect.gather @!p1 [spmem:s28], $0x80, s13, s14, $0xb8;
	[tilespmem:$0x1EC00] =	vst v63  }
0x104: {  	_ =	swait.ge [sflag:s12], $0x4000  }
0x105: {  	[sflag:s12] =	ssyncset.done $0x0;
	s15 =	rddreg [dreg:$0xb]  }
0x106: {  	[sflag:s12] =	ssyncadd.s32 $0xFFFFC000;
	s4 =	sadd.s32 s1, s15  }
0x107: {  	[hbm4b:s4+s0] =	stream.linear.scatter [tilespmem:s10], [sflag:s3], $0x1400, $0x38;
	[tilespmem:$0x1EC00] =	vst v63  }
0x108: {  	s16 =	rddreg [dreg:$0x9];
	s4 =	sadd.s32 @!p1 $0x8A, s2  }
0x109: {  	s30 =	sadd.s32 $0x8000, s5;
	s8 =	sadd.s32 s1, s16;
	s12 =	smul.u32 @!p1 $0xAB, s4  }
0x10a: {  	[hbm4b:s8+s0] =	stream.linear.scatter [tilespmem:s30], [sflag:s3], $0x2400, $0x38;
	[tilespmem:$0x1EC00] =	vst v63  }
0x10b: {  	s8 =	sshrl.u32 @!p1 s12, $0xA  }
0x10c: {  	s13 =	rddreg [dreg:$0x7];
	s8 =	sand.u32 @!p1 $0x3F, s8  }
0x10d: {  	s5 =	sadd.s32 $0xA400, s5;
	s10 =	sadd.s32 s1, s13;
	s8 =	smul.u32 @!p1 $0x6, s8  }
0x10e: {  	[hbm4b:s10+s0] =	stream.linear.scatter [tilespmem:s5], [sflag:s3], $0x800, $0x38;
	[tilespmem:$0x1EC00] =	vst v63  }
0x10f: {  	s3 =	ssub.s32 @!p1 s4, s8  }
0x110: {  	s3 =	sand.u32 @!p1 $0xFF, s3  }
0x111: {  	s4 =	sadd.s32 @!p1 $0x7, s3  }
0x112: {  	_ =	swait.ge @!p1 [sflag:s4], $0x4000  }
0x113: {  	[sflag:s4] =	ssyncset.done @!p1 $0x0  }
0x114: {  	[sflag:s4] =	ssyncadd.s32 @!p1 $0xFFFFC000;
	s4 =	sshll.u32 @!p1 s3, $0xE  }
0x115: {  	s5 =	sadd.s32 @!p1 $0xFFFFFF80, s31;
	s3 =	sadd.s32 @!p1 $0x1, s3;
	s4 =	sadd.s32 @!p1 $0x6C00, s4  }
0x116: {  	[tilespmem:s4], [sflag:s3] =	stream.indirect.gather @!p1 [spmem:s28], $0x80, s5, s14, $0xb8;
	[tilespmem:$0x1EC00] =	vst v63  }
0x117: {  	_ =	swait.ge [sflag:s11], $0x4000  }
.Ltmp3:
0x118: {  	[sflag:s11] =	ssyncset.done $0x0;
	s15 =	rddreg [dreg:$0x8];
	(pc) =	sbr.rel @p1 .LBB2_6-.Ltmp3, $4  }
0x119: {  	s16 =	rddreg [dreg:$0x6];
	[sflag:s11] =	ssyncadd.s32 $0xFFFFC000;
	s3 =	sadd.s32 s1, s15  }
0x11a: {  	[hbm4b:s3+s0] =	stream.linear.scatter [tilespmem:s9], [sflag:s6], $0x1C00, $0x38;
	[tilespmem:$0x1EC00] =	vst v63  }
0x11b: {  	s30 =	sadd.s32 $0x8800, s7;
	s3 =	sadd.s32 s1, s16  }
0x11c: {  	[hbm4b:s3+s0] =	stream.linear.scatter [tilespmem:s30], [sflag:s6], $0x2400, $0x38;
	[tilespmem:$0x1EC00] =	vst v63  }
0x11d: {  	s3 =	sadd.s32 $0x8B, s2  }
0x11e: {  	s4 =	smul.u32 $0xAB, s3;
	_ =	sdelay $0x1  }
0x11f: {  	s4 =	sshrl.u32 s4, $0xA  }
0x120: {  	s4 =	sand.u32 $0x3F, s4  }
0x121: {  	s4 =	smul.u32 $0x6, s4;
	_ =	sdelay $0x1  }
0x122: {  	s3 =	ssub.s32 s3, s4  }
0x123: {  	s3 =	sand.u32 $0xFF, s3  }
0x124: {  	s16 =	sadd.s32 $0x7, s3  }
.Ltmp4:
0x125: {  	_ =	swait.ge [sflag:s16], $0x4000;
	(pc) =	sbr.rel .LBB2_4-.Ltmp4, $4  }
0x126: {  	s5 =	sshll.u32 s3, $0xE;
	[sflag:s16] =	ssyncset.done $0x0  }
0x127: {  	s3 =	sadd.s32 $0x1, s3;
	s30 =	sadd.s32 $0x6C00, s5;
	[sflag:s16] =	ssyncadd.s32 $0xFFFFC000  }
0x128: {  	[tilespmem:s30], [sflag:s3] =	stream.indirect.gather [spmem:s28], $0x80, s31, s25, $0xb8;
	[tilespmem:$0x1EC00] =	vst v63  }
0x129: {  	s2 =	sadd.s32 $0x9, s2;
	s1 =	sadd.s32 $0xC800, s1;
	s31 =	sadd.s32 $0x480, s31  }
.LBB2_7:
0x12a: {  	_ =	sfence.sel $0x180000  }
0x12b: {  	[bflag:$0x0] =	sbarrier.arrive $0xFFFF  }
0x12c: {  	_ =	strace $0x90000047  }
0x12d: {  	[bflag:$0x2] =	sbarrier.arrive $0xFFFF  }
0x12e: {  	s0 =	rddreg [dreg:$0x3]  }
0x12f: {  	s0 =	sadd.s32 @!p0 $0x100000, s0  }
0x130: {  	[sflag:s0] =	ssyncadd.tile.s32 @!p0 $0x1;
	_ =	shalt  }
.Lfunc_end2:
_tile_overlayer_lowered:
.L_overlay_start_2:
0x131: {  	(tag) =	ssettag $0x2  }
0x132: {  	s0 =	rddreg [dreg:$0x0];
	s2 =	stileid.u32  }
0x133: {  	s1 =	rddreg [dreg:$0x1];
	p0 =	sne.s32 s2, $0x0  }
0x134: {  	s3 =	rddreg [dreg:$0x2];
	[bflag:$0x3] =	sbarrier.arrive $0xFFFF;
	s2 =	simm.s32 @!p0 $0x1C0D  }
0x135: {  	[timem:s3], [sflag:s2] =	dma.local @!p0 [hbm:s0], s1  }
0x136: {  	s0 =	simm.s32 @!p0 $0xD  }
0x137: {  	_ =	swait.ge @!p0 [sflag:s0], s1  }
0x138: {  	s1 =	ssub.s32 @!p0 $0x0, s1;
	[sflag:s0] =	ssyncset.done @!p0 $0x0  }
0x139: {  	[sflag:s0] =	ssyncadd.s32 @!p0 s1  }
0x13a: {  	[bflag:$0x3] =	sbarrier.arrive $0xFFFF  }
0x13b: {  	_ =	shalt  }

// kernel: sparse-core-data-format-call.cloned.1.call-start
scs
called_computation_lowered:
.L_overlay_start_0:
0x0: {  	s2 =	sld [smem:$0x3FD9]  }
0x1: {  	s3 =	sld [smem:$0x3FFE];
	_ =	sdelay $0x1  }
0x2: {  	s1 =	srdreg.scid  }
0x3: {  	s0 =	sand.u32 $0x1, s1  }
0x4: {  	s18 =	sshll.u32 s0, $0xA;
	s2 =	sadd.s32 s3, s2  }
0x5: {  	s2 =	sadd.s32 s2, s18  }
0x6: {  	[smem:$0x3FC6] =	sst s2  }
0x7: {  	_ = 	snop  }
0x8: {  	s2 =	sld [smem:$0x3FD0];
	(tm) =	ssettm $0x1  }
0x9: {  	s19 =	sld [smem:$0x3FFB];
	_ =	sdelay $0x3  }
0xa: {  	_ =	strace s19  }
0xb: {  	s3 =	sld [smem:$0x3FFC];
	_ =	sdelay $0x3  }
0xc: {  	_ =	strace s3  }
0xd: {  	s3 =	sld [smem:$0x3FFD];
	_ =	sdelay $0x3  }
0xe: {  	_ =	strace s3  }
0xf: {  	_ =	strace $0x8FFFFFFF  }
0x10: {  	s20 =	sld [smem:$0x3FDB];
	_ =	sdelay $0x1  }
0x11: {  	s4 =	simm.s32 $_scs_section_size  }
0x12: {  	s5 =	simm.s32 $_size__tile_overlayer_lowered;
	s6 =	simm.s32 $_tile_overlayer_lowered  }
0x13: {  	s23 =	simm.s32 $0x1BFF;
	s22 =	sshll.u32 s6, $0x1;
	s3 =	sadd.s32 s4, s20  }
0x14: {  	s7 =	simm.s32 $0x0;
	s21 =	sshll.u32 s5, $0x1;
	s5 =	sadd.s32 s22, s3  }
0x15: {  	[timem:s7], [sflag:s23] =	dma.local [hbm:s5], s21  }
0x16: {  	_ =	swait.ge [sflag:s23], s21  }
0x17: {  	s4 =	ssub.s32 $0x0, s21;
	[sflag:s23] =	ssyncset.done $0x0  }
0x18: {  	[sflag:s23] =	ssyncadd.s32 s4;
	_ =	sdelay $0x1  }
0x19: {  	s24 =	simm.s32 $0x1B8B  }
0x1a: {  	_ =	swait.ge [sflag:s24], $0x1  }
0x1b: {  	[sflag:s24] =	ssyncset.done $0x0  }
0x1c: {  	s26 =	simm.s32 $0x1B8E;
	s25 =	sld [smem:$0x3FFE];
	[sflag:s24] =	ssyncadd.s32 $0xFFFFFFFF  }
0x1d: {  	s27 =	simm.s32 $execute0_lowered;
	[smem:$0x3FD2] =	sst s26  }
0x1e: {  	s5 =	sshll.u32 s27, $0x1;
	_ =	strace $0x80000049;
	[dreg:$0x1] =	wrdreg $0xFFFFFFFF  }
0x1f: {  	s28 =	simm.s32 $_size_execute0_lowered;
	s3 =	sadd.s32 s3, s5;
	[dreg:$0x0] =	wrdreg $0x0  }
0x20: {  	s5 =	sshll.u32 s28, $0x1;
	[dreg:$0x2] =	wrdreg s3  }
0x21: {  	[dreg:$0x3] =	wrdreg s5  }
0x22: {  	[dreg:$0x4] =	wrdreg $0xC0  }
0x23: {  	_ =	task [dreg:s7], $0x5FFFF  }
0x24: {  	[dreg:$0x1] =	wrdreg $0xFFFFFFFF  }
0x25: {  	[dreg:$0x0] =	wrdreg $0x60  }
0x26: {  	[dreg:$0x2] =	wrdreg s25  }
0x27: {  	[dreg:$0x3] =	wrdreg s2  }
0x28: {  	[dreg:$0x4] =	wrdreg $0x9  }
0x29: {  	_ =	task.clear_ibuf [dreg:s7], $0x5FFFF;
	_ =	strace $0x90000049  }
0x2a: {  	s29 =	simm.s32 $0x9;
	_ =	strace $0x8000004B  }
0x2b: {  	_ =	swait.ge [sflag:s29], $0x1  }
0x2c: {  	[sflag:s29] =	ssyncadd.s32 $0xFFFFFFFF  }
0x2d: {  	_ =	strace $0x9000004B  }
0x2e: {  	_ =	sfence  }
0x2f: {  	s30 =	sld [smem:$0x0];
	_ =	sdelay $0x2  }
0x30: {  	s31 =	sshll.u32 s1, $0xD;
	s1 =	sshrl.u32 s1, $0x2  }
0x31: {  	s3 =	sand.u32 $0x4000, s31;
	s1 =	sadd.s32 s1, s30  }
0x32: {  	s0 =	sor.u32 s3, s0;
	s1 =	sshll.u32 s1, $0x11  }
0x33: {  	s0 =	sor.u32 s1, s0  }
0x34: {  	s0 =	sadd.s32 $0x8F2B, s0  }
0x35: {  	[sflag:s0] =	ssyncadd.remote.s32 $0x1  }
0x36: {  	_ =	sfence.sel $0xFFFF  }
0x37: {  	[dreg:$0x0] =	wrdreg $0xFFFFFFFF;
	(pc) =	sbr.abs _section_cstart, $3  }
0x38: {  	[dreg:$0x1] =	wrdreg $0xFFFFFFFF  }
0x39: {  	_ =	task.clear_ibuf [dreg:s7], $0x2FFFF;
	_ =	strace $0x9FFFFFFF  }
0x3a: {  	(tm) =	ssettm $0x7FFFFFFF  }
0x3b: {  	_ =	shalt  }
tec
execute0_lowered:
.L_overlay_start_1:
0x0: {  	(tag) =	ssettag $0x1  }
0x1: {  	s0 =	srdreg.scid  }
0x2: {  	s1 =	sshll.u32 s0, $0x4  }
0x3: {  	s0 =	stileid.u32;
	s1 =	sand.u32 $0x10, s1  }
0x4: {  	s1 =	sor.u32 s0, s1  }
0x5: {  	s6 =	rddreg [dreg:$0x0];
	s4 =	simm.s32 $0x1;
	s2 =	sshll.u32 s1, $0x7  }
0x6: {  	s7 =	simm.s32 $0x2;
	s12 =	simm.s32 $0x0;
	s1 =	ssub.s32 $0x1000, s2  }
0x7: {  	s8 =	simm.s32 $0x8000;
	s13 =	simm.s32 $0x0;
	s3 =	sand.u32 $0xF80, s1  }
0x8: {  	s9 =	simm.s32 $0x0;
	s5 =	sshrl.u32 s1, $0xC;
	p0 =	sne.s32 s3, $0x0  }
.Ltmp0:
0x9: {  	s1 =	rddreg [dreg:$0x2];
	s4 =	simm.s32 @!p0 $0x0;
	(pc) =	sbr.rel .LBB1_1-.Ltmp0, $4  }
0xa: {  	s11 =	simm.s32 $0x0;
	s3 =	rddreg [dreg:$0x1];
	s5 =	sadd.s32 s4, s5  }
0xb: {  	_ =	strace $0x8000004A;
	s4 =	simm.s32 $0x1;
	s5 =	smul.u32 $0xC8, s5  }
0xc: {  	s6 =	sadd.s32 $0x2400, s6;
	s10 =	smov.u32 s2;
	[sflag:s4] =	ssyncpa.u1 $0x0  }
0xd: {  	p0 =	por $0x0, $0x0;
	[sflag:s7] =	ssyncpa.u1 $0x0;
	s7 =	sor.u32 $0x1, s5  }
.LBB1_4:
0xe: {  	s16 =	sshll.u32 s13, $0x3;
	s17 =	sand.u32 $0x78, s13  }
0xf: {  	s30 =	sand.u32 $0x7E00, s13;
	s12 =	sshll.u32 s12, $0xF;
	s16 =	sand.u32 $0xC00, s16  }
0x10: {  	[tilespmem:s15+$0x810 ss:$0x81] =	vst.msk $0xffff, v2;
	s31 =	sand.u32 $0x7, s13;
	s16 =	sor.u32 s17, s16;
	s17 =	sadd.s32 s3, s30  }
0x11: {  	[tilespmem:s15+$0x1020 ss:$0x81] =	vst.msk $0xffff, v0;
	s13 =	sshll.u32 s31, $0x12;
	s12 =	sadd.s32 s12, s17;
	s16 =	sshrl.u32 s16, $0x3  }
0x12: {  	[tilespmem:s15+$0x0 ss:$0x81] =	vst.msk $0xffff, v1;
	s13 =	sor.u32 $0x400, s13;
	s12 =	sadd.s32 s16, s12  }
0x13: {  	[hbm4b:s12+s13] =	stream.strided.scatter [tilespmem:s14], [sflag:$0x2], $0x2000, s8, s13, $0x20;
	[tilespmem:$0x8080] =	vst v63  }
.LBB1_5:
0x14: {  	s14 =	sadd.s32 $0x1, s9  }
0x15: {  	s12 =	sadd.s32 $0x1000, s10;
	s16 =	smov.u32 s10;
	p2 =	sgt.s32 s14, $0xC7  }
0x16: {  	s16 =	smov.u32 @p2 s12  }
0x17: {  	s14 =	simm.s32 @p2 $0x0;
	p2 =	sgt.s32 s16, $0xFFF  }
0x18: {  	s16 =	smov.u32 @p2 s2;
	p2 =	sne.s32 s11, s7  }
.Ltmp1:
0x19: {  	p1 =	slt.u32 s11, $0x2;
	(pc) =	sbr.rel @!p2 .LBB1_6-.Ltmp1, $4  }
0x1a: {  	s15 =	simm.s32 @!p1 $0x2  }
0x1b: {  	s13 =	smov.u32 s10;
	p0 =	por !p0, !p0;
	_ =	swait.ge @!p1 [sflag:s15], $0x2000  }
0x1c: {  	s12 =	smov.u32 s9;
	[sflag:s15] =	ssyncset.done @!p1 $0x0;
	s9 =	smov.u32 s14  }
0x1d: {  	s11 =	sadd.s32 $0x1, s11;
	[sflag:s15] =	ssyncadd.s32 @!p1 $0xFFFFE000;
	s10 =	smov.u32 s16  }
.LBB1_1:
0x1e: {  	p1 =	sge.u32 s11, s5  }
0x1f: {  	s14 =	sand.u32 @!p1 $0x1FFFFFF, s9  }
0x20: {  	s15 =	smulhi.u32 @!p1 $0x147AE15, s14;
	_ =	sdelay $0x1  }
0x21: {  	s15 =	smul.u32 @!p1 $0xC8, s15  }
0x22: {  	s16 =	sxor.u32 @!p1 $0xFFFFFFFF, s11;
	s17 =	smul.u32 @!p1 $0xC80, s10  }
0x23: {  	s31 =	sadd.s32 $0xFFFFFFFF, s11;
	s16 =	sshll.u32 @!p1 s16, $0xD;
	s14 =	ssub.s32 @!p1 s14, s15  }
0x24: {  	s15 =	sand.u32 @!p1 $0x2000, s16;
	s16 =	sadd.s32 @!p1 s6, s17;
	s14 =	sshll.u32 @!p1 s14, $0x4  }
0x25: {  	s17 =	simm.s32 @!p1 $0x6400;
	s14 =	sadd.s32 @!p1 s14, s16;
	s16 =	simm.s32 @!p1 $0x40  }
0x26: {  	[tilespmem:s15], [sflag:$0x1] =	stream.strided.gather @!p1 [hbm4b:s14+s16], $0x2000, s17, s16, $0x38;
	[tilespmem:$0x8080] =	vst v63  }
0x27: {  	p1 =	sge.u32 s31, s5  }
.Ltmp2:
0x28: {  	_ = 	snop;
	(pc) =	sbr.rel @p1 .LBB1_5-.Ltmp2, $1  }
0x29: {  	_ =	sdelay $0x3  }
0x2a: {  	s14 =	simm.s32 $0x1  }
0x2b: {  	_ =	swait.ge [sflag:s4], $0x2000;
	s14 =	simm.s32 @!p0 $0x0  }
0x2c: {  	[sflag:s4] =	ssyncset.done $0x0;
	s15 =	sshll.u32 s14, $0xD  }
0x2d: {  	[sflag:s4] =	ssyncadd.s32 $0xFFFFE000;
	s18 =	sor.u32 $0x20, s15  }
0x2e: {  	s14 =	smul.u32 $0x8100, s14;
	v3 =	vld [tilespmem:s18+$0x10]  }
0x2f: {  	s30 =	sand.u32 $0x1, s11;
	v2 =	vld [tilespmem:s18+$0xFFFFFFF0]  }
0x30: {  	s15 =	smul.u32 $0x8100, s30;
	s14 =	sshrl.u32 s14, $0x2;
	v0 =	vld [tilespmem:s18+$0x0]  }
0x31: {  	v1 =	vld [tilespmem:s18+$0xFFFFFFE0];
	s16 =	sor.u32 $0x4000, s14  }
0x32: {  	s31 =	sshrl.u32 s15, $0x2;
	s15 =	sadd.s32 $0x0, s16  }
0x33: {  	s17 =	simm.s32 $0x4;
	s18 =	sadd.s32 $0x40, s18;
	s14 =	sor.u32 $0x4000, s31;
	[tilespmem:s15+$0x1830 ss:$0x81] =	vst.msk $0xffff, v3  }
.LBB1_3:
0x34: {  	v3 =	vld [tilespmem:s18+$0x10];
	p1 =	sne.s32 s17, $0x1FC;
	[tilespmem:s15+$0x810 ss:$0x81] =	vst.msk $0xffff, v2;
	s19 =	smov.u32 s17;
	s17 =	sadd.s32 $0x4, s17  }
.Ltmp3:
0x35: {  	v2 =	vld [tilespmem:s18+$0xFFFFFFF0];
	[tilespmem:s15+$0x1020 ss:$0x81] =	vst.msk $0xffff, v0;
	(pc) =	sbr.rel @p1 .LBB1_3-.Ltmp3, $4  }
0x36: {  	v0 =	vld [tilespmem:s18+$0x0];
	[tilespmem:s15+$0x0 ss:$0x81] =	vst.msk $0xffff, v1  }
0x37: {  	s15 =	sshra.s32 s19, $0x2;
	v1 =	vld [tilespmem:s18+$0xFFFFFFE0]  }
0x38: {  	s15 =	sadd.s32 s15, s16  }
0x39: {  	s18 =	sadd.s32 $0x40, s18;
	[tilespmem:s15+$0x1830 ss:$0x81] =	vst.msk $0xffff, v3  }
.Ltmp4:
0x3a: {  	_ = 	snop;
	(pc) =	sbr.rel .LBB1_4-.Ltmp4, $1  }
0x3b: {  	_ =	sdelay $0x3  }
.LBB1_6:
0x3c: {  	_ =	sfence.sel $0x180000  }
0x3d: {  	s2 =	simm.s32 $0x1;
	[bflag:$0x0] =	sbarrier.arrive $0xFFFF  }
0x3e: {  	s31 =	simm.s32 $0x2;
	[sflag:s2] =	ssyncpa.u1 $0x1  }
0x3f: {  	[sflag:s31] =	ssyncpa.u1 $0x1  }
0x40: {  	p0 =	sne.s32 s0, $0x0;
	_ =	strace $0x9000004A  }
0x41: {  	s0 =	sadd.s32 @!p0 $0x100000, s1;
	[bflag:$0x2] =	sbarrier.arrive $0xFFFF  }
0x42: {  	[sflag:s0] =	ssyncadd.tile.s32 @!p0 $0x1;
	_ =	shalt  }
.Lfunc_end1:
_tile_overlayer_lowered:
.L_overlay_start_2:
0x43: {  	(tag) =	ssettag $0x2  }
0x44: {  	s0 =	rddreg [dreg:$0x0];
	s2 =	stileid.u32  }
0x45: {  	s1 =	rddreg [dreg:$0x1];
	p0 =	sne.s32 s2, $0x0  }
0x46: {  	s3 =	rddreg [dreg:$0x2];
	[bflag:$0x3] =	sbarrier.arrive $0xFFFF;
	s2 =	simm.s32 @!p0 $0x1C01  }
0x47: {  	[timem:s3], [sflag:s2] =	dma.local @!p0 [hbm:s0], s1  }
0x48: {  	s0 =	simm.s32 @!p0 $0x1  }
0x49: {  	_ =	swait.ge @!p0 [sflag:s0], s1  }
0x4a: {  	s1 =	ssub.s32 @!p0 $0x0, s1;
	[sflag:s0] =	ssyncset.done @!p0 $0x0  }
0x4b: {  	[sflag:s0] =	ssyncadd.s32 @!p0 s1  }
0x4c: {  	[bflag:$0x3] =	sbarrier.arrive $0xFFFF  }
0x4d: {  	_ =	shalt  }

</sc_bundles>
